<compile_context>
chip_gen: v7x
topology: tpu7x:2x2x1
jax: 0.10.2.dev20260603
libtpu: 0.0.44.dev20260713+nightly
codegen_flags: <defaults>
</compile_context>

<pallas_src>
import functools

import jax
import jax.numpy as jnp
from jax import lax
from jax.experimental import pallas as pl
from jax.experimental.pallas import tpu as pltpu
from jax.experimental.pallas import tpu_sc as plsc

B, N, V = 8, 512, 8192
T = 4
NG = T * B
NC, NS, L = 2, 16, 16

BIGF = 1e30
CAP_SLABS = 230
CAP_WORDS = CAP_SLABS * 512
OVER_SLAB = CAP_SLABS - 1
OVER_OFF = OVER_SLAB * 512



_BV = 1024
_NVB = V // _BV


def _lse_body(logits_ref, maskT_ref, sum_ref, cnt_ref, m_ref, s_ref):
    bstep = pl.program_id(0)
    vstep = pl.program_id(1)

    @pl.when(vstep == 0)
    def _():
        m_ref[...] = jnp.full((N, 1), -BIGF, jnp.float32)
        s_ref[...] = jnp.zeros((N, 1), jnp.float32)

    blk = logits_ref[0]
    m_old = m_ref[...]
    m_new = jnp.maximum(m_old, jnp.max(blk, axis=1, keepdims=True))
    s_ref[...] = (s_ref[...] * jnp.exp(m_old - m_new)
                  + jnp.sum(jnp.exp(blk - m_new), axis=1, keepdims=True))
    m_ref[...] = m_new

    @pl.when((vstep == 0) & (bstep == 0))
    def _():
        sum_ref[...] = jnp.zeros((B, 128), jnp.float32)
        cnt_ref[...] = jnp.zeros((B, 128), jnp.float32)

    @pl.when(vstep == _NVB - 1)
    def _():
        lse = m_ref[...] + jnp.log(s_ref[...])
        onehot = (lax.broadcasted_iota(jnp.int32, (N, B), 1) == bstep)
        mk = jnp.sum(jnp.where(onehot, maskT_ref[...], 0.0),
                     axis=1, keepdims=True)
        rowsel = lax.broadcasted_iota(jnp.int32, (B, 128), 0) == bstep
        sum_ref[...] = jnp.where(rowsel, jnp.sum(lse * mk), sum_ref[...])
        cnt_ref[...] = jnp.where(rowsel, jnp.sum(mk), cnt_ref[...])


def _masked_lse(logits, mask_f):
    maskT = mask_f.T.reshape(N, B)
    sums, cnts = pl.pallas_call(
        _lse_body,
        grid=(B, _NVB),
        in_specs=[
            pl.BlockSpec((1, N, _BV), lambda b, v: (b, 0, v)),
            pl.BlockSpec((N, B), lambda b, v: (0, 0)),
        ],
        out_specs=[
            pl.BlockSpec((B, 128), lambda b, v: (0, 0)),
            pl.BlockSpec((B, 128), lambda b, v: (0, 0)),
        ],
        out_shape=[
            jax.ShapeDtypeStruct((B, 128), jnp.float32),
            jax.ShapeDtypeStruct((B, 128), jnp.float32),
        ],
        scratch_shapes=[
            pltpu.VMEM((N, 1), jnp.float32),
            pltpu.VMEM((N, 1), jnp.float32),
        ],
    )(logits, maskT)
    return jnp.sum(sums[:, 0]), jnp.sum(cnts[:, 0])



def _iota16():
    return lax.iota(jnp.int32, L)


def _scalar(x):
    return jnp.max(x)


def _vread(ref, i):
    return jnp.max(plsc.load_gather(ref, [jnp.full((L,), i, jnp.int32)]))


def _vwrite(ref, i, val):
    plsc.store_scatter(
        ref,
        [jnp.full((L,), i, jnp.int32)],
        jnp.full((L,), val, ref.dtype),
        mask=_iota16() == 0,
    )


def _sc_body(logits_hbm, gt_hbm, types_hbm, mask_hbm, out_hbm,
             gt_v, types_v, mask_v, pos_v, gts_v, base_v,
             cost_v, u_v, v_v, minv_v, validf_v, way_v, used_v, pcol_v,
             colmin_v, idx_v, out_v, sem):
    wid = lax.axis_index("s") * NC + lax.axis_index("c")
    t = wid // B
    b = wid % B

    pltpu.sync_copy(gt_hbm.at[b], gt_v)
    pltpu.sync_copy(types_hbm.at[b], types_v)
    pltpu.sync_copy(mask_hbm.at[b], mask_v)

    def comp_chunk(c, kcur):
        off = pl.multiple_of(c * L, L)
        tv = types_v[pl.ds(off, L)]
        mv = mask_v[pl.ds(off, L)]
        gv = gt_v[pl.ds(off, L)]
        sel = (tv == t) & (mv != 0)
        cs = plsc.cumsum(sel.astype(jnp.int32))
        dest = kcur + cs - 1
        posv = off + _iota16()
        plsc.store_scatter(pos_v, [dest], posv, mask=sel)
        plsc.store_scatter(gts_v, [dest], gv, mask=sel)
        return kcur + jnp.max(cs)

    k = lax.fori_loop(0, N // L, comp_chunk, jnp.int32(0))
    nv = (k + L - 1) // L
    ks = nv * L
    rows_cached = jnp.minimum(k, OVER_OFF // jnp.maximum(ks, 1))
    m2 = (rows_cached * ks + 511) // 512

    out_v[...] = jnp.zeros((L,), jnp.float32)

    def _chunk_ld(w):
        return cost_v[pl.ds(pl.multiple_of(w, L), L)]

    def _sub_idx(i, c):
        base = _vread(base_v, jnp.minimum(i, k - 1))
        j0 = pl.multiple_of(c * L, L)
        g = gts_v[pl.ds(j0, L)]
        g = jnp.where(j0 + _iota16() < k, g, 0)
        return base + g

    def gather_slab(m):
        def bsub(sl, _):
            sg = m * 32 + sl
            q = sg // nv
            c = sg - q * nv
            idx_v[pl.ds(pl.multiple_of(sl * L, L), L)] = _sub_idx(q, c)
            return 0

        lax.fori_loop(0, 32, bsub, 0)
        dst = cost_v.at[pl.ds(pl.multiple_of(m * 512, 512), 512)]
        pltpu.async_copy(logits_hbm.at[idx_v], dst, sem).wait()

    def gather_row_over(i0):
        def bsub(sl, _):
            c = jnp.minimum(sl, nv - 1)
            idx_v[pl.ds(pl.multiple_of(sl * L, L), L)] = _sub_idx(i0, c)
            return 0

        lax.fori_loop(0, 32, bsub, 0)
        dst = cost_v.at[pl.ds(OVER_OFF, 512)]
        pltpu.async_copy(logits_hbm.at[idx_v], dst, sem).wait()

    @pl.when(k > 0)
    def _solve():
        def baseb(c, _):
            off = pl.multiple_of(c * L, L)
            base_v[pl.ds(off, L)] = (b * N + pos_v[pl.ds(off, L)]) * V
            return 0

        lax.fori_loop(0, nv, baseb, 0)

        def g_loop(m, _):
            gather_slab(m)
            return 0

        with jax.named_scope("jv_gather"):
            lax.fori_loop(0, m2, g_loop, 0)

        def init_cr(c, _):
            off = pl.multiple_of(c * L, L)
            colmin_v[pl.ds(off, L)] = jnp.full((L,), BIGF, jnp.float32)
            return 0

        lax.fori_loop(0, nv, init_cr, 0)

        def cr_row(i0, _):
            ro = i0 * ks

            def cr_chunk(c, _):
                off = pl.multiple_of(c * L, L)
                cu = -_chunk_ld(ro + off)
                cm = colmin_v[pl.ds(off, L)]
                colmin_v[pl.ds(off, L)] = jnp.where(cu < cm, cu, cm)
                return 0

            lax.fori_loop(0, nv, cr_chunk, 0)
            return 0

        with jax.named_scope("jv_colred"):
            lax.fori_loop(0, rows_cached, cr_row, 0)

        def cr_tail(i0, _):
            gather_row_over(i0)

            def cr_chunk(c, _):
                off = pl.multiple_of(c * L, L)
                cu = -_chunk_ld(OVER_OFF + off)
                cm = colmin_v[pl.ds(off, L)]
                colmin_v[pl.ds(off, L)] = jnp.where(cu < cm, cu, cm)
                return 0

            lax.fori_loop(0, nv, cr_chunk, 0)
            return 0

        lax.fori_loop(rows_cached, k, cr_tail, 0)

        def init_uv(c, _):
            off = pl.multiple_of(c * L, L)
            z = jnp.zeros((L,), jnp.float32)
            u_v[pl.ds(off, L)] = z
            valid = jnp.where(off + _iota16() < k, 1.0, 0.0).astype(jnp.float32)
            validf_v[pl.ds(off, L)] = valid
            v_v[pl.ds(off, L)] = jnp.where(valid > 0.5,
                                           colmin_v[pl.ds(off, L)], 0.0)
            pcol_v[pl.ds(off, L)] = jnp.full((L,), -1, jnp.int32)
            return 0

        lax.fori_loop(0, nv, init_uv, 0)

        def _pick(bv, bc):
            delta = jnp.min(bv)
            lane = _scalar(plsc.all_reduce_ffs(bv <= delta))
            ch = jnp.sum(jnp.where(_iota16() == lane, bc, 0))
            return ch * L + lane, delta

        def phase(r, _):
            lax.cond(r < rows_cached, lambda: None,
                     lambda: gather_row_over(r))
            rro = jnp.where(r < rows_cached, r * ks, OVER_OFF)
            ubr = _vread(u_v, r)

            def dinit(c, carry2):
                bv, bc = carry2
                off = pl.multiple_of(c * L, L)
                dn = -_chunk_ld(rro + off) - ubr - v_v[pl.ds(off, L)]
                minv_v[pl.ds(off, L)] = dn
                way_v[pl.ds(off, L)] = jnp.full((L,), -1, jnp.int32)
                used_v[pl.ds(off, L)] = jnp.zeros((L,), jnp.float32)
                masked = jnp.where(validf_v[pl.ds(off, L)] > 0.5, dn, BIGF)
                cmp = masked < bv
                return (jnp.where(cmp, masked, bv), jnp.where(cmp, c, bc))

            bv0, bc0 = lax.fori_loop(
                0, nv, dinit,
                (jnp.full((L,), BIGF, jnp.float32), jnp.zeros((L,), jnp.int32)))
            j1, delta = _pick(bv0, bc0)
            _vwrite(used_v, j1, 1.0)
            i00 = _vread(pcol_v, j1)

            def body(carry):
                j1c, deltac, i0 = carry
                lax.cond(i0 < rows_cached, lambda: None,
                         lambda: gather_row_over(i0))
                ro = jnp.where(i0 < rows_cached, i0 * ks, OVER_OFF)
                ubi = _vread(u_v, i0)

                def fchunk(c, carry2):
                    bv, bc = carry2
                    off = pl.multiple_of(c * L, L)
                    usedc = used_v[pl.ds(off, L)]
                    dv = minv_v[pl.ds(off, L)]
                    alt = deltac + (-_chunk_ld(ro + off) - ubi
                                    - v_v[pl.ds(off, L)])
                    unused = usedc < 0.5
                    upd = unused & (alt < dv)
                    dn = jnp.where(upd, alt, dv)
                    minv_v[pl.ds(off, L)] = dn
                    wc = way_v[pl.ds(off, L)]
                    way_v[pl.ds(off, L)] = jnp.where(upd, j1c, wc)
                    masked = jnp.where(
                        unused & (validf_v[pl.ds(off, L)] > 0.5), dn, BIGF)
                    cmp = masked < bv
                    return (jnp.where(cmp, masked, bv),
                            jnp.where(cmp, c, bc))

                bv2, bc2 = lax.fori_loop(
                    0, nv, fchunk,
                    (jnp.full((L,), BIGF, jnp.float32),
                     jnp.zeros((L,), jnp.int32)))
                j1n, deltan = _pick(bv2, bc2)
                _vwrite(used_v, j1n, 1.0)
                i0n = _vread(pcol_v, j1n)
                return (j1n, deltan, i0n)

            j1f, deltaf, _ = lax.while_loop(lambda c: c[2] >= 0, body,
                                            (j1, delta, i00))

            def dual_chunk(c, _):
                off = pl.multiple_of(c * L, L)
                usedc = used_v[pl.ds(off, L)]
                selb = (usedc > 0.5) & ((off + _iota16()) != j1f)
                dd = deltaf - minv_v[pl.ds(off, L)]
                v_v[pl.ds(off, L)] = (v_v[pl.ds(off, L)]
                                      - jnp.where(selb, dd, 0.0))
                pc = pcol_v[pl.ds(off, L)]
                plsc.addupdate_scatter(u_v, [pc], dd, mask=selb)
                return 0

            lax.fori_loop(0, nv, dual_chunk, 0)
            plsc.addupdate_scatter(u_v, [jnp.full((L,), r, jnp.int32)],
                                   jnp.full((L,), deltaf, jnp.float32),
                                   mask=_iota16() == 0)

            def aug_body(carry):
                j, _go = carry
                prev = _vread(way_v, j)
                pv = _vread(pcol_v, jnp.maximum(prev, 0))
                _vwrite(pcol_v, j,
                        jnp.where(prev >= 0, pv, r.astype(jnp.int32)))
                return (jnp.maximum(prev, 0), (prev >= 0).astype(jnp.int32))

            lax.while_loop(lambda c: c[1] != 0, aug_body, (j1f, jnp.int32(1)))
            return 0

        with jax.named_scope("jv_phases"):
            lax.fori_loop(0, k, phase, 0)

        def sum_chunk(c, acc):
            off = pl.multiple_of(c * L, L)
            return acc + jnp.sum(u_v[pl.ds(off, L)]) + jnp.sum(v_v[pl.ds(off, L)])

        val = lax.fori_loop(0, nv, sum_chunk, jnp.float32(0.0))
        out_v[...] = jnp.full((L,), val, jnp.float32)

    pltpu.sync_copy(out_v, out_hbm.at[wid])


def _sc_matching(logits_flat, gt, types, mask_i):
    mesh = plsc.VectorSubcoreMesh(core_axis_name="c", subcore_axis_name="s")
    f = pl.kernel(
        _sc_body,
        out_type=jax.ShapeDtypeStruct((NG, L), jnp.float32),
        mesh=mesh,
        compiler_params=pltpu.CompilerParams(needs_layout_passes=False),
        scratch_types=[
            pltpu.VMEM((N,), jnp.int32),
            pltpu.VMEM((N,), jnp.int32),
            pltpu.VMEM((N,), jnp.int32),
            pltpu.VMEM((N,), jnp.int32),
            pltpu.VMEM((N,), jnp.int32),
            pltpu.VMEM((N,), jnp.int32),
            pltpu.VMEM((CAP_WORDS,), jnp.float32),
            pltpu.VMEM((N,), jnp.float32),
            pltpu.VMEM((N,), jnp.float32),
            pltpu.VMEM((N,), jnp.float32),
            pltpu.VMEM((N,), jnp.float32),
            pltpu.VMEM((N,), jnp.int32),
            pltpu.VMEM((N,), jnp.float32),
            pltpu.VMEM((N,), jnp.int32),
            pltpu.VMEM((N,), jnp.float32),
            pltpu.VMEM((512,), jnp.int32),
            pltpu.VMEM((L,), jnp.float32),
            pltpu.SemaphoreType.DMA,
        ],
    )
    return f(logits_flat, gt, types, mask_i)


def kernel(logits, gt_tokens, node_types, mask_positions):
    logits = logits.astype(jnp.float32)
    gt = gt_tokens.astype(jnp.int32)
    types = node_types.astype(jnp.int32)
    mask_i = mask_positions.astype(jnp.int32)

    lse_sum, cnt = _masked_lse(logits, mask_positions.astype(jnp.float32))
    duals = _sc_matching(logits.reshape(-1), gt, types, mask_i)
    dual_sum = jnp.sum(duals[:, 0])
    loss = (lse_sum + dual_sum) / cnt
    return jnp.where(cnt > 0, loss, jnp.zeros((), jnp.float32))

# --- scband reference (transcript-rebuilt; emitter-appended) ---
"""Pipeline reference for scband-type-wise-hungarian-loss-88888643158447 (READ-ONLY COPY).

The authoritative reference and input builder live on the scoring server;
editing this copy changes nothing except your own understanding.
"""

import jax, jax.numpy as jnp
import numpy as np


def _hungarian(cost):
    # Min-cost perfect matching on a square cost matrix (Jonker-Volgenant / e-maxx
    # Hungarian with potentials, inner loops vectorized with numpy).
    n = cost.shape[0]
    INF = np.inf
    u = np.zeros(n + 1)
    v = np.zeros(n + 1)
    p = np.zeros(n + 1, dtype=np.int64)
    way = np.zeros(n + 1, dtype=np.int64)
    for i in range(1, n + 1):
        p[0] = i
        j0 = 0
        minv = np.full(n + 1, INF)
        used = np.zeros(n + 1, dtype=bool)
        while True:
            used[j0] = True
            i0 = p[j0]
            cur = cost[i0 - 1, :] - u[i0] - v[1:]
            unused = ~used[1:]
            better = unused & (cur < minv[1:])
            minv[1:][better] = cur[better]
            way[1:][better] = j0
            masked = np.where(unused, minv[1:], INF)
            j1 = int(np.argmin(masked)) + 1
            delta = masked[j1 - 1]
            used_idx = np.nonzero(used)[0]
            u[p[used_idx]] += delta
            v[used_idx] -= delta
            minv[1:][unused] -= delta
            j0 = j1
            if p[j0] == 0:
                break
        while j0 != 0:
            j1 = way[j0]
            p[j0] = p[j1]
            j0 = j1
    rows = p[1:] - 1
    cols = np.arange(n)
    order = np.argsort(rows)
    return rows[order], cols[order]


def _matching(logits_np, gt_np, types_np, mask_np):
    # Detached matching step (mirrors cost_matrix.detach().cpu().numpy() + scipy
    # linear_sum_assignment in the torch module). Returns flat index triplets
    # (batch, position, target_token) of the matched pairs plus the masked count.
    B, N, V = logits_np.shape
    m = logits_np.max(axis=-1, keepdims=True)
    lp = logits_np - (m + np.log(np.exp(logits_np - m).sum(axis=-1, keepdims=True)))
    Bi, Ni, Ti = [], [], []
    total = 0
    for t in np.unique(types_np):
        for b in range(B):
            pos = np.nonzero((types_np[b] == t) & mask_np[b])[0]
            k = int(pos.shape[0])
            if k == 0:
                continue
            total += k
            sub = lp[b][pos]
            gts = gt_np[b][pos]
            cost = -sub[:, gts]
            if k == 1:
                r = np.array([0], dtype=np.int64)
                c = np.array([0], dtype=np.int64)
            else:
                r, c = _hungarian(cost)
            Bi.append(np.full(k, b, dtype=np.int64))
            Ni.append(pos[r].astype(np.int64))
            Ti.append(gts[c].astype(np.int64))
    if total == 0:
        return (np.zeros(0, np.int64), np.zeros(0, np.int64), np.zeros(0, np.int64), 0)
    return np.concatenate(Bi), np.concatenate(Ni), np.concatenate(Ti), total


def _hungarian_fixed(cost):
    # Traceable Jonker-Volgenant Hungarian with potentials on a fixed (n, n)
    # cost matrix. Returns p, where p[j] (1-based columns) is the 1-based row
    # matched to column j.
    n = cost.shape[0]
    INF = jnp.array(jnp.inf, cost.dtype)

    def row(i, state):
        u, v, p = state
        i = i.astype(jnp.int32)
        p = p.at[0].set(i)
        minv = jnp.full(n + 1, INF, cost.dtype)
        way = jnp.zeros(n + 1, jnp.int32)
        used = jnp.zeros(n + 1, bool)
        j0 = jnp.int32(0)

        def cond(c):
            j0c, uc, vc, pc, minvc, wayc, usedc = c
            return pc[j0c] != 0

        def body(c):
            j0c, uc, vc, pc, minvc, wayc, usedc = c
            usedc = usedc.at[j0c].set(True)
            i0 = pc[j0c]
            cur = cost[i0 - 1, :] - uc[i0] - vc[1:]
            unused = jnp.logical_not(usedc[1:])
            better = unused & (cur < minvc[1:])
            minvc = minvc.at[1:].set(jnp.where(better, cur, minvc[1:]))
            wayc = wayc.at[1:].set(jnp.where(better, j0c, wayc[1:]))
            masked = jnp.where(unused, minvc[1:], INF)
            j1 = jnp.argmin(masked).astype(jnp.int32) + 1
            delta = masked[j1 - 1]
            uc = uc.at[pc].add(jnp.where(usedc, delta, jnp.zeros((), cost.dtype)))
            vc = jnp.where(usedc, vc - delta, vc)
            minvc = minvc.at[1:].set(jnp.where(unused, minvc[1:] - delta, minvc[1:]))
            return (j1, uc, vc, pc, minvc, wayc, usedc)

        j0, u, v, p, minv, way, used = jax.lax.while_loop(
            cond, body, (j0, u, v, p, minv, way, used)
        )

        def cond2(c):
            j0c, pc = c
            return j0c != 0

        def body2(c):
            j0c, pc = c
            j1 = way[j0c]
            pc = pc.at[j0c].set(pc[j1])
            return (j1, pc)

        _, p = jax.lax.while_loop(cond2, body2, (j0, p))
        return (u, v, p)

    u0 = jnp.zeros(n + 1, cost.dtype)
    v0 = jnp.zeros(n + 1, cost.dtype)
    p0 = jnp.zeros(n + 1, jnp.int32)
    _, _, p = jax.lax.fori_loop(1, n + 1, row, (u0, v0, p0))
    return p


def setup_inputs(seed: int = 0):
    key = jax.random.key(seed)
    k1, k2, k3, k4 = jax.random.split(key, 4)
    B, N, V = 8, 512, 8192
    logits = jax.random.normal(k1, (B, N, V), dtype=jnp.float32)
    gt_tokens = jax.random.randint(k2, (B, N), 0, V)
    node_types = jax.random.randint(k3, (B, N), 0, 4)
    mask_positions = jax.random.randint(k4, (B, N), 0, 2).astype(bool)
    return {"logits": logits, "gt_tokens": gt_tokens, "node_types": node_types, "mask_positions": mask_positions}


def reference(logits, gt_tokens, node_types, mask_positions):
    B, N, V = logits.shape
    T = 4  # static type-value count (setup_inputs draws node_types from [0, 4))
    lp = jax.nn.log_softmax(logits, axis=-1)
    types = jnp.arange(T)
    sel = (node_types[None, :, :] == types[:, None, None]) & mask_positions[None, :, :]
    sel_flat = sel.reshape(T * B, N)
    b_idx = jnp.tile(jnp.arange(B), T)
    BIG = jnp.float32(1e6)

    def solve(sel_row, b):
        k = jnp.sum(sel_row)
        pos = jnp.argsort(jnp.logical_not(sel_row))  # stable: selected first, ascending
        gts = gt_tokens[b][pos]
        cost_real = -lp[b][pos[:, None], gts[None, :]]
        valid = jnp.arange(N) < k
        both = valid[:, None] & valid[None, :]
        either = valid[:, None] | valid[None, :]
        cost = jnp.where(both, cost_real, jnp.where(either, BIG, jnp.float32(0.0)))
        p = _hungarian_fixed(cost)
        rows = p[1:] - 1
        vals = lp[b, pos[rows], gts]
        return jnp.where(valid, vals, jnp.float32(0.0))

    contribs = jax.vmap(solve)(sel_flat, b_idx)
    total = jnp.sum(sel)
    loss = -jnp.sum(contribs) / total
    return jnp.where(total > 0, loss, jnp.zeros(()))

if __name__ == "__main__":
    import jax
    _d = setup_inputs()
    print(jax.jit(kernel)(*tuple(_d.values())))

</pallas_src>

<mosaic_0001>
#map = affine_map<(d0, d1) -> (0)>
#map1 = affine_map<(d0, d1) -> (0, 0)>
module attributes {stable_mosaic.version = 14 : i64} {
  func.func @_sc_body(%arg0: i32, %arg1: i32, %arg2: memref<33554432xf32, #tpu.memory_space<hbm>>, %arg3: memref<8x512xi32, #tpu.memory_space<hbm>>, %arg4: memref<8x512xi32, #tpu.memory_space<hbm>>, %arg5: memref<8x512xi32, #tpu.memory_space<hbm>>, %arg6: memref<32x16xf32, #tpu.memory_space<hbm>>, %arg7: memref<512xi32, #tpu.memory_space<vmem>>, %arg8: memref<512xi32, #tpu.memory_space<vmem>>, %arg9: memref<512xi32, #tpu.memory_space<vmem>>, %arg10: memref<512xi32, #tpu.memory_space<vmem>>, %arg11: memref<512xi32, #tpu.memory_space<vmem>>, %arg12: memref<512xi32, #tpu.memory_space<vmem>>, %arg13: memref<117760xf32, #tpu.memory_space<vmem>>, %arg14: memref<512xf32, #tpu.memory_space<vmem>>, %arg15: memref<512xf32, #tpu.memory_space<vmem>>, %arg16: memref<512xf32, #tpu.memory_space<vmem>>, %arg17: memref<512xf32, #tpu.memory_space<vmem>>, %arg18: memref<512xi32, #tpu.memory_space<vmem>>, %arg19: memref<512xf32, #tpu.memory_space<vmem>>, %arg20: memref<512xi32, #tpu.memory_space<vmem>>, %arg21: memref<512xf32, #tpu.memory_space<vmem>>, %arg22: memref<512xi32, #tpu.memory_space<vmem>>, %arg23: memref<16xf32, #tpu.memory_space<vmem>>, %arg24: memref<!tpu.dma_semaphore, #tpu.memory_space<semaphore_mem>>) attributes {dimension_semantics = [#tpu.dimension_semantics<core_parallel>, #tpu.dimension_semantics<subcore_parallel>], iteration_bounds = array<i64: 2, 16>, scalar_prefetch = 0 : i64, scratch_operands = 18 : i64, tpu.core_type = #tpu.core_type<sc_vector_subcore>, window_params = [{transform_indices = #map}, {transform_indices = #map1}, {transform_indices = #map1}, {transform_indices = #map1}, {transform_indices = #map1}]} {
    %mul3A = arith.constant 2 : i32
    %mul3A_0 = arith.muli %arg1, %mul3A : i32
    %add3A = arith.addi %mul3A_0, %arg0 : i32
    %jit3A = arith.constant 8 : i32
    %div3A = arith.divsi %add3A, %jit3A : i32
    %sign3A = arith.constant 0 : i32
    %sign3A_1 = arith.cmpi sgt, %add3A, %sign3A : i32
    %sign3A_2 = arith.extui %sign3A_1 : i1 to i32
    %sign3A_3 = arith.constant 0 : i32
    %sign3A_4 = arith.cmpi slt, %add3A, %sign3A_3 : i32
    %sign3A_5 = arith.extui %sign3A_4 : i1 to i32
    %sign3A_6 = arith.subi %sign3A_2, %sign3A_5 : i32
    %sign3A_7 = arith.constant 0 : i32
    %sign3A_8 = arith.cmpi sgt, %jit3A, %sign3A_7 : i32
    %sign3A_9 = arith.extui %sign3A_8 : i1 to i32
    %sign3A_10 = arith.constant 0 : i32
    %sign3A_11 = arith.cmpi slt, %jit3A, %sign3A_10 : i32
    %sign3A_12 = arith.extui %sign3A_11 : i1 to i32
    %sign3A_13 = arith.subi %sign3A_9, %sign3A_12 : i32
    %ne3A = arith.cmpi ne, %sign3A_6, %sign3A_13 : i32
    %rem3A = arith.remsi %add3A, %jit3A : i32
    %ne3A_14 = arith.constant 0 : i32
    %ne3A_15 = arith.cmpi ne, %rem3A, %ne3A_14 : i32
    %and3A = arith.andi %ne3A, %ne3A_15 : i1
    %sub3A = arith.constant 1 : i32
    %sub3A_16 = arith.subi %div3A, %sub3A : i32
    %select_n3A = arith.select %and3A, %sub3A_16, %div3A : i32
    %jit3A_17 = arith.constant 8 : i32
    %eq3A = arith.constant 0 : i32
    %eq3A_18 = arith.cmpi eq, %jit3A_17, %eq3A : i32
    %jit3A_19 = arith.constant 1 : i32
    %select_n3A_20 = arith.select %eq3A_18, %jit3A_19, %jit3A_17 : i32
    %rem3A_21 = arith.remsi %add3A, %select_n3A_20 : i32
    %ne3A_22 = arith.constant 0 : i32
    %ne3A_23 = arith.cmpi ne, %rem3A_21, %ne3A_22 : i32
    %lt3A = arith.constant 0 : i32
    %lt3A_24 = arith.cmpi slt, %rem3A_21, %lt3A : i32
    %lt3A_25 = arith.constant 0 : i32
    %lt3A_26 = arith.cmpi slt, %select_n3A_20, %lt3A_25 : i32
    %ne3A_27 = arith.xori %lt3A_24, %lt3A_26 : i1
    %and3A_28 = arith.andi %ne3A_27, %ne3A_23 : i1
    %add3A_29 = arith.addi %rem3A_21, %select_n3A_20 : i32
    %select_n3A_30 = arith.select %and3A_28, %add3A_29, %rem3A_21 : i32
    "tpu.region"() ({
      %run_scoped3A = tpu.sem_alloc : memref<!tpu.dma_semaphore, #tpu.memory_space<semaphore_mem>>
      %dma_start3A = arith.constant 0 : i32
      %dma_start3A_123 = tpu.memref_slice %arg3[%select_n3A_30, %dma_start3A] : memref<8x512xi32, #tpu.memory_space<hbm>> -> memref<1x512xi32, #tpu.memory_space<hbm>>
      %dma_start3A_124 = tpu.memref_squeeze %dma_start3A_123 : memref<1x512xi32, #tpu.memory_space<hbm>> -> memref<512xi32, #tpu.memory_space<hbm>>
      %dma_start3A_125 = arith.constant 0 : i32
      %dma_start3A_126 = tpu.memref_slice %arg3[%select_n3A_30, %dma_start3A_125] : memref<8x512xi32, #tpu.memory_space<hbm>> -> memref<1x512xi32, #tpu.memory_space<hbm>>
      %dma_start3A_127 = tpu.memref_squeeze %dma_start3A_126 : memref<1x512xi32, #tpu.memory_space<hbm>> -> memref<512xi32, #tpu.memory_space<hbm>>
      tpu.enqueue_dma source(%dma_start3A_127 : memref<512xi32, #tpu.memory_space<hbm>>) target(%arg7 : memref<512xi32, #tpu.memory_space<vmem>>) target_semaphore(%run_scoped3A : memref<!tpu.dma_semaphore, #tpu.memory_space<semaphore_mem>>)
      %dma_wait3A = arith.constant 0 : i32
      %dma_wait3A_128 = tpu.memref_slice %arg3[%select_n3A_30, %dma_wait3A] : memref<8x512xi32, #tpu.memory_space<hbm>> -> memref<1x512xi32, #tpu.memory_space<hbm>>
      %dma_wait3A_129 = tpu.memref_squeeze %dma_wait3A_128 : memref<1x512xi32, #tpu.memory_space<hbm>> -> memref<512xi32, #tpu.memory_space<hbm>>
      %dma_wait3A_130 = arith.constant 0 : i32
      %dma_wait3A_131 = tpu.memref_slice %arg3[%select_n3A_30, %dma_wait3A_130] : memref<8x512xi32, #tpu.memory_space<hbm>> -> memref<1x512xi32, #tpu.memory_space<hbm>>
      %dma_wait3A_132 = tpu.memref_squeeze %dma_wait3A_131 : memref<1x512xi32, #tpu.memory_space<hbm>> -> memref<512xi32, #tpu.memory_space<hbm>>
      tpu.wait_dma2 semaphore(%run_scoped3A : memref<!tpu.dma_semaphore, #tpu.memory_space<semaphore_mem>>) src(%dma_wait3A_132 : memref<512xi32, #tpu.memory_space<hbm>>) dst(%arg7 : memref<512xi32, #tpu.memory_space<vmem>>)
      tpu.yield
    }) : () -> ()
    "tpu.region"() ({
      %run_scoped3A = tpu.sem_alloc : memref<!tpu.dma_semaphore, #tpu.memory_space<semaphore_mem>>
      %dma_start3A = arith.constant 0 : i32
      %dma_start3A_123 = tpu.memref_slice %arg4[%select_n3A_30, %dma_start3A] : memref<8x512xi32, #tpu.memory_space<hbm>> -> memref<1x512xi32, #tpu.memory_space<hbm>>
      %dma_start3A_124 = tpu.memref_squeeze %dma_start3A_123 : memref<1x512xi32, #tpu.memory_space<hbm>> -> memref<512xi32, #tpu.memory_space<hbm>>
      %dma_start3A_125 = arith.constant 0 : i32
      %dma_start3A_126 = tpu.memref_slice %arg4[%select_n3A_30, %dma_start3A_125] : memref<8x512xi32, #tpu.memory_space<hbm>> -> memref<1x512xi32, #tpu.memory_space<hbm>>
      %dma_start3A_127 = tpu.memref_squeeze %dma_start3A_126 : memref<1x512xi32, #tpu.memory_space<hbm>> -> memref<512xi32, #tpu.memory_space<hbm>>
      tpu.enqueue_dma source(%dma_start3A_127 : memref<512xi32, #tpu.memory_space<hbm>>) target(%arg8 : memref<512xi32, #tpu.memory_space<vmem>>) target_semaphore(%run_scoped3A : memref<!tpu.dma_semaphore, #tpu.memory_space<semaphore_mem>>)
      %dma_wait3A = arith.constant 0 : i32
      %dma_wait3A_128 = tpu.memref_slice %arg4[%select_n3A_30, %dma_wait3A] : memref<8x512xi32, #tpu.memory_space<hbm>> -> memref<1x512xi32, #tpu.memory_space<hbm>>
      %dma_wait3A_129 = tpu.memref_squeeze %dma_wait3A_128 : memref<1x512xi32, #tpu.memory_space<hbm>> -> memref<512xi32, #tpu.memory_space<hbm>>
      %dma_wait3A_130 = arith.constant 0 : i32
      %dma_wait3A_131 = tpu.memref_slice %arg4[%select_n3A_30, %dma_wait3A_130] : memref<8x512xi32, #tpu.memory_space<hbm>> -> memref<1x512xi32, #tpu.memory_space<hbm>>
      %dma_wait3A_132 = tpu.memref_squeeze %dma_wait3A_131 : memref<1x512xi32, #tpu.memory_space<hbm>> -> memref<512xi32, #tpu.memory_space<hbm>>
      tpu.wait_dma2 semaphore(%run_scoped3A : memref<!tpu.dma_semaphore, #tpu.memory_space<semaphore_mem>>) src(%dma_wait3A_132 : memref<512xi32, #tpu.memory_space<hbm>>) dst(%arg8 : memref<512xi32, #tpu.memory_space<vmem>>)
      tpu.yield
    }) : () -> ()
    "tpu.region"() ({
      %run_scoped3A = tpu.sem_alloc : memref<!tpu.dma_semaphore, #tpu.memory_space<semaphore_mem>>
      %dma_start3A = arith.constant 0 : i32
      %dma_start3A_123 = tpu.memref_slice %arg5[%select_n3A_30, %dma_start3A] : memref<8x512xi32, #tpu.memory_space<hbm>> -> memref<1x512xi32, #tpu.memory_space<hbm>>
      %dma_start3A_124 = tpu.memref_squeeze %dma_start3A_123 : memref<1x512xi32, #tpu.memory_space<hbm>> -> memref<512xi32, #tpu.memory_space<hbm>>
      %dma_start3A_125 = arith.constant 0 : i32
      %dma_start3A_126 = tpu.memref_slice %arg5[%select_n3A_30, %dma_start3A_125] : memref<8x512xi32, #tpu.memory_space<hbm>> -> memref<1x512xi32, #tpu.memory_space<hbm>>
      %dma_start3A_127 = tpu.memref_squeeze %dma_start3A_126 : memref<1x512xi32, #tpu.memory_space<hbm>> -> memref<512xi32, #tpu.memory_space<hbm>>
      tpu.enqueue_dma source(%dma_start3A_127 : memref<512xi32, #tpu.memory_space<hbm>>) target(%arg9 : memref<512xi32, #tpu.memory_space<vmem>>) target_semaphore(%run_scoped3A : memref<!tpu.dma_semaphore, #tpu.memory_space<semaphore_mem>>)
      %dma_wait3A = arith.constant 0 : i32
      %dma_wait3A_128 = tpu.memref_slice %arg5[%select_n3A_30, %dma_wait3A] : memref<8x512xi32, #tpu.memory_space<hbm>> -> memref<1x512xi32, #tpu.memory_space<hbm>>
      %dma_wait3A_129 = tpu.memref_squeeze %dma_wait3A_128 : memref<1x512xi32, #tpu.memory_space<hbm>> -> memref<512xi32, #tpu.memory_space<hbm>>
      %dma_wait3A_130 = arith.constant 0 : i32
      %dma_wait3A_131 = tpu.memref_slice %arg5[%select_n3A_30, %dma_wait3A_130] : memref<8x512xi32, #tpu.memory_space<hbm>> -> memref<1x512xi32, #tpu.memory_space<hbm>>
      %dma_wait3A_132 = tpu.memref_squeeze %dma_wait3A_131 : memref<1x512xi32, #tpu.memory_space<hbm>> -> memref<512xi32, #tpu.memory_space<hbm>>
      tpu.wait_dma2 semaphore(%run_scoped3A : memref<!tpu.dma_semaphore, #tpu.memory_space<semaphore_mem>>) src(%dma_wait3A_132 : memref<512xi32, #tpu.memory_space<hbm>>) dst(%arg9 : memref<512xi32, #tpu.memory_space<vmem>>)
      tpu.yield
    }) : () -> ()
    %scan3A = arith.constant 0 : i32
    %scan3A_31 = arith.constant 0 : i32
    %scan3A_32 = arith.constant 32 : i32
    %scan3A_33 = arith.addi %scan3A_31, %scan3A_32 : i32
    %scan3A_34 = arith.constant 1 : i32
    %scan3A_35 = scf.for %scan3A_123 = %scan3A_31 to %scan3A_33 step %scan3A_34 iter_args(%scan3A_124 = %scan3A) -> (i32)  : i32 {
      %mul3A_125 = arith.constant 16 : i32
      %mul3A_126 = arith.muli %scan3A_123, %mul3A_125 : i32
      %multiple_of3A = tpu.assume_multiple %mul3A_126, 16 : i32
      %get3A = arith.index_cast %multiple_of3A : i32 to index
      %get3A_127 = tpu.vector_load %arg8[%get3A] {strides = array<i32>} : memref<512xi32, #tpu.memory_space<vmem>>, vector<16xi32>,
      %get3A_128 = arith.index_cast %multiple_of3A : i32 to index
      %get3A_129 = tpu.vector_load %arg9[%get3A_128] {strides = array<i32>} : memref<512xi32, #tpu.memory_space<vmem>>, vector<16xi32>,
      %get3A_130 = arith.index_cast %multiple_of3A : i32 to index
      %get3A_131 = tpu.vector_load %arg7[%get3A_130] {strides = array<i32>} : memref<512xi32, #tpu.memory_space<vmem>>, vector<16xi32>,
      %eq3A_132 = vector.broadcast %select_n3A : i32 to vector<16xi32>
      %eq3A_133 = arith.cmpi eq, %get3A_127, %eq3A_132 : vector<16xi32>
      %ne3A_134 = arith.constant 0 : i32
      %ne3A_135 = vector.broadcast %ne3A_134 : i32 to vector<16xi32>
      %ne3A_136 = arith.cmpi ne, %get3A_129, %ne3A_135 : vector<16xi32>
      %and3A_137 = arith.andi %eq3A_133, %ne3A_136 : vector<16xi1>
      %convert_element_type3A_138 = arith.extui %and3A_137 : vector<16xi1> to vector<16xi32>
      %broadcast_in_dim3A_139 = arith.constant true
      %broadcast_in_dim3A_140 = vector.broadcast %broadcast_in_dim3A_139 : i1 to vector<16xi1>
      %masked_cumsum3A = tpu.scan <sum>, %convert_element_type3A_138 masked %broadcast_in_dim3A_140 : vector<16xi32>, vector<16xi1> -> vector<16xi32>
      %add3A_141 = vector.broadcast %scan3A_124 : i32 to vector<16xi32>
      %add3A_142 = arith.addi %add3A_141, %masked_cumsum3A : vector<16xi32>
      %sub3A_143 = arith.constant 1 : i32
      %sub3A_144 = vector.broadcast %sub3A_143 : i32 to vector<16xi32>
      %sub3A_145 = arith.subi %add3A_142, %sub3A_144 : vector<16xi32>
      %iota3A = tpu.iota {dimensions = array<i32: 0>} : vector<16xi32>
      %add3A_146 = vector.broadcast %multiple_of3A : i32 to vector<16xi32>
      %add3A_147 = arith.addi %add3A_146, %iota3A : vector<16xi32>
      tpu.vector_store_idx %arg10[%sub3A_145], %add3A_147 masked %and3A_137 : memref<512xi32, #tpu.memory_space<vmem>>[vector<16xi32>], vector<16xi32>, vector<16xi1>
      tpu.vector_store_idx %arg11[%sub3A_145], %get3A_131 masked %and3A_137 : memref<512xi32, #tpu.memory_space<vmem>>[vector<16xi32>], vector<16xi32>, vector<16xi1>
      %reduce_max3A = arith.constant true
      %reduce_max3A_148 = vector.broadcast %reduce_max3A : i1 to vector<16xi1>
      %reduce_max3A_149 = arith.constant -2147483648 : i32
      %reduce_max3A_150 = vector.broadcast %reduce_max3A_149 : i32 to vector<16xi32>
      %reduce_max3A_151 = arith.xori %masked_cumsum3A, %reduce_max3A_150 : vector<16xi32>
      %reduce_max3A_152 = tpu.scan <max>, %reduce_max3A_151 masked %reduce_max3A_148 : vector<16xi32>, vector<16xi1> -> vector<16xi32>
      %reduce_max3A_153 = arith.xori %reduce_max3A_152, %reduce_max3A_150 : vector<16xi32>
      %reduce_max3A_154 = vector.extract %reduce_max3A_153[15] : i32 from vector<16xi32>
      %add3A_155 = arith.addi %scan3A_124, %reduce_max3A_154 : i32
      scf.yield %add3A_155 : i32
    }
    %scan3A_36 = arith.constant 32 : i32
    %add3A_37 = arith.constant 16 : i32
    %add3A_38 = arith.addi %scan3A_35, %add3A_37 : i32
    %sub3A_39 = arith.constant 1 : i32
    %sub3A_40 = arith.subi %add3A_38, %sub3A_39 : i32
    %jit3A_41 = arith.constant 16 : i32
    %div3A_42 = arith.divsi %sub3A_40, %jit3A_41 : i32
    %sign3A_43 = arith.constant 0 : i32
    %sign3A_44 = arith.cmpi sgt, %sub3A_40, %sign3A_43 : i32
    %sign3A_45 = arith.extui %sign3A_44 : i1 to i32
    %sign3A_46 = arith.constant 0 : i32
    %sign3A_47 = arith.cmpi slt, %sub3A_40, %sign3A_46 : i32
    %sign3A_48 = arith.extui %sign3A_47 : i1 to i32
    %sign3A_49 = arith.subi %sign3A_45, %sign3A_48 : i32
    %sign3A_50 = arith.constant 0 : i32
    %sign3A_51 = arith.cmpi sgt, %jit3A_41, %sign3A_50 : i32
    %sign3A_52 = arith.extui %sign3A_51 : i1 to i32
    %sign3A_53 = arith.constant 0 : i32
    %sign3A_54 = arith.cmpi slt, %jit3A_41, %sign3A_53 : i32
    %sign3A_55 = arith.extui %sign3A_54 : i1 to i32
    %sign3A_56 = arith.subi %sign3A_52, %sign3A_55 : i32
    %ne3A_57 = arith.cmpi ne, %sign3A_49, %sign3A_56 : i32
    %rem3A_58 = arith.remsi %sub3A_40, %jit3A_41 : i32
    %ne3A_59 = arith.constant 0 : i32
    %ne3A_60 = arith.cmpi ne, %rem3A_58, %ne3A_59 : i32
    %and3A_61 = arith.andi %ne3A_57, %ne3A_60 : i1
    %sub3A_62 = arith.constant 1 : i32
    %sub3A_63 = arith.subi %div3A_42, %sub3A_62 : i32
    %select_n3A_64 = arith.select %and3A_61, %sub3A_63, %div3A_42 : i32
    %mul3A_65 = arith.constant 16 : i32
    %mul3A_66 = arith.muli %select_n3A_64, %mul3A_65 : i32
    %max3A = arith.constant 1 : i32
    %max3A_67 = arith.maxsi %mul3A_66, %max3A : i32
    %jit3A_68 = arith.constant 117248 : i32
    %div3A_69 = arith.divsi %jit3A_68, %max3A_67 : i32
    %sign3A_70 = arith.constant 0 : i32
    %sign3A_71 = arith.cmpi sgt, %jit3A_68, %sign3A_70 : i32
    %sign3A_72 = arith.extui %sign3A_71 : i1 to i32
    %sign3A_73 = arith.constant 0 : i32
    %sign3A_74 = arith.cmpi slt, %jit3A_68, %sign3A_73 : i32
    %sign3A_75 = arith.extui %sign3A_74 : i1 to i32
    %sign3A_76 = arith.subi %sign3A_72, %sign3A_75 : i32
    %sign3A_77 = arith.constant 0 : i32
    %sign3A_78 = arith.cmpi sgt, %max3A_67, %sign3A_77 : i32
    %sign3A_79 = arith.extui %sign3A_78 : i1 to i32
    %sign3A_80 = arith.constant 0 : i32
    %sign3A_81 = arith.cmpi slt, %max3A_67, %sign3A_80 : i32
    %sign3A_82 = arith.extui %sign3A_81 : i1 to i32
    %sign3A_83 = arith.subi %sign3A_79, %sign3A_82 : i32
    %ne3A_84 = arith.cmpi ne, %sign3A_76, %sign3A_83 : i32
    %rem3A_85 = arith.remsi %jit3A_68, %max3A_67 : i32
    %ne3A_86 = arith.constant 0 : i32
    %ne3A_87 = arith.cmpi ne, %rem3A_85, %ne3A_86 : i32
    %and3A_88 = arith.andi %ne3A_84, %ne3A_87 : i1
    %sub3A_89 = arith.constant 1 : i32
    %sub3A_90 = arith.subi %div3A_69, %sub3A_89 : i32
    %select_n3A_91 = arith.select %and3A_88, %sub3A_90, %div3A_69 : i32
    %min3A = arith.minsi %scan3A_35, %select_n3A_91 : i32
    %mul3A_92 = arith.muli %min3A, %mul3A_66 : i32
    %add3A_93 = arith.constant 511 : i32
    %add3A_94 = arith.addi %mul3A_92, %add3A_93 : i32
    %jit3A_95 = arith.constant 512 : i32
    %div3A_96 = arith.divsi %add3A_94, %jit3A_95 : i32
    %sign3A_97 = arith.constant 0 : i32
    %sign3A_98 = arith.cmpi sgt, %add3A_94, %sign3A_97 : i32
    %sign3A_99 = arith.extui %sign3A_98 : i1 to i32
    %sign3A_100 = arith.constant 0 : i32
    %sign3A_101 = arith.cmpi slt, %add3A_94, %sign3A_100 : i32
    %sign3A_102 = arith.extui %sign3A_101 : i1 to i32
    %sign3A_103 = arith.subi %sign3A_99, %sign3A_102 : i32
    %sign3A_104 = arith.constant 0 : i32
    %sign3A_105 = arith.cmpi sgt, %jit3A_95, %sign3A_104 : i32
    %sign3A_106 = arith.extui %sign3A_105 : i1 to i32
    %sign3A_107 = arith.constant 0 : i32
    %sign3A_108 = arith.cmpi slt, %jit3A_95, %sign3A_107 : i32
    %sign3A_109 = arith.extui %sign3A_108 : i1 to i32
    %sign3A_110 = arith.subi %sign3A_106, %sign3A_109 : i32
    %ne3A_111 = arith.cmpi ne, %sign3A_103, %sign3A_110 : i32
    %rem3A_112 = arith.remsi %add3A_94, %jit3A_95 : i32
    %ne3A_113 = arith.constant 0 : i32
    %ne3A_114 = arith.cmpi ne, %rem3A_112, %ne3A_113 : i32
    %and3A_115 = arith.andi %ne3A_111, %ne3A_114 : i1
    %sub3A_116 = arith.constant 1 : i32
    %sub3A_117 = arith.subi %div3A_96, %sub3A_116 : i32
    %select_n3A_118 = arith.select %and3A_115, %sub3A_117, %div3A_96 : i32
    %broadcast_in_dim3A = arith.constant 0.000000e+00 : f32
    %broadcast_in_dim3A_119 = vector.broadcast %broadcast_in_dim3A : f32 to vector<16xf32>
    %swap3A = arith.constant 0 : index
    %swap3A_120 = tpu.vector_load %arg23[%swap3A] {strides = array<i32>} : memref<16xf32, #tpu.memory_space<vmem>>, vector<16xf32>,
    tpu.vector_store %arg23[%swap3A], %broadcast_in_dim3A_119 {strides = array<i32>} : memref<16xf32, #tpu.memory_space<vmem>>, vector<16xf32>,
    %gt3A = arith.constant 0 : i32
    %gt3A_121 = arith.cmpi sgt, %scan3A_35, %gt3A : i32
    %convert_element_type3A = arith.extui %gt3A_121 : i1 to i32
    %cond3A = arith.constant 0 : i32
    %cond3A_122 = arith.cmpi ne, %convert_element_type3A, %cond3A : i32
    scf.if %cond3A_122 {
      %while3A = arith.constant 0 : i32
      %while3A_123 = arith.constant 0 : i32
      %while3A_124 = arith.subi %select_n3A_64, %while3A : i32
      %while3A_125 = arith.addi %while3A, %while3A_124 : i32
      %while3A_126 = arith.constant 1 : i32
      %while3A_127 = arith.divsi %while3A_124, %while3A_126 : i32
      %while3A_128 = arith.muli %while3A_127, %while3A_126 : i32
      %while3A_129 = arith.addi %while3A, %while3A_128 : i32
      %while3A_130 = arith.constant 1 : i32
      %while3A_131 = scf.for %while3A_220 = %while3A to %while3A_129 step %while3A_130 iter_args(%while3A_221 = %while3A_123) -> (i32)  : i32 {
        %mul3A_222 = arith.constant 16 : i32
        %mul3A_223 = arith.muli %while3A_220, %mul3A_222 : i32
        %multiple_of3A = tpu.assume_multiple %mul3A_223, 16 : i32
        %mul3A_224 = arith.constant 512 : i32
        %mul3A_225 = arith.muli %select_n3A_30, %mul3A_224 : i32
        %get3A = arith.index_cast %multiple_of3A : i32 to index
        %get3A_226 = tpu.vector_load %arg10[%get3A] {strides = array<i32>} : memref<512xi32, #tpu.memory_space<vmem>>, vector<16xi32>,
        %add3A_227 = vector.broadcast %mul3A_225 : i32 to vector<16xi32>
        %add3A_228 = arith.addi %add3A_227, %get3A_226 : vector<16xi32>
        %mul3A_229 = arith.constant 8192 : i32
        %mul3A_230 = vector.broadcast %mul3A_229 : i32 to vector<16xi32>
        %mul3A_231 = arith.muli %add3A_228, %mul3A_230 : vector<16xi32>
        %swap3A_232 = arith.index_cast %multiple_of3A : i32 to index
        %swap3A_233 = tpu.vector_load %arg12[%swap3A_232] {strides = array<i32>} : memref<512xi32, #tpu.memory_space<vmem>>, vector<16xi32>,
        tpu.vector_store %arg12[%swap3A_232], %mul3A_231 {strides = array<i32>} : memref<512xi32, #tpu.memory_space<vmem>>, vector<16xi32>,
        %while3A_234 = arith.constant 0 : i32
        scf.yield %while3A_234 : i32
      }
      %while3A_132 = arith.constant 1 : i32
      %while3A_133 = scf.for %while3A_220 = %while3A_129 to %while3A_125 step %while3A_132 iter_args(%while3A_221 = %while3A_131) -> (i32)  : i32 {
        %mul3A_222 = arith.constant 16 : i32
        %mul3A_223 = arith.muli %while3A_220, %mul3A_222 : i32
        %multiple_of3A = tpu.assume_multiple %mul3A_223, 16 : i32
        %mul3A_224 = arith.constant 512 : i32
        %mul3A_225 = arith.muli %select_n3A_30, %mul3A_224 : i32
        %get3A = arith.index_cast %multiple_of3A : i32 to index
        %get3A_226 = tpu.vector_load %arg10[%get3A] {strides = array<i32>} : memref<512xi32, #tpu.memory_space<vmem>>, vector<16xi32>,
        %add3A_227 = vector.broadcast %mul3A_225 : i32 to vector<16xi32>
        %add3A_228 = arith.addi %add3A_227, %get3A_226 : vector<16xi32>
        %mul3A_229 = arith.constant 8192 : i32
        %mul3A_230 = vector.broadcast %mul3A_229 : i32 to vector<16xi32>
        %mul3A_231 = arith.muli %add3A_228, %mul3A_230 : vector<16xi32>
        %swap3A_232 = arith.index_cast %multiple_of3A : i32 to index
        %swap3A_233 = tpu.vector_load %arg12[%swap3A_232] {strides = array<i32>} : memref<512xi32, #tpu.memory_space<vmem>>, vector<16xi32>,
        tpu.vector_store %arg12[%swap3A_232], %mul3A_231 {strides = array<i32>} : memref<512xi32, #tpu.memory_space<vmem>>, vector<16xi32>,
        %while3A_234 = arith.constant 0 : i32
        scf.yield %while3A_234 : i32
      }
      %while3A_134 = arith.constant 0 : i32
      %while3A_135 = arith.constant 0 : i32
      "tpu.trace_start"() <{level = 10 : i32, message = "jv_gather"}> : () -> ()
      %while3A_136 = arith.subi %select_n3A_118, %while3A_134 : i32
      %while3A_137 = arith.addi %while3A_134, %while3A_136 : i32
      %while3A_138 = arith.constant 1 : i32
      %while3A_139 = arith.divsi %while3A_136, %while3A_138 : i32
      %while3A_140 = arith.muli %while3A_139, %while3A_138 : i32
      %while3A_141 = arith.addi %while3A_134, %while3A_140 : i32
      %while3A_142 = arith.constant 1 : i32
      %while3A_143 = scf.for %while3A_220 = %while3A_134 to %while3A_141 step %while3A_142 iter_args(%while3A_221 = %while3A_135) -> (i32)  : i32 {
        %scan3A_222 = arith.constant 0 : i32
        %scan3A_223 = arith.constant 0 : i32
        %scan3A_224 = arith.constant 32 : i32
        %scan3A_225 = arith.addi %scan3A_223, %scan3A_224 : i32
        %scan3A_226 = arith.constant 1 : i32
        %scan3A_227 = scf.for %scan3A_236 = %scan3A_223 to %scan3A_225 step %scan3A_226 iter_args(%scan3A_237 = %scan3A_222) -> (i32)  : i32 {
          %mul3A_238 = arith.constant 32 : i32
          %mul3A_239 = arith.muli %while3A_220, %mul3A_238 : i32
          %add3A_240 = arith.addi %mul3A_239, %scan3A_236 : i32
          %div3A_241 = arith.divsi %add3A_240, %select_n3A_64 : i32
          %sign3A_242 = arith.constant 0 : i32
          %sign3A_243 = arith.cmpi sgt, %add3A_240, %sign3A_242 : i32
          %sign3A_244 = arith.extui %sign3A_243 : i1 to i32
          %sign3A_245 = arith.constant 0 : i32
          %sign3A_246 = arith.cmpi slt, %add3A_240, %sign3A_245 : i32
          %sign3A_247 = arith.extui %sign3A_246 : i1 to i32
          %sign3A_248 = arith.subi %sign3A_244, %sign3A_247 : i32
          %sign3A_249 = arith.constant 0 : i32
          %sign3A_250 = arith.cmpi sgt, %select_n3A_64, %sign3A_249 : i32
          %sign3A_251 = arith.extui %sign3A_250 : i1 to i32
          %sign3A_252 = arith.constant 0 : i32
          %sign3A_253 = arith.cmpi slt, %select_n3A_64, %sign3A_252 : i32
          %sign3A_254 = arith.extui %sign3A_253 : i1 to i32
          %sign3A_255 = arith.subi %sign3A_251, %sign3A_254 : i32
          %ne3A_256 = arith.cmpi ne, %sign3A_248, %sign3A_255 : i32
          %rem3A_257 = arith.remsi %add3A_240, %select_n3A_64 : i32
          %ne3A_258 = arith.constant 0 : i32
          %ne3A_259 = arith.cmpi ne, %rem3A_257, %ne3A_258 : i32
          %and3A_260 = arith.andi %ne3A_256, %ne3A_259 : i1
          %sub3A_261 = arith.constant 1 : i32
          %sub3A_262 = arith.subi %div3A_241, %sub3A_261 : i32
          %select_n3A_263 = arith.select %and3A_260, %sub3A_262, %div3A_241 : i32
          %mul3A_264 = arith.muli %select_n3A_263, %select_n3A_64 : i32
          %sub3A_265 = arith.subi %add3A_240, %mul3A_264 : i32
          %sub3A_266 = arith.constant 1 : i32
          %sub3A_267 = arith.subi %scan3A_35, %sub3A_266 : i32
          %min3A_268 = arith.minsi %select_n3A_263, %sub3A_267 : i32
          %broadcast_in_dim3A_269 = vector.broadcast %min3A_268 : i32 to vector<16xi32>
          %gather3A = tpu.vector_load_idx %arg12[%broadcast_in_dim3A_269] : memref<512xi32, #tpu.memory_space<vmem>>[vector<16xi32>], vector<16xi32>,
          %reduce_max3A = arith.constant true
          %reduce_max3A_270 = vector.broadcast %reduce_max3A : i1 to vector<16xi1>
          %reduce_max3A_271 = arith.constant -2147483648 : i32
          %reduce_max3A_272 = vector.broadcast %reduce_max3A_271 : i32 to vector<16xi32>
          %reduce_max3A_273 = arith.xori %gather3A, %reduce_max3A_272 : vector<16xi32>
          %reduce_max3A_274 = tpu.scan <max>, %reduce_max3A_273 masked %reduce_max3A_270 : vector<16xi32>, vector<16xi1> -> vector<16xi32>
          %reduce_max3A_275 = arith.xori %reduce_max3A_274, %reduce_max3A_272 : vector<16xi32>
          %reduce_max3A_276 = vector.extract %reduce_max3A_275[15] : i32 from vector<16xi32>
          %mul3A_277 = arith.constant 16 : i32
          %mul3A_278 = arith.muli %sub3A_265, %mul3A_277 : i32
          %multiple_of3A_279 = tpu.assume_multiple %mul3A_278, 16 : i32
          %get3A = arith.index_cast %multiple_of3A_279 : i32 to index
          %get3A_280 = tpu.vector_load %arg11[%get3A] {strides = array<i32>} : memref<512xi32, #tpu.memory_space<vmem>>, vector<16xi32>,
          %iota3A = tpu.iota {dimensions = array<i32: 0>} : vector<16xi32>
          %add3A_281 = vector.broadcast %multiple_of3A_279 : i32 to vector<16xi32>
          %add3A_282 = arith.addi %add3A_281, %iota3A : vector<16xi32>
          %lt3A_283 = vector.broadcast %scan3A_35 : i32 to vector<16xi32>
          %lt3A_284 = arith.cmpi slt, %add3A_282, %lt3A_283 : vector<16xi32>
          %jit3A_285 = arith.constant 0 : i32
          %broadcast_in_dim3A_286 = vector.broadcast %jit3A_285 : i32 to vector<16xi32>
          %select_n3A_287 = arith.select %lt3A_284, %get3A_280, %broadcast_in_dim3A_286 : vector<16xi1>, vector<16xi32>
          %add3A_288 = vector.broadcast %reduce_max3A_276 : i32 to vector<16xi32>
          %add3A_289 = arith.addi %add3A_288, %select_n3A_287 : vector<16xi32>
          %mul3A_290 = arith.constant 16 : i32
          %mul3A_291 = arith.muli %scan3A_236, %mul3A_290 : i32
          %multiple_of3A_292 = tpu.assume_multiple %mul3A_291, 16 : i32
          %swap3A_293 = arith.index_cast %multiple_of3A_292 : i32 to index
          %swap3A_294 = tpu.vector_load %arg22[%swap3A_293] {strides = array<i32>} : memref<512xi32, #tpu.memory_space<vmem>>, vector<16xi32>,
          tpu.vector_store %arg22[%swap3A_293], %add3A_289 {strides = array<i32>} : memref<512xi32, #tpu.memory_space<vmem>>, vector<16xi32>,
          %scan3A_295 = arith.constant 0 : i32
          scf.yield %scan3A_295 : i32
        }
        %scan3A_228 = arith.constant 32 : i32
        %mul3A_229 = arith.constant 512 : i32
        %mul3A_230 = arith.muli %while3A_220, %mul3A_229 : i32
        %multiple_of3A = tpu.assume_multiple %mul3A_230, 512 : i32
        %dma_start3A = tpu.memref_slice %arg13[%multiple_of3A] : memref<117760xf32, #tpu.memory_space<vmem>> -> memref<512xf32, #tpu.memory_space<vmem>>
        %dma_start3A_231 = arith.constant 0 : i32
        %dma_start3A_232 = tpu.memref_slice %arg2[%dma_start3A_231] : memref<33554432xf32, #tpu.memory_space<hbm>> -> memref<33554432xf32, #tpu.memory_space<hbm>>
        tpu.enqueue_indirect_dma source(%dma_start3A_232 : memref<33554432xf32, #tpu.memory_space<hbm>>) target(%dma_start3A : memref<512xf32, #tpu.memory_space<vmem>>) offsets(%arg22 : memref<512xi32, #tpu.memory_space<vmem>>) semaphore(%arg24 : memref<!tpu.dma_semaphore, #tpu.memory_space<semaphore_mem>>)
        %dma_wait3A = tpu.memref_slice %arg13[%multiple_of3A] : memref<117760xf32, #tpu.memory_space<vmem>> -> memref<512xf32, #tpu.memory_space<vmem>>
        %dma_wait3A_233 = arith.constant 0 : i32
        %dma_wait3A_234 = tpu.memref_slice %arg2[%dma_wait3A_233] : memref<33554432xf32, #tpu.memory_space<hbm>> -> memref<33554432xf32, #tpu.memory_space<hbm>>
        tpu.wait_indirect_dma semaphore(%arg24 : memref<!tpu.dma_semaphore, #tpu.memory_space<semaphore_mem>>) src(%dma_wait3A_234 : memref<33554432xf32, #tpu.memory_space<hbm>>) dst(%dma_wait3A : memref<512xf32, #tpu.memory_space<vmem>>)
        %while3A_235 = arith.constant 0 : i32
        scf.yield %while3A_235 : i32
      }
      %while3A_144 = arith.constant 1 : i32
      %while3A_145 = scf.for %while3A_220 = %while3A_141 to %while3A_137 step %while3A_144 iter_args(%while3A_221 = %while3A_143) -> (i32)  : i32 {
        %scan3A_222 = arith.constant 0 : i32
        %scan3A_223 = arith.constant 0 : i32
        %scan3A_224 = arith.constant 32 : i32
        %scan3A_225 = arith.addi %scan3A_223, %scan3A_224 : i32
        %scan3A_226 = arith.constant 1 : i32
        %scan3A_227 = scf.for %scan3A_236 = %scan3A_223 to %scan3A_225 step %scan3A_226 iter_args(%scan3A_237 = %scan3A_222) -> (i32)  : i32 {
          %mul3A_238 = arith.constant 32 : i32
          %mul3A_239 = arith.muli %while3A_220, %mul3A_238 : i32
          %add3A_240 = arith.addi %mul3A_239, %scan3A_236 : i32
          %div3A_241 = arith.divsi %add3A_240, %select_n3A_64 : i32
          %sign3A_242 = arith.constant 0 : i32
          %sign3A_243 = arith.cmpi sgt, %add3A_240, %sign3A_242 : i32
          %sign3A_244 = arith.extui %sign3A_243 : i1 to i32
          %sign3A_245 = arith.constant 0 : i32
          %sign3A_246 = arith.cmpi slt, %add3A_240, %sign3A_245 : i32
          %sign3A_247 = arith.extui %sign3A_246 : i1 to i32
          %sign3A_248 = arith.subi %sign3A_244, %sign3A_247 : i32
          %sign3A_249 = arith.constant 0 : i32
          %sign3A_250 = arith.cmpi sgt, %select_n3A_64, %sign3A_249 : i32
          %sign3A_251 = arith.extui %sign3A_250 : i1 to i32
          %sign3A_252 = arith.constant 0 : i32
          %sign3A_253 = arith.cmpi slt, %select_n3A_64, %sign3A_252 : i32
          %sign3A_254 = arith.extui %sign3A_253 : i1 to i32
          %sign3A_255 = arith.subi %sign3A_251, %sign3A_254 : i32
          %ne3A_256 = arith.cmpi ne, %sign3A_248, %sign3A_255 : i32
          %rem3A_257 = arith.remsi %add3A_240, %select_n3A_64 : i32
          %ne3A_258 = arith.constant 0 : i32
          %ne3A_259 = arith.cmpi ne, %rem3A_257, %ne3A_258 : i32
          %and3A_260 = arith.andi %ne3A_256, %ne3A_259 : i1
          %sub3A_261 = arith.constant 1 : i32
          %sub3A_262 = arith.subi %div3A_241, %sub3A_261 : i32
          %select_n3A_263 = arith.select %and3A_260, %sub3A_262, %div3A_241 : i32
          %mul3A_264 = arith.muli %select_n3A_263, %select_n3A_64 : i32
          %sub3A_265 = arith.subi %add3A_240, %mul3A_264 : i32
          %sub3A_266 = arith.constant 1 : i32
          %sub3A_267 = arith.subi %scan3A_35, %sub3A_266 : i32
          %min3A_268 = arith.minsi %select_n3A_263, %sub3A_267 : i32
          %broadcast_in_dim3A_269 = vector.broadcast %min3A_268 : i32 to vector<16xi32>
          %gather3A = tpu.vector_load_idx %arg12[%broadcast_in_dim3A_269] : memref<512xi32, #tpu.memory_space<vmem>>[vector<16xi32>], vector<16xi32>,
          %reduce_max3A = arith.constant true
          %reduce_max3A_270 = vector.broadcast %reduce_max3A : i1 to vector<16xi1>
          %reduce_max3A_271 = arith.constant -2147483648 : i32
          %reduce_max3A_272 = vector.broadcast %reduce_max3A_271 : i32 to vector<16xi32>
          %reduce_max3A_273 = arith.xori %gather3A, %reduce_max3A_272 : vector<16xi32>
          %reduce_max3A_274 = tpu.scan <max>, %reduce_max3A_273 masked %reduce_max3A_270 : vector<16xi32>, vector<16xi1> -> vector<16xi32>
          %reduce_max3A_275 = arith.xori %reduce_max3A_274, %reduce_max3A_272 : vector<16xi32>
          %reduce_max3A_276 = vector.extract %reduce_max3A_275[15] : i32 from vector<16xi32>
          %mul3A_277 = arith.constant 16 : i32
          %mul3A_278 = arith.muli %sub3A_265, %mul3A_277 : i32
          %multiple_of3A_279 = tpu.assume_multiple %mul3A_278, 16 : i32
          %get3A = arith.index_cast %multiple_of3A_279 : i32 to index
          %get3A_280 = tpu.vector_load %arg11[%get3A] {strides = array<i32>} : memref<512xi32, #tpu.memory_space<vmem>>, vector<16xi32>,
          %iota3A = tpu.iota {dimensions = array<i32: 0>} : vector<16xi32>
          %add3A_281 = vector.broadcast %multiple_of3A_279 : i32 to vector<16xi32>
          %add3A_282 = arith.addi %add3A_281, %iota3A : vector<16xi32>
          %lt3A_283 = vector.broadcast %scan3A_35 : i32 to vector<16xi32>
          %lt3A_284 = arith.cmpi slt, %add3A_282, %lt3A_283 : vector<16xi32>
          %jit3A_285 = arith.constant 0 : i32
          %broadcast_in_dim3A_286 = vector.broadcast %jit3A_285 : i32 to vector<16xi32>
          %select_n3A_287 = arith.select %lt3A_284, %get3A_280, %broadcast_in_dim3A_286 : vector<16xi1>, vector<16xi32>
          %add3A_288 = vector.broadcast %reduce_max3A_276 : i32 to vector<16xi32>
          %add3A_289 = arith.addi %add3A_288, %select_n3A_287 : vector<16xi32>
          %mul3A_290 = arith.constant 16 : i32
          %mul3A_291 = arith.muli %scan3A_236, %mul3A_290 : i32
          %multiple_of3A_292 = tpu.assume_multiple %mul3A_291, 16 : i32
          %swap3A_293 = arith.index_cast %multiple_of3A_292 : i32 to index
          %swap3A_294 = tpu.vector_load %arg22[%swap3A_293] {strides = array<i32>} : memref<512xi32, #tpu.memory_space<vmem>>, vector<16xi32>,
          tpu.vector_store %arg22[%swap3A_293], %add3A_289 {strides = array<i32>} : memref<512xi32, #tpu.memory_space<vmem>>, vector<16xi32>,
          %scan3A_295 = arith.constant 0 : i32
          scf.yield %scan3A_295 : i32
        }
        %scan3A_228 = arith.constant 32 : i32
        %mul3A_229 = arith.constant 512 : i32
        %mul3A_230 = arith.muli %while3A_220, %mul3A_229 : i32
        %multiple_of3A = tpu.assume_multiple %mul3A_230, 512 : i32
        %dma_start3A = tpu.memref_slice %arg13[%multiple_of3A] : memref<117760xf32, #tpu.memory_space<vmem>> -> memref<512xf32, #tpu.memory_space<vmem>>
        %dma_start3A_231 = arith.constant 0 : i32
        %dma_start3A_232 = tpu.memref_slice %arg2[%dma_start3A_231] : memref<33554432xf32, #tpu.memory_space<hbm>> -> memref<33554432xf32, #tpu.memory_space<hbm>>
        tpu.enqueue_indirect_dma source(%dma_start3A_232 : memref<33554432xf32, #tpu.memory_space<hbm>>) target(%dma_start3A : memref<512xf32, #tpu.memory_space<vmem>>) offsets(%arg22 : memref<512xi32, #tpu.memory_space<vmem>>) semaphore(%arg24 : memref<!tpu.dma_semaphore, #tpu.memory_space<semaphore_mem>>)
        %dma_wait3A = tpu.memref_slice %arg13[%multiple_of3A] : memref<117760xf32, #tpu.memory_space<vmem>> -> memref<512xf32, #tpu.memory_space<vmem>>
        %dma_wait3A_233 = arith.constant 0 : i32
        %dma_wait3A_234 = tpu.memref_slice %arg2[%dma_wait3A_233] : memref<33554432xf32, #tpu.memory_space<hbm>> -> memref<33554432xf32, #tpu.memory_space<hbm>>
        tpu.wait_indirect_dma semaphore(%arg24 : memref<!tpu.dma_semaphore, #tpu.memory_space<semaphore_mem>>) src(%dma_wait3A_234 : memref<33554432xf32, #tpu.memory_space<hbm>>) dst(%dma_wait3A : memref<512xf32, #tpu.memory_space<vmem>>)
        %while3A_235 = arith.constant 0 : i32
        scf.yield %while3A_235 : i32
      }
      %while3A_146 = arith.constant 0 : i32
      %while3A_147 = arith.constant 0 : i32
      "tpu.trace_stop"() : () -> ()
      %while3A_148 = arith.subi %select_n3A_64, %while3A_146 : i32
      %while3A_149 = arith.addi %while3A_146, %while3A_148 : i32
      %while3A_150 = arith.constant 1 : i32
      %while3A_151 = arith.divsi %while3A_148, %while3A_150 : i32
      %while3A_152 = arith.muli %while3A_151, %while3A_150 : i32
      %while3A_153 = arith.addi %while3A_146, %while3A_152 : i32
      %while3A_154 = arith.constant 1 : i32
      %while3A_155 = scf.for %while3A_220 = %while3A_146 to %while3A_153 step %while3A_154 iter_args(%while3A_221 = %while3A_147) -> (i32)  : i32 {
        %mul3A_222 = arith.constant 16 : i32
        %mul3A_223 = arith.muli %while3A_220, %mul3A_222 : i32
        %multiple_of3A = tpu.assume_multiple %mul3A_223, 16 : i32
        %broadcast_in_dim3A_224 = arith.constant 1.000000e+30 : f32
        %broadcast_in_dim3A_225 = vector.broadcast %broadcast_in_dim3A_224 : f32 to vector<16xf32>
        %swap3A_226 = arith.index_cast %multiple_of3A : i32 to index
        %swap3A_227 = tpu.vector_load %arg21[%swap3A_226] {strides = array<i32>} : memref<512xf32, #tpu.memory_space<vmem>>, vector<16xf32>,
        tpu.vector_store %arg21[%swap3A_226], %broadcast_in_dim3A_225 {strides = array<i32>} : memref<512xf32, #tpu.memory_space<vmem>>, vector<16xf32>,
        %while3A_228 = arith.constant 0 : i32
        scf.yield %while3A_228 : i32
      }
      %while3A_156 = arith.constant 1 : i32
      %while3A_157 = scf.for %while3A_220 = %while3A_153 to %while3A_149 step %while3A_156 iter_args(%while3A_221 = %while3A_155) -> (i32)  : i32 {
        %mul3A_222 = arith.constant 16 : i32
        %mul3A_223 = arith.muli %while3A_220, %mul3A_222 : i32
        %multiple_of3A = tpu.assume_multiple %mul3A_223, 16 : i32
        %broadcast_in_dim3A_224 = arith.constant 1.000000e+30 : f32
        %broadcast_in_dim3A_225 = vector.broadcast %broadcast_in_dim3A_224 : f32 to vector<16xf32>
        %swap3A_226 = arith.index_cast %multiple_of3A : i32 to index
        %swap3A_227 = tpu.vector_load %arg21[%swap3A_226] {strides = array<i32>} : memref<512xf32, #tpu.memory_space<vmem>>, vector<16xf32>,
        tpu.vector_store %arg21[%swap3A_226], %broadcast_in_dim3A_225 {strides = array<i32>} : memref<512xf32, #tpu.memory_space<vmem>>, vector<16xf32>,
        %while3A_228 = arith.constant 0 : i32
        scf.yield %while3A_228 : i32
      }
      %while3A_158 = arith.constant 0 : i32
      %while3A_159 = arith.constant 0 : i32
      "tpu.trace_start"() <{level = 10 : i32, message = "jv_colred"}> : () -> ()
      %while3A_160 = arith.subi %min3A, %while3A_158 : i32
      %while3A_161 = arith.addi %while3A_158, %while3A_160 : i32
      %while3A_162 = arith.constant 1 : i32
      %while3A_163 = arith.divsi %while3A_160, %while3A_162 : i32
      %while3A_164 = arith.muli %while3A_163, %while3A_162 : i32
      %while3A_165 = arith.addi %while3A_158, %while3A_164 : i32
      %while3A_166 = arith.constant 1 : i32
      %while3A_167 = scf.for %while3A_220 = %while3A_158 to %while3A_165 step %while3A_166 iter_args(%while3A_221 = %while3A_159) -> (i32)  : i32 {
        %mul3A_222 = arith.muli %while3A_220, %mul3A_66 : i32
        %while3A_223 = arith.constant 0 : i32
        %while3A_224 = arith.constant 0 : i32
        %while3A_225 = arith.subi %select_n3A_64, %while3A_223 : i32
        %while3A_226 = arith.addi %while3A_223, %while3A_225 : i32
        %while3A_227 = arith.constant 1 : i32
        %while3A_228 = arith.divsi %while3A_225, %while3A_227 : i32
        %while3A_229 = arith.muli %while3A_228, %while3A_227 : i32
        %while3A_230 = arith.addi %while3A_223, %while3A_229 : i32
        %while3A_231 = arith.constant 1 : i32
        %while3A_232 = scf.for %while3A_236 = %while3A_223 to %while3A_230 step %while3A_231 iter_args(%while3A_237 = %while3A_224) -> (i32)  : i32 {
          %mul3A_238 = arith.constant 16 : i32
          %mul3A_239 = arith.muli %while3A_236, %mul3A_238 : i32
          %multiple_of3A = tpu.assume_multiple %mul3A_239, 16 : i32
          %add3A_240 = arith.addi %mul3A_222, %multiple_of3A : i32
          %multiple_of3A_241 = tpu.assume_multiple %add3A_240, 16 : i32
          %get3A = arith.index_cast %multiple_of3A_241 : i32 to index
          %get3A_242 = tpu.vector_load %arg13[%get3A] {strides = array<i32>} : memref<117760xf32, #tpu.memory_space<vmem>>, vector<16xf32>,
          %neg3A = arith.constant 0.000000e+00 : f32
          %neg3A_243 = vector.broadcast %neg3A : f32 to vector<16xf32>
          %neg3A_244 = arith.subf %neg3A_243, %get3A_242 : vector<16xf32>
          %get3A_245 = arith.index_cast %multiple_of3A : i32 to index
          %get3A_246 = tpu.vector_load %arg21[%get3A_245] {strides = array<i32>} : memref<512xf32, #tpu.memory_space<vmem>>, vector<16xf32>,
          %lt3A_247 = arith.cmpf olt, %neg3A_244, %get3A_246 : vector<16xf32>
          %select_n3A_248 = arith.select %lt3A_247, %neg3A_244, %get3A_246 : vector<16xi1>, vector<16xf32>
          %swap3A_249 = arith.index_cast %multiple_of3A : i32 to index
          %swap3A_250 = tpu.vector_load %arg21[%swap3A_249] {strides = array<i32>} : memref<512xf32, #tpu.memory_space<vmem>>, vector<16xf32>,
          tpu.vector_store %arg21[%swap3A_249], %select_n3A_248 {strides = array<i32>} : memref<512xf32, #tpu.memory_space<vmem>>, vector<16xf32>,
          %while3A_251 = arith.constant 0 : i32
          scf.yield %while3A_251 : i32
        }
        %while3A_233 = arith.constant 1 : i32
        %while3A_234 = scf.for %while3A_236 = %while3A_230 to %while3A_226 step %while3A_233 iter_args(%while3A_237 = %while3A_232) -> (i32)  : i32 {
          %mul3A_238 = arith.constant 16 : i32
          %mul3A_239 = arith.muli %while3A_236, %mul3A_238 : i32
          %multiple_of3A = tpu.assume_multiple %mul3A_239, 16 : i32
          %add3A_240 = arith.addi %mul3A_222, %multiple_of3A : i32
          %multiple_of3A_241 = tpu.assume_multiple %add3A_240, 16 : i32
          %get3A = arith.index_cast %multiple_of3A_241 : i32 to index
          %get3A_242 = tpu.vector_load %arg13[%get3A] {strides = array<i32>} : memref<117760xf32, #tpu.memory_space<vmem>>, vector<16xf32>,
          %neg3A = arith.constant 0.000000e+00 : f32
          %neg3A_243 = vector.broadcast %neg3A : f32 to vector<16xf32>
          %neg3A_244 = arith.subf %neg3A_243, %get3A_242 : vector<16xf32>
          %get3A_245 = arith.index_cast %multiple_of3A : i32 to index
          %get3A_246 = tpu.vector_load %arg21[%get3A_245] {strides = array<i32>} : memref<512xf32, #tpu.memory_space<vmem>>, vector<16xf32>,
          %lt3A_247 = arith.cmpf olt, %neg3A_244, %get3A_246 : vector<16xf32>
          %select_n3A_248 = arith.select %lt3A_247, %neg3A_244, %get3A_246 : vector<16xi1>, vector<16xf32>
          %swap3A_249 = arith.index_cast %multiple_of3A : i32 to index
          %swap3A_250 = tpu.vector_load %arg21[%swap3A_249] {strides = array<i32>} : memref<512xf32, #tpu.memory_space<vmem>>, vector<16xf32>,
          tpu.vector_store %arg21[%swap3A_249], %select_n3A_248 {strides = array<i32>} : memref<512xf32, #tpu.memory_space<vmem>>, vector<16xf32>,
          %while3A_251 = arith.constant 0 : i32
          scf.yield %while3A_251 : i32
        }
        %while3A_235 = arith.constant 0 : i32
        scf.yield %while3A_235 : i32
      }
      %while3A_168 = arith.constant 1 : i32
      %while3A_169 = scf.for %while3A_220 = %while3A_165 to %while3A_161 step %while3A_168 iter_args(%while3A_221 = %while3A_167) -> (i32)  : i32 {
        %mul3A_222 = arith.muli %while3A_220, %mul3A_66 : i32
        %while3A_223 = arith.constant 0 : i32
        %while3A_224 = arith.constant 0 : i32
        %while3A_225 = arith.subi %select_n3A_64, %while3A_223 : i32
        %while3A_226 = arith.addi %while3A_223, %while3A_225 : i32
        %while3A_227 = arith.constant 1 : i32
        %while3A_228 = arith.divsi %while3A_225, %while3A_227 : i32
        %while3A_229 = arith.muli %while3A_228, %while3A_227 : i32
        %while3A_230 = arith.addi %while3A_223, %while3A_229 : i32
        %while3A_231 = arith.constant 1 : i32
        %while3A_232 = scf.for %while3A_236 = %while3A_223 to %while3A_230 step %while3A_231 iter_args(%while3A_237 = %while3A_224) -> (i32)  : i32 {
          %mul3A_238 = arith.constant 16 : i32
          %mul3A_239 = arith.muli %while3A_236, %mul3A_238 : i32
          %multiple_of3A = tpu.assume_multiple %mul3A_239, 16 : i32
          %add3A_240 = arith.addi %mul3A_222, %multiple_of3A : i32
          %multiple_of3A_241 = tpu.assume_multiple %add3A_240, 16 : i32
          %get3A = arith.index_cast %multiple_of3A_241 : i32 to index
          %get3A_242 = tpu.vector_load %arg13[%get3A] {strides = array<i32>} : memref<117760xf32, #tpu.memory_space<vmem>>, vector<16xf32>,
          %neg3A = arith.constant 0.000000e+00 : f32
          %neg3A_243 = vector.broadcast %neg3A : f32 to vector<16xf32>
          %neg3A_244 = arith.subf %neg3A_243, %get3A_242 : vector<16xf32>
          %get3A_245 = arith.index_cast %multiple_of3A : i32 to index
          %get3A_246 = tpu.vector_load %arg21[%get3A_245] {strides = array<i32>} : memref<512xf32, #tpu.memory_space<vmem>>, vector<16xf32>,
          %lt3A_247 = arith.cmpf olt, %neg3A_244, %get3A_246 : vector<16xf32>
          %select_n3A_248 = arith.select %lt3A_247, %neg3A_244, %get3A_246 : vector<16xi1>, vector<16xf32>
          %swap3A_249 = arith.index_cast %multiple_of3A : i32 to index
          %swap3A_250 = tpu.vector_load %arg21[%swap3A_249] {strides = array<i32>} : memref<512xf32, #tpu.memory_space<vmem>>, vector<16xf32>,
          tpu.vector_store %arg21[%swap3A_249], %select_n3A_248 {strides = array<i32>} : memref<512xf32, #tpu.memory_space<vmem>>, vector<16xf32>,
          %while3A_251 = arith.constant 0 : i32
          scf.yield %while3A_251 : i32
        }
        %while3A_233 = arith.constant 1 : i32
        %while3A_234 = scf.for %while3A_236 = %while3A_230 to %while3A_226 step %while3A_233 iter_args(%while3A_237 = %while3A_232) -> (i32)  : i32 {
          %mul3A_238 = arith.constant 16 : i32
          %mul3A_239 = arith.muli %while3A_236, %mul3A_238 : i32
          %multiple_of3A = tpu.assume_multiple %mul3A_239, 16 : i32
          %add3A_240 = arith.addi %mul3A_222, %multiple_of3A : i32
          %multiple_of3A_241 = tpu.assume_multiple %add3A_240, 16 : i32
          %get3A = arith.index_cast %multiple_of3A_241 : i32 to index
          %get3A_242 = tpu.vector_load %arg13[%get3A] {strides = array<i32>} : memref<117760xf32, #tpu.memory_space<vmem>>, vector<16xf32>,
          %neg3A = arith.constant 0.000000e+00 : f32
          %neg3A_243 = vector.broadcast %neg3A : f32 to vector<16xf32>
          %neg3A_244 = arith.subf %neg3A_243, %get3A_242 : vector<16xf32>
          %get3A_245 = arith.index_cast %multiple_of3A : i32 to index
          %get3A_246 = tpu.vector_load %arg21[%get3A_245] {strides = array<i32>} : memref<512xf32, #tpu.memory_space<vmem>>, vector<16xf32>,
          %lt3A_247 = arith.cmpf olt, %neg3A_244, %get3A_246 : vector<16xf32>
          %select_n3A_248 = arith.select %lt3A_247, %neg3A_244, %get3A_246 : vector<16xi1>, vector<16xf32>
          %swap3A_249 = arith.index_cast %multiple_of3A : i32 to index
          %swap3A_250 = tpu.vector_load %arg21[%swap3A_249] {strides = array<i32>} : memref<512xf32, #tpu.memory_space<vmem>>, vector<16xf32>,
          tpu.vector_store %arg21[%swap3A_249], %select_n3A_248 {strides = array<i32>} : memref<512xf32, #tpu.memory_space<vmem>>, vector<16xf32>,
          %while3A_251 = arith.constant 0 : i32
          scf.yield %while3A_251 : i32
        }
        %while3A_235 = arith.constant 0 : i32
        scf.yield %while3A_235 : i32
      }
      %while3A_170 = arith.constant 0 : i32
      "tpu.trace_stop"() : () -> ()
      %while3A_171 = arith.subi %scan3A_35, %min3A : i32
      %while3A_172 = arith.addi %min3A, %while3A_171 : i32
      %while3A_173 = arith.constant 1 : i32
      %while3A_174 = arith.divsi %while3A_171, %while3A_173 : i32
      %while3A_175 = arith.muli %while3A_174, %while3A_173 : i32
      %while3A_176 = arith.addi %min3A, %while3A_175 : i32
      %while3A_177 = arith.constant 1 : i32
      %while3A_178 = scf.for %while3A_220 = %min3A to %while3A_176 step %while3A_177 iter_args(%while3A_221 = %while3A_170) -> (i32)  : i32 {
        %scan3A_222 = arith.constant 0 : i32
        %scan3A_223 = arith.constant 0 : i32
        %scan3A_224 = arith.constant 32 : i32
        %scan3A_225 = arith.addi %scan3A_223, %scan3A_224 : i32
        %scan3A_226 = arith.constant 1 : i32
        %scan3A_227 = scf.for %scan3A_248 = %scan3A_223 to %scan3A_225 step %scan3A_226 iter_args(%scan3A_249 = %scan3A_222) -> (i32)  : i32 {
          %sub3A_250 = arith.constant 1 : i32
          %sub3A_251 = arith.subi %select_n3A_64, %sub3A_250 : i32
          %min3A_252 = arith.minsi %scan3A_248, %sub3A_251 : i32
          %sub3A_253 = arith.constant 1 : i32
          %sub3A_254 = arith.subi %scan3A_35, %sub3A_253 : i32
          %min3A_255 = arith.minsi %while3A_220, %sub3A_254 : i32
          %broadcast_in_dim3A_256 = vector.broadcast %min3A_255 : i32 to vector<16xi32>
          %gather3A = tpu.vector_load_idx %arg12[%broadcast_in_dim3A_256] : memref<512xi32, #tpu.memory_space<vmem>>[vector<16xi32>], vector<16xi32>,
          %reduce_max3A = arith.constant true
          %reduce_max3A_257 = vector.broadcast %reduce_max3A : i1 to vector<16xi1>
          %reduce_max3A_258 = arith.constant -2147483648 : i32
          %reduce_max3A_259 = vector.broadcast %reduce_max3A_258 : i32 to vector<16xi32>
          %reduce_max3A_260 = arith.xori %gather3A, %reduce_max3A_259 : vector<16xi32>
          %reduce_max3A_261 = tpu.scan <max>, %reduce_max3A_260 masked %reduce_max3A_257 : vector<16xi32>, vector<16xi1> -> vector<16xi32>
          %reduce_max3A_262 = arith.xori %reduce_max3A_261, %reduce_max3A_259 : vector<16xi32>
          %reduce_max3A_263 = vector.extract %reduce_max3A_262[15] : i32 from vector<16xi32>
          %mul3A_264 = arith.constant 16 : i32
          %mul3A_265 = arith.muli %min3A_252, %mul3A_264 : i32
          %multiple_of3A = tpu.assume_multiple %mul3A_265, 16 : i32
          %get3A = arith.index_cast %multiple_of3A : i32 to index
          %get3A_266 = tpu.vector_load %arg11[%get3A] {strides = array<i32>} : memref<512xi32, #tpu.memory_space<vmem>>, vector<16xi32>,
          %iota3A = tpu.iota {dimensions = array<i32: 0>} : vector<16xi32>
          %add3A_267 = vector.broadcast %multiple_of3A : i32 to vector<16xi32>
          %add3A_268 = arith.addi %add3A_267, %iota3A : vector<16xi32>
          %lt3A_269 = vector.broadcast %scan3A_35 : i32 to vector<16xi32>
          %lt3A_270 = arith.cmpi slt, %add3A_268, %lt3A_269 : vector<16xi32>
          %jit3A_271 = arith.constant 0 : i32
          %broadcast_in_dim3A_272 = vector.broadcast %jit3A_271 : i32 to vector<16xi32>
          %select_n3A_273 = arith.select %lt3A_270, %get3A_266, %broadcast_in_dim3A_272 : vector<16xi1>, vector<16xi32>
          %add3A_274 = vector.broadcast %reduce_max3A_263 : i32 to vector<16xi32>
          %add3A_275 = arith.addi %add3A_274, %select_n3A_273 : vector<16xi32>
          %mul3A_276 = arith.constant 16 : i32
          %mul3A_277 = arith.muli %scan3A_248, %mul3A_276 : i32
          %multiple_of3A_278 = tpu.assume_multiple %mul3A_277, 16 : i32
          %swap3A_279 = arith.index_cast %multiple_of3A_278 : i32 to index
          %swap3A_280 = tpu.vector_load %arg22[%swap3A_279] {strides = array<i32>} : memref<512xi32, #tpu.memory_space<vmem>>, vector<16xi32>,
          tpu.vector_store %arg22[%swap3A_279], %add3A_275 {strides = array<i32>} : memref<512xi32, #tpu.memory_space<vmem>>, vector<16xi32>,
          %scan3A_281 = arith.constant 0 : i32
          scf.yield %scan3A_281 : i32
        }
        %scan3A_228 = arith.constant 32 : i32
        %dma_start3A = arith.constant 117248 : i32
        %dma_start3A_229 = tpu.memref_slice %arg13[%dma_start3A] : memref<117760xf32, #tpu.memory_space<vmem>> -> memref<512xf32, #tpu.memory_space<vmem>>
        %dma_start3A_230 = arith.constant 0 : i32
        %dma_start3A_231 = tpu.memref_slice %arg2[%dma_start3A_230] : memref<33554432xf32, #tpu.memory_space<hbm>> -> memref<33554432xf32, #tpu.memory_space<hbm>>
        tpu.enqueue_indirect_dma source(%dma_start3A_231 : memref<33554432xf32, #tpu.memory_space<hbm>>) target(%dma_start3A_229 : memref<512xf32, #tpu.memory_space<vmem>>) offsets(%arg22 : memref<512xi32, #tpu.memory_space<vmem>>) semaphore(%arg24 : memref<!tpu.dma_semaphore, #tpu.memory_space<semaphore_mem>>)
        %dma_wait3A = arith.constant 117248 : i32
        %dma_wait3A_232 = tpu.memref_slice %arg13[%dma_wait3A] : memref<117760xf32, #tpu.memory_space<vmem>> -> memref<512xf32, #tpu.memory_space<vmem>>
        %dma_wait3A_233 = arith.constant 0 : i32
        %dma_wait3A_234 = tpu.memref_slice %arg2[%dma_wait3A_233] : memref<33554432xf32, #tpu.memory_space<hbm>> -> memref<33554432xf32, #tpu.memory_space<hbm>>
        tpu.wait_indirect_dma semaphore(%arg24 : memref<!tpu.dma_semaphore, #tpu.memory_space<semaphore_mem>>) src(%dma_wait3A_234 : memref<33554432xf32, #tpu.memory_space<hbm>>) dst(%dma_wait3A_232 : memref<512xf32, #tpu.memory_space<vmem>>)
        %while3A_235 = arith.constant 0 : i32
        %while3A_236 = arith.constant 0 : i32
        %while3A_237 = arith.subi %select_n3A_64, %while3A_235 : i32
        %while3A_238 = arith.addi %while3A_235, %while3A_237 : i32
        %while3A_239 = arith.constant 1 : i32
        %while3A_240 = arith.divsi %while3A_237, %while3A_239 : i32
        %while3A_241 = arith.muli %while3A_240, %while3A_239 : i32
        %while3A_242 = arith.addi %while3A_235, %while3A_241 : i32
        %while3A_243 = arith.constant 1 : i32
        %while3A_244 = scf.for %while3A_248 = %while3A_235 to %while3A_242 step %while3A_243 iter_args(%while3A_249 = %while3A_236) -> (i32)  : i32 {
          %mul3A_250 = arith.constant 16 : i32
          %mul3A_251 = arith.muli %while3A_248, %mul3A_250 : i32
          %multiple_of3A = tpu.assume_multiple %mul3A_251, 16 : i32
          %add3A_252 = arith.constant 117248 : i32
          %add3A_253 = arith.addi %add3A_252, %multiple_of3A : i32
          %multiple_of3A_254 = tpu.assume_multiple %add3A_253, 16 : i32
          %get3A = arith.index_cast %multiple_of3A_254 : i32 to index
          %get3A_255 = tpu.vector_load %arg13[%get3A] {strides = array<i32>} : memref<117760xf32, #tpu.memory_space<vmem>>, vector<16xf32>,
          %neg3A = arith.constant 0.000000e+00 : f32
          %neg3A_256 = vector.broadcast %neg3A : f32 to vector<16xf32>
          %neg3A_257 = arith.subf %neg3A_256, %get3A_255 : vector<16xf32>
          %get3A_258 = arith.index_cast %multiple_of3A : i32 to index
          %get3A_259 = tpu.vector_load %arg21[%get3A_258] {strides = array<i32>} : memref<512xf32, #tpu.memory_space<vmem>>, vector<16xf32>,
          %lt3A_260 = arith.cmpf olt, %neg3A_257, %get3A_259 : vector<16xf32>
          %select_n3A_261 = arith.select %lt3A_260, %neg3A_257, %get3A_259 : vector<16xi1>, vector<16xf32>
          %swap3A_262 = arith.index_cast %multiple_of3A : i32 to index
          %swap3A_263 = tpu.vector_load %arg21[%swap3A_262] {strides = array<i32>} : memref<512xf32, #tpu.memory_space<vmem>>, vector<16xf32>,
          tpu.vector_store %arg21[%swap3A_262], %select_n3A_261 {strides = array<i32>} : memref<512xf32, #tpu.memory_space<vmem>>, vector<16xf32>,
          %while3A_264 = arith.constant 0 : i32
          scf.yield %while3A_264 : i32
        }
        %while3A_245 = arith.constant 1 : i32
        %while3A_246 = scf.for %while3A_248 = %while3A_242 to %while3A_238 step %while3A_245 iter_args(%while3A_249 = %while3A_244) -> (i32)  : i32 {
          %mul3A_250 = arith.constant 16 : i32
          %mul3A_251 = arith.muli %while3A_248, %mul3A_250 : i32
          %multiple_of3A = tpu.assume_multiple %mul3A_251, 16 : i32
          %add3A_252 = arith.constant 117248 : i32
          %add3A_253 = arith.addi %add3A_252, %multiple_of3A : i32
          %multiple_of3A_254 = tpu.assume_multiple %add3A_253, 16 : i32
          %get3A = arith.index_cast %multiple_of3A_254 : i32 to index
          %get3A_255 = tpu.vector_load %arg13[%get3A] {strides = array<i32>} : memref<117760xf32, #tpu.memory_space<vmem>>, vector<16xf32>,
          %neg3A = arith.constant 0.000000e+00 : f32
          %neg3A_256 = vector.broadcast %neg3A : f32 to vector<16xf32>
          %neg3A_257 = arith.subf %neg3A_256, %get3A_255 : vector<16xf32>
          %get3A_258 = arith.index_cast %multiple_of3A : i32 to index
          %get3A_259 = tpu.vector_load %arg21[%get3A_258] {strides = array<i32>} : memref<512xf32, #tpu.memory_space<vmem>>, vector<16xf32>,
          %lt3A_260 = arith.cmpf olt, %neg3A_257, %get3A_259 : vector<16xf32>
          %select_n3A_261 = arith.select %lt3A_260, %neg3A_257, %get3A_259 : vector<16xi1>, vector<16xf32>
          %swap3A_262 = arith.index_cast %multiple_of3A : i32 to index
          %swap3A_263 = tpu.vector_load %arg21[%swap3A_262] {strides = array<i32>} : memref<512xf32, #tpu.memory_space<vmem>>, vector<16xf32>,
          tpu.vector_store %arg21[%swap3A_262], %select_n3A_261 {strides = array<i32>} : memref<512xf32, #tpu.memory_space<vmem>>, vector<16xf32>,
          %while3A_264 = arith.constant 0 : i32
          scf.yield %while3A_264 : i32
        }
        %while3A_247 = arith.constant 0 : i32
        scf.yield %while3A_247 : i32
      }
      %while3A_179 = arith.constant 1 : i32
      %while3A_180 = scf.for %while3A_220 = %while3A_176 to %while3A_172 step %while3A_179 iter_args(%while3A_221 = %while3A_178) -> (i32)  : i32 {
        %scan3A_222 = arith.constant 0 : i32
        %scan3A_223 = arith.constant 0 : i32
        %scan3A_224 = arith.constant 32 : i32
        %scan3A_225 = arith.addi %scan3A_223, %scan3A_224 : i32
        %scan3A_226 = arith.constant 1 : i32
        %scan3A_227 = scf.for %scan3A_248 = %scan3A_223 to %scan3A_225 step %scan3A_226 iter_args(%scan3A_249 = %scan3A_222) -> (i32)  : i32 {
          %sub3A_250 = arith.constant 1 : i32
          %sub3A_251 = arith.subi %select_n3A_64, %sub3A_250 : i32
          %min3A_252 = arith.minsi %scan3A_248, %sub3A_251 : i32
          %sub3A_253 = arith.constant 1 : i32
          %sub3A_254 = arith.subi %scan3A_35, %sub3A_253 : i32
          %min3A_255 = arith.minsi %while3A_220, %sub3A_254 : i32
          %broadcast_in_dim3A_256 = vector.broadcast %min3A_255 : i32 to vector<16xi32>
          %gather3A = tpu.vector_load_idx %arg12[%broadcast_in_dim3A_256] : memref<512xi32, #tpu.memory_space<vmem>>[vector<16xi32>], vector<16xi32>,
          %reduce_max3A = arith.constant true
          %reduce_max3A_257 = vector.broadcast %reduce_max3A : i1 to vector<16xi1>
          %reduce_max3A_258 = arith.constant -2147483648 : i32
          %reduce_max3A_259 = vector.broadcast %reduce_max3A_258 : i32 to vector<16xi32>
          %reduce_max3A_260 = arith.xori %gather3A, %reduce_max3A_259 : vector<16xi32>
          %reduce_max3A_261 = tpu.scan <max>, %reduce_max3A_260 masked %reduce_max3A_257 : vector<16xi32>, vector<16xi1> -> vector<16xi32>
          %reduce_max3A_262 = arith.xori %reduce_max3A_261, %reduce_max3A_259 : vector<16xi32>
          %reduce_max3A_263 = vector.extract %reduce_max3A_262[15] : i32 from vector<16xi32>
          %mul3A_264 = arith.constant 16 : i32
          %mul3A_265 = arith.muli %min3A_252, %mul3A_264 : i32
          %multiple_of3A = tpu.assume_multiple %mul3A_265, 16 : i32
          %get3A = arith.index_cast %multiple_of3A : i32 to index
          %get3A_266 = tpu.vector_load %arg11[%get3A] {strides = array<i32>} : memref<512xi32, #tpu.memory_space<vmem>>, vector<16xi32>,
          %iota3A = tpu.iota {dimensions = array<i32: 0>} : vector<16xi32>
          %add3A_267 = vector.broadcast %multiple_of3A : i32 to vector<16xi32>
          %add3A_268 = arith.addi %add3A_267, %iota3A : vector<16xi32>
          %lt3A_269 = vector.broadcast %scan3A_35 : i32 to vector<16xi32>
          %lt3A_270 = arith.cmpi slt, %add3A_268, %lt3A_269 : vector<16xi32>
          %jit3A_271 = arith.constant 0 : i32
          %broadcast_in_dim3A_272 = vector.broadcast %jit3A_271 : i32 to vector<16xi32>
          %select_n3A_273 = arith.select %lt3A_270, %get3A_266, %broadcast_in_dim3A_272 : vector<16xi1>, vector<16xi32>
          %add3A_274 = vector.broadcast %reduce_max3A_263 : i32 to vector<16xi32>
          %add3A_275 = arith.addi %add3A_274, %select_n3A_273 : vector<16xi32>
          %mul3A_276 = arith.constant 16 : i32
          %mul3A_277 = arith.muli %scan3A_248, %mul3A_276 : i32
          %multiple_of3A_278 = tpu.assume_multiple %mul3A_277, 16 : i32
          %swap3A_279 = arith.index_cast %multiple_of3A_278 : i32 to index
          %swap3A_280 = tpu.vector_load %arg22[%swap3A_279] {strides = array<i32>} : memref<512xi32, #tpu.memory_space<vmem>>, vector<16xi32>,
          tpu.vector_store %arg22[%swap3A_279], %add3A_275 {strides = array<i32>} : memref<512xi32, #tpu.memory_space<vmem>>, vector<16xi32>,
          %scan3A_281 = arith.constant 0 : i32
          scf.yield %scan3A_281 : i32
        }
        %scan3A_228 = arith.constant 32 : i32
        %dma_start3A = arith.constant 117248 : i32
        %dma_start3A_229 = tpu.memref_slice %arg13[%dma_start3A] : memref<117760xf32, #tpu.memory_space<vmem>> -> memref<512xf32, #tpu.memory_space<vmem>>
        %dma_start3A_230 = arith.constant 0 : i32
        %dma_start3A_231 = tpu.memref_slice %arg2[%dma_start3A_230] : memref<33554432xf32, #tpu.memory_space<hbm>> -> memref<33554432xf32, #tpu.memory_space<hbm>>
        tpu.enqueue_indirect_dma source(%dma_start3A_231 : memref<33554432xf32, #tpu.memory_space<hbm>>) target(%dma_start3A_229 : memref<512xf32, #tpu.memory_space<vmem>>) offsets(%arg22 : memref<512xi32, #tpu.memory_space<vmem>>) semaphore(%arg24 : memref<!tpu.dma_semaphore, #tpu.memory_space<semaphore_mem>>)
        %dma_wait3A = arith.constant 117248 : i32
        %dma_wait3A_232 = tpu.memref_slice %arg13[%dma_wait3A] : memref<117760xf32, #tpu.memory_space<vmem>> -> memref<512xf32, #tpu.memory_space<vmem>>
        %dma_wait3A_233 = arith.constant 0 : i32
        %dma_wait3A_234 = tpu.memref_slice %arg2[%dma_wait3A_233] : memref<33554432xf32, #tpu.memory_space<hbm>> -> memref<33554432xf32, #tpu.memory_space<hbm>>
        tpu.wait_indirect_dma semaphore(%arg24 : memref<!tpu.dma_semaphore, #tpu.memory_space<semaphore_mem>>) src(%dma_wait3A_234 : memref<33554432xf32, #tpu.memory_space<hbm>>) dst(%dma_wait3A_232 : memref<512xf32, #tpu.memory_space<vmem>>)
        %while3A_235 = arith.constant 0 : i32
        %while3A_236 = arith.constant 0 : i32
        %while3A_237 = arith.subi %select_n3A_64, %while3A_235 : i32
        %while3A_238 = arith.addi %while3A_235, %while3A_237 : i32
        %while3A_239 = arith.constant 1 : i32
        %while3A_240 = arith.divsi %while3A_237, %while3A_239 : i32
        %while3A_241 = arith.muli %while3A_240, %while3A_239 : i32
        %while3A_242 = arith.addi %while3A_235, %while3A_241 : i32
        %while3A_243 = arith.constant 1 : i32
        %while3A_244 = scf.for %while3A_248 = %while3A_235 to %while3A_242 step %while3A_243 iter_args(%while3A_249 = %while3A_236) -> (i32)  : i32 {
          %mul3A_250 = arith.constant 16 : i32
          %mul3A_251 = arith.muli %while3A_248, %mul3A_250 : i32
          %multiple_of3A = tpu.assume_multiple %mul3A_251, 16 : i32
          %add3A_252 = arith.constant 117248 : i32
          %add3A_253 = arith.addi %add3A_252, %multiple_of3A : i32
          %multiple_of3A_254 = tpu.assume_multiple %add3A_253, 16 : i32
          %get3A = arith.index_cast %multiple_of3A_254 : i32 to index
          %get3A_255 = tpu.vector_load %arg13[%get3A] {strides = array<i32>} : memref<117760xf32, #tpu.memory_space<vmem>>, vector<16xf32>,
          %neg3A = arith.constant 0.000000e+00 : f32
          %neg3A_256 = vector.broadcast %neg3A : f32 to vector<16xf32>
          %neg3A_257 = arith.subf %neg3A_256, %get3A_255 : vector<16xf32>
          %get3A_258 = arith.index_cast %multiple_of3A : i32 to index
          %get3A_259 = tpu.vector_load %arg21[%get3A_258] {strides = array<i32>} : memref<512xf32, #tpu.memory_space<vmem>>, vector<16xf32>,
          %lt3A_260 = arith.cmpf olt, %neg3A_257, %get3A_259 : vector<16xf32>
          %select_n3A_261 = arith.select %lt3A_260, %neg3A_257, %get3A_259 : vector<16xi1>, vector<16xf32>
          %swap3A_262 = arith.index_cast %multiple_of3A : i32 to index
          %swap3A_263 = tpu.vector_load %arg21[%swap3A_262] {strides = array<i32>} : memref<512xf32, #tpu.memory_space<vmem>>, vector<16xf32>,
          tpu.vector_store %arg21[%swap3A_262], %select_n3A_261 {strides = array<i32>} : memref<512xf32, #tpu.memory_space<vmem>>, vector<16xf32>,
          %while3A_264 = arith.constant 0 : i32
          scf.yield %while3A_264 : i32
        }
        %while3A_245 = arith.constant 1 : i32
        %while3A_246 = scf.for %while3A_248 = %while3A_242 to %while3A_238 step %while3A_245 iter_args(%while3A_249 = %while3A_244) -> (i32)  : i32 {
          %mul3A_250 = arith.constant 16 : i32
          %mul3A_251 = arith.muli %while3A_248, %mul3A_250 : i32
          %multiple_of3A = tpu.assume_multiple %mul3A_251, 16 : i32
          %add3A_252 = arith.constant 117248 : i32
          %add3A_253 = arith.addi %add3A_252, %multiple_of3A : i32
          %multiple_of3A_254 = tpu.assume_multiple %add3A_253, 16 : i32
          %get3A = arith.index_cast %multiple_of3A_254 : i32 to index
          %get3A_255 = tpu.vector_load %arg13[%get3A] {strides = array<i32>} : memref<117760xf32, #tpu.memory_space<vmem>>, vector<16xf32>,
          %neg3A = arith.constant 0.000000e+00 : f32
          %neg3A_256 = vector.broadcast %neg3A : f32 to vector<16xf32>
          %neg3A_257 = arith.subf %neg3A_256, %get3A_255 : vector<16xf32>
          %get3A_258 = arith.index_cast %multiple_of3A : i32 to index
          %get3A_259 = tpu.vector_load %arg21[%get3A_258] {strides = array<i32>} : memref<512xf32, #tpu.memory_space<vmem>>, vector<16xf32>,
          %lt3A_260 = arith.cmpf olt, %neg3A_257, %get3A_259 : vector<16xf32>
          %select_n3A_261 = arith.select %lt3A_260, %neg3A_257, %get3A_259 : vector<16xi1>, vector<16xf32>
          %swap3A_262 = arith.index_cast %multiple_of3A : i32 to index
          %swap3A_263 = tpu.vector_load %arg21[%swap3A_262] {strides = array<i32>} : memref<512xf32, #tpu.memory_space<vmem>>, vector<16xf32>,
          tpu.vector_store %arg21[%swap3A_262], %select_n3A_261 {strides = array<i32>} : memref<512xf32, #tpu.memory_space<vmem>>, vector<16xf32>,
          %while3A_264 = arith.constant 0 : i32
          scf.yield %while3A_264 : i32
        }
        %while3A_247 = arith.constant 0 : i32
        scf.yield %while3A_247 : i32
      }
      %while3A_181 = arith.constant 0 : i32
      %while3A_182 = arith.constant 0 : i32
      %while3A_183 = arith.subi %select_n3A_64, %while3A_181 : i32
      %while3A_184 = arith.addi %while3A_181, %while3A_183 : i32
      %while3A_185 = arith.constant 1 : i32
      %while3A_186 = arith.divsi %while3A_183, %while3A_185 : i32
      %while3A_187 = arith.muli %while3A_186, %while3A_185 : i32
      %while3A_188 = arith.addi %while3A_181, %while3A_187 : i32
      %while3A_189 = arith.constant 1 : i32
      %while3A_190 = scf.for %while3A_220 = %while3A_181 to %while3A_188 step %while3A_189 iter_args(%while3A_221 = %while3A_182) -> (i32)  : i32 {
        %mul3A_222 = arith.constant 16 : i32
        %mul3A_223 = arith.muli %while3A_220, %mul3A_222 : i32
        %multiple_of3A = tpu.assume_multiple %mul3A_223, 16 : i32
        %broadcast_in_dim3A_224 = arith.constant 0.000000e+00 : f32
        %broadcast_in_dim3A_225 = vector.broadcast %broadcast_in_dim3A_224 : f32 to vector<16xf32>
        %swap3A_226 = arith.index_cast %multiple_of3A : i32 to index
        %swap3A_227 = tpu.vector_load %arg14[%swap3A_226] {strides = array<i32>} : memref<512xf32, #tpu.memory_space<vmem>>, vector<16xf32>,
        tpu.vector_store %arg14[%swap3A_226], %broadcast_in_dim3A_225 {strides = array<i32>} : memref<512xf32, #tpu.memory_space<vmem>>, vector<16xf32>,
        %iota3A = tpu.iota {dimensions = array<i32: 0>} : vector<16xi32>
        %add3A_228 = vector.broadcast %multiple_of3A : i32 to vector<16xi32>
        %add3A_229 = arith.addi %add3A_228, %iota3A : vector<16xi32>
        %lt3A_230 = vector.broadcast %scan3A_35 : i32 to vector<16xi32>
        %lt3A_231 = arith.cmpi slt, %add3A_229, %lt3A_230 : vector<16xi32>
        %jit3A_232 = arith.constant 1.000000e+00 : f32
        %jit3A_233 = arith.constant 0.000000e+00 : f32
        %broadcast_in_dim3A_234 = vector.broadcast %jit3A_232 : f32 to vector<16xf32>
        %broadcast_in_dim3A_235 = vector.broadcast %jit3A_233 : f32 to vector<16xf32>
        %select_n3A_236 = arith.select %lt3A_231, %broadcast_in_dim3A_234, %broadcast_in_dim3A_235 : vector<16xi1>, vector<16xf32>
        %swap3A_237 = arith.index_cast %multiple_of3A : i32 to index
        %swap3A_238 = tpu.vector_load %arg17[%swap3A_237] {strides = array<i32>} : memref<512xf32, #tpu.memory_space<vmem>>, vector<16xf32>,
        tpu.vector_store %arg17[%swap3A_237], %select_n3A_236 {strides = array<i32>} : memref<512xf32, #tpu.memory_space<vmem>>, vector<16xf32>,
        %gt3A_239 = arith.constant 5.000000e-01 : f32
        %gt3A_240 = vector.broadcast %gt3A_239 : f32 to vector<16xf32>
        %gt3A_241 = arith.cmpf ogt, %select_n3A_236, %gt3A_240 : vector<16xf32>
        %get3A = arith.index_cast %multiple_of3A : i32 to index
        %get3A_242 = tpu.vector_load %arg21[%get3A] {strides = array<i32>} : memref<512xf32, #tpu.memory_space<vmem>>, vector<16xf32>,
        %jit3A_243 = arith.constant 0.000000e+00 : f32
        %broadcast_in_dim3A_244 = vector.broadcast %jit3A_243 : f32 to vector<16xf32>
        %select_n3A_245 = arith.select %gt3A_241, %get3A_242, %broadcast_in_dim3A_244 : vector<16xi1>, vector<16xf32>
        %swap3A_246 = arith.index_cast %multiple_of3A : i32 to index
        %swap3A_247 = tpu.vector_load %arg15[%swap3A_246] {strides = array<i32>} : memref<512xf32, #tpu.memory_space<vmem>>, vector<16xf32>,
        tpu.vector_store %arg15[%swap3A_246], %select_n3A_245 {strides = array<i32>} : memref<512xf32, #tpu.memory_space<vmem>>, vector<16xf32>,
        %broadcast_in_dim3A_248 = arith.constant -1 : i32
        %broadcast_in_dim3A_249 = vector.broadcast %broadcast_in_dim3A_248 : i32 to vector<16xi32>
        %swap3A_250 = arith.index_cast %multiple_of3A : i32 to index
        %swap3A_251 = tpu.vector_load %arg20[%swap3A_250] {strides = array<i32>} : memref<512xi32, #tpu.memory_space<vmem>>, vector<16xi32>,
        tpu.vector_store %arg20[%swap3A_250], %broadcast_in_dim3A_249 {strides = array<i32>} : memref<512xi32, #tpu.memory_space<vmem>>, vector<16xi32>,
        %while3A_252 = arith.constant 0 : i32
        scf.yield %while3A_252 : i32
      }
      %while3A_191 = arith.constant 1 : i32
      %while3A_192 = scf.for %while3A_220 = %while3A_188 to %while3A_184 step %while3A_191 iter_args(%while3A_221 = %while3A_190) -> (i32)  : i32 {
        %mul3A_222 = arith.constant 16 : i32
        %mul3A_223 = arith.muli %while3A_220, %mul3A_222 : i32
        %multiple_of3A = tpu.assume_multiple %mul3A_223, 16 : i32
        %broadcast_in_dim3A_224 = arith.constant 0.000000e+00 : f32
        %broadcast_in_dim3A_225 = vector.broadcast %broadcast_in_dim3A_224 : f32 to vector<16xf32>
        %swap3A_226 = arith.index_cast %multiple_of3A : i32 to index
        %swap3A_227 = tpu.vector_load %arg14[%swap3A_226] {strides = array<i32>} : memref<512xf32, #tpu.memory_space<vmem>>, vector<16xf32>,
        tpu.vector_store %arg14[%swap3A_226], %broadcast_in_dim3A_225 {strides = array<i32>} : memref<512xf32, #tpu.memory_space<vmem>>, vector<16xf32>,
        %iota3A = tpu.iota {dimensions = array<i32: 0>} : vector<16xi32>
        %add3A_228 = vector.broadcast %multiple_of3A : i32 to vector<16xi32>
        %add3A_229 = arith.addi %add3A_228, %iota3A : vector<16xi32>
        %lt3A_230 = vector.broadcast %scan3A_35 : i32 to vector<16xi32>
        %lt3A_231 = arith.cmpi slt, %add3A_229, %lt3A_230 : vector<16xi32>
        %jit3A_232 = arith.constant 1.000000e+00 : f32
        %jit3A_233 = arith.constant 0.000000e+00 : f32
        %broadcast_in_dim3A_234 = vector.broadcast %jit3A_232 : f32 to vector<16xf32>
        %broadcast_in_dim3A_235 = vector.broadcast %jit3A_233 : f32 to vector<16xf32>
        %select_n3A_236 = arith.select %lt3A_231, %broadcast_in_dim3A_234, %broadcast_in_dim3A_235 : vector<16xi1>, vector<16xf32>
        %swap3A_237 = arith.index_cast %multiple_of3A : i32 to index
        %swap3A_238 = tpu.vector_load %arg17[%swap3A_237] {strides = array<i32>} : memref<512xf32, #tpu.memory_space<vmem>>, vector<16xf32>,
        tpu.vector_store %arg17[%swap3A_237], %select_n3A_236 {strides = array<i32>} : memref<512xf32, #tpu.memory_space<vmem>>, vector<16xf32>,
        %gt3A_239 = arith.constant 5.000000e-01 : f32
        %gt3A_240 = vector.broadcast %gt3A_239 : f32 to vector<16xf32>
        %gt3A_241 = arith.cmpf ogt, %select_n3A_236, %gt3A_240 : vector<16xf32>
        %get3A = arith.index_cast %multiple_of3A : i32 to index
        %get3A_242 = tpu.vector_load %arg21[%get3A] {strides = array<i32>} : memref<512xf32, #tpu.memory_space<vmem>>, vector<16xf32>,
        %jit3A_243 = arith.constant 0.000000e+00 : f32
        %broadcast_in_dim3A_244 = vector.broadcast %jit3A_243 : f32 to vector<16xf32>
        %select_n3A_245 = arith.select %gt3A_241, %get3A_242, %broadcast_in_dim3A_244 : vector<16xi1>, vector<16xf32>
        %swap3A_246 = arith.index_cast %multiple_of3A : i32 to index
        %swap3A_247 = tpu.vector_load %arg15[%swap3A_246] {strides = array<i32>} : memref<512xf32, #tpu.memory_space<vmem>>, vector<16xf32>,
        tpu.vector_store %arg15[%swap3A_246], %select_n3A_245 {strides = array<i32>} : memref<512xf32, #tpu.memory_space<vmem>>, vector<16xf32>,
        %broadcast_in_dim3A_248 = arith.constant -1 : i32
        %broadcast_in_dim3A_249 = vector.broadcast %broadcast_in_dim3A_248 : i32 to vector<16xi32>
        %swap3A_250 = arith.index_cast %multiple_of3A : i32 to index
        %swap3A_251 = tpu.vector_load %arg20[%swap3A_250] {strides = array<i32>} : memref<512xi32, #tpu.memory_space<vmem>>, vector<16xi32>,
        tpu.vector_store %arg20[%swap3A_250], %broadcast_in_dim3A_249 {strides = array<i32>} : memref<512xi32, #tpu.memory_space<vmem>>, vector<16xi32>,
        %while3A_252 = arith.constant 0 : i32
        scf.yield %while3A_252 : i32
      }
      %while3A_193 = arith.constant 0 : i32
      %while3A_194 = arith.constant 0 : i32
      "tpu.trace_start"() <{level = 10 : i32, message = "jv_phases"}> : () -> ()
      %while3A_195 = arith.subi %scan3A_35, %while3A_193 : i32
      %while3A_196 = arith.addi %while3A_193, %while3A_195 : i32
      %while3A_197 = arith.constant 1 : i32
      %while3A_198 = arith.divsi %while3A_195, %while3A_197 : i32
      %while3A_199 = arith.muli %while3A_198, %while3A_197 : i32
      %while3A_200 = arith.addi %while3A_193, %while3A_199 : i32
      %while3A_201 = arith.constant 1 : i32
      %while3A_202 = scf.for %while3A_220 = %while3A_193 to %while3A_200 step %while3A_201 iter_args(%while3A_221 = %while3A_194) -> (i32)  : i32 {
        %lt3A_222 = arith.cmpi slt, %while3A_220, %min3A : i32
        %convert_element_type3A_223 = arith.extui %lt3A_222 : i1 to i32
        %cond3A_224 = arith.constant 0 : i32
        %cond3A_225 = arith.cmpi ne, %convert_element_type3A_223, %cond3A_224 : i32
        scf.if %cond3A_225 {
        } else {
          %scan3A_311 = arith.constant 0 : i32
          %scan3A_312 = arith.constant 0 : i32
          %scan3A_313 = arith.constant 32 : i32
          %scan3A_314 = arith.addi %scan3A_312, %scan3A_313 : i32
          %scan3A_315 = arith.constant 1 : i32
          %scan3A_316 = scf.for %scan3A_324 = %scan3A_312 to %scan3A_314 step %scan3A_315 iter_args(%scan3A_325 = %scan3A_311) -> (i32)  : i32 {
            %sub3A_326 = arith.constant 1 : i32
            %sub3A_327 = arith.subi %select_n3A_64, %sub3A_326 : i32
            %min3A_328 = arith.minsi %scan3A_324, %sub3A_327 : i32
            %sub3A_329 = arith.constant 1 : i32
            %sub3A_330 = arith.subi %scan3A_35, %sub3A_329 : i32
            %min3A_331 = arith.minsi %while3A_220, %sub3A_330 : i32
            %broadcast_in_dim3A_332 = vector.broadcast %min3A_331 : i32 to vector<16xi32>
            %gather3A_333 = tpu.vector_load_idx %arg12[%broadcast_in_dim3A_332] : memref<512xi32, #tpu.memory_space<vmem>>[vector<16xi32>], vector<16xi32>,
            %reduce_max3A_334 = arith.constant true
            %reduce_max3A_335 = vector.broadcast %reduce_max3A_334 : i1 to vector<16xi1>
            %reduce_max3A_336 = arith.constant -2147483648 : i32
            %reduce_max3A_337 = vector.broadcast %reduce_max3A_336 : i32 to vector<16xi32>
            %reduce_max3A_338 = arith.xori %gather3A_333, %reduce_max3A_337 : vector<16xi32>
            %reduce_max3A_339 = tpu.scan <max>, %reduce_max3A_338 masked %reduce_max3A_335 : vector<16xi32>, vector<16xi1> -> vector<16xi32>
            %reduce_max3A_340 = arith.xori %reduce_max3A_339, %reduce_max3A_337 : vector<16xi32>
            %reduce_max3A_341 = vector.extract %reduce_max3A_340[15] : i32 from vector<16xi32>
            %mul3A_342 = arith.constant 16 : i32
            %mul3A_343 = arith.muli %min3A_328, %mul3A_342 : i32
            %multiple_of3A = tpu.assume_multiple %mul3A_343, 16 : i32
            %get3A = arith.index_cast %multiple_of3A : i32 to index
            %get3A_344 = tpu.vector_load %arg11[%get3A] {strides = array<i32>} : memref<512xi32, #tpu.memory_space<vmem>>, vector<16xi32>,
            %iota3A_345 = tpu.iota {dimensions = array<i32: 0>} : vector<16xi32>
            %add3A_346 = vector.broadcast %multiple_of3A : i32 to vector<16xi32>
            %add3A_347 = arith.addi %add3A_346, %iota3A_345 : vector<16xi32>
            %lt3A_348 = vector.broadcast %scan3A_35 : i32 to vector<16xi32>
            %lt3A_349 = arith.cmpi slt, %add3A_347, %lt3A_348 : vector<16xi32>
            %jit3A_350 = arith.constant 0 : i32
            %broadcast_in_dim3A_351 = vector.broadcast %jit3A_350 : i32 to vector<16xi32>
            %select_n3A_352 = arith.select %lt3A_349, %get3A_344, %broadcast_in_dim3A_351 : vector<16xi1>, vector<16xi32>
            %add3A_353 = vector.broadcast %reduce_max3A_341 : i32 to vector<16xi32>
            %add3A_354 = arith.addi %add3A_353, %select_n3A_352 : vector<16xi32>
            %mul3A_355 = arith.constant 16 : i32
            %mul3A_356 = arith.muli %scan3A_324, %mul3A_355 : i32
            %multiple_of3A_357 = tpu.assume_multiple %mul3A_356, 16 : i32
            %swap3A_358 = arith.index_cast %multiple_of3A_357 : i32 to index
            %swap3A_359 = tpu.vector_load %arg22[%swap3A_358] {strides = array<i32>} : memref<512xi32, #tpu.memory_space<vmem>>, vector<16xi32>,
            tpu.vector_store %arg22[%swap3A_358], %add3A_354 {strides = array<i32>} : memref<512xi32, #tpu.memory_space<vmem>>, vector<16xi32>,
            %scan3A_360 = arith.constant 0 : i32
            scf.yield %scan3A_360 : i32
          }
          %scan3A_317 = arith.constant 32 : i32
          %dma_start3A = arith.constant 117248 : i32
          %dma_start3A_318 = tpu.memref_slice %arg13[%dma_start3A] : memref<117760xf32, #tpu.memory_space<vmem>> -> memref<512xf32, #tpu.memory_space<vmem>>
          %dma_start3A_319 = arith.constant 0 : i32
          %dma_start3A_320 = tpu.memref_slice %arg2[%dma_start3A_319] : memref<33554432xf32, #tpu.memory_space<hbm>> -> memref<33554432xf32, #tpu.memory_space<hbm>>
          tpu.enqueue_indirect_dma source(%dma_start3A_320 : memref<33554432xf32, #tpu.memory_space<hbm>>) target(%dma_start3A_318 : memref<512xf32, #tpu.memory_space<vmem>>) offsets(%arg22 : memref<512xi32, #tpu.memory_space<vmem>>) semaphore(%arg24 : memref<!tpu.dma_semaphore, #tpu.memory_space<semaphore_mem>>)
          %dma_wait3A = arith.constant 117248 : i32
          %dma_wait3A_321 = tpu.memref_slice %arg13[%dma_wait3A] : memref<117760xf32, #tpu.memory_space<vmem>> -> memref<512xf32, #tpu.memory_space<vmem>>
          %dma_wait3A_322 = arith.constant 0 : i32
          %dma_wait3A_323 = tpu.memref_slice %arg2[%dma_wait3A_322] : memref<33554432xf32, #tpu.memory_space<hbm>> -> memref<33554432xf32, #tpu.memory_space<hbm>>
          tpu.wait_indirect_dma semaphore(%arg24 : memref<!tpu.dma_semaphore, #tpu.memory_space<semaphore_mem>>) src(%dma_wait3A_323 : memref<33554432xf32, #tpu.memory_space<hbm>>) dst(%dma_wait3A_321 : memref<512xf32, #tpu.memory_space<vmem>>)
        }
        %lt3A_226 = arith.cmpi slt, %while3A_220, %min3A : i32
        %mul3A_227 = arith.muli %while3A_220, %mul3A_66 : i32
        %jit3A_228 = arith.constant 117248 : i32
        %select_n3A_229 = arith.select %lt3A_226, %mul3A_227, %jit3A_228 : i32
        %broadcast_in_dim3A_230 = vector.broadcast %while3A_220 : i32 to vector<16xi32>
        %gather3A = tpu.vector_load_idx %arg14[%broadcast_in_dim3A_230] : memref<512xf32, #tpu.memory_space<vmem>>[vector<16xi32>], vector<16xf32>,
        %reduce_max3A = arith.constant true
        %reduce_max3A_231 = vector.broadcast %reduce_max3A : i1 to vector<16xi1>
        %reduce_max3A_232 = tpu.scan <max>, %gather3A masked %reduce_max3A_231 : vector<16xf32>, vector<16xi1> -> vector<16xf32>
        %reduce_max3A_233 = vector.extract %reduce_max3A_232[15] : f32 from vector<16xf32>
        %broadcast_in_dim3A_234 = arith.constant 1.000000e+30 : f32
        %broadcast_in_dim3A_235 = vector.broadcast %broadcast_in_dim3A_234 : f32 to vector<16xf32>
        %broadcast_in_dim3A_236 = arith.constant 0 : i32
        %broadcast_in_dim3A_237 = vector.broadcast %broadcast_in_dim3A_236 : i32 to vector<16xi32>
        %while3A_238 = arith.constant 0 : i32
        %while3A_239 = arith.subi %select_n3A_64, %while3A_238 : i32
        %while3A_240 = arith.addi %while3A_238, %while3A_239 : i32
        %while3A_241 = arith.constant 1 : i32
        %while3A_242 = arith.divsi %while3A_239, %while3A_241 : i32
        %while3A_243 = arith.muli %while3A_242, %while3A_241 : i32
        %while3A_244 = arith.addi %while3A_238, %while3A_243 : i32
        %while3A_245 = arith.constant 1 : i32
        %while3A_246:2 = scf.for %while3A_311 = %while3A_238 to %while3A_244 step %while3A_245 iter_args(%while3A_312 = %broadcast_in_dim3A_235, %while3A_313 = %broadcast_in_dim3A_237) -> (vector<16xf32>, vector<16xi32>)  : i32 {
          %mul3A_314 = arith.constant 16 : i32
          %mul3A_315 = arith.muli %while3A_311, %mul3A_314 : i32
          %multiple_of3A = tpu.assume_multiple %mul3A_315, 16 : i32
          %add3A_316 = arith.addi %select_n3A_229, %multiple_of3A : i32
          %multiple_of3A_317 = tpu.assume_multiple %add3A_316, 16 : i32
          %get3A = arith.index_cast %multiple_of3A_317 : i32 to index
          %get3A_318 = tpu.vector_load %arg13[%get3A] {strides = array<i32>} : memref<117760xf32, #tpu.memory_space<vmem>>, vector<16xf32>,
          %neg3A = arith.constant 0.000000e+00 : f32
          %neg3A_319 = vector.broadcast %neg3A : f32 to vector<16xf32>
          %neg3A_320 = arith.subf %neg3A_319, %get3A_318 : vector<16xf32>
          %sub3A_321 = vector.broadcast %reduce_max3A_233 : f32 to vector<16xf32>
          %sub3A_322 = arith.subf %neg3A_320, %sub3A_321 : vector<16xf32>
          %get3A_323 = arith.index_cast %multiple_of3A : i32 to index
          %get3A_324 = tpu.vector_load %arg15[%get3A_323] {strides = array<i32>} : memref<512xf32, #tpu.memory_space<vmem>>, vector<16xf32>,
          %sub3A_325 = arith.subf %sub3A_322, %get3A_324 : vector<16xf32>
          %swap3A_326 = arith.index_cast %multiple_of3A : i32 to index
          %swap3A_327 = tpu.vector_load %arg16[%swap3A_326] {strides = array<i32>} : memref<512xf32, #tpu.memory_space<vmem>>, vector<16xf32>,
          tpu.vector_store %arg16[%swap3A_326], %sub3A_325 {strides = array<i32>} : memref<512xf32, #tpu.memory_space<vmem>>, vector<16xf32>,
          %broadcast_in_dim3A_328 = arith.constant -1 : i32
          %broadcast_in_dim3A_329 = vector.broadcast %broadcast_in_dim3A_328 : i32 to vector<16xi32>
          %swap3A_330 = arith.index_cast %multiple_of3A : i32 to index
          %swap3A_331 = tpu.vector_load %arg18[%swap3A_330] {strides = array<i32>} : memref<512xi32, #tpu.memory_space<vmem>>, vector<16xi32>,
          tpu.vector_store %arg18[%swap3A_330], %broadcast_in_dim3A_329 {strides = array<i32>} : memref<512xi32, #tpu.memory_space<vmem>>, vector<16xi32>,
          %broadcast_in_dim3A_332 = arith.constant 0.000000e+00 : f32
          %broadcast_in_dim3A_333 = vector.broadcast %broadcast_in_dim3A_332 : f32 to vector<16xf32>
          %swap3A_334 = arith.index_cast %multiple_of3A : i32 to index
          %swap3A_335 = tpu.vector_load %arg19[%swap3A_334] {strides = array<i32>} : memref<512xf32, #tpu.memory_space<vmem>>, vector<16xf32>,
          tpu.vector_store %arg19[%swap3A_334], %broadcast_in_dim3A_333 {strides = array<i32>} : memref<512xf32, #tpu.memory_space<vmem>>, vector<16xf32>,
          %get3A_336 = arith.index_cast %multiple_of3A : i32 to index
          %get3A_337 = tpu.vector_load %arg17[%get3A_336] {strides = array<i32>} : memref<512xf32, #tpu.memory_space<vmem>>, vector<16xf32>,
          %gt3A_338 = arith.constant 5.000000e-01 : f32
          %gt3A_339 = vector.broadcast %gt3A_338 : f32 to vector<16xf32>
          %gt3A_340 = arith.cmpf ogt, %get3A_337, %gt3A_339 : vector<16xf32>
          %jit3A_341 = arith.constant 1.000000e+30 : f32
          %broadcast_in_dim3A_342 = vector.broadcast %jit3A_341 : f32 to vector<16xf32>
          %select_n3A_343 = arith.select %gt3A_340, %sub3A_325, %broadcast_in_dim3A_342 : vector<16xi1>, vector<16xf32>
          %lt3A_344 = arith.cmpf olt, %select_n3A_343, %while3A_312 : vector<16xf32>
          %select_n3A_345 = arith.select %lt3A_344, %select_n3A_343, %while3A_312 : vector<16xi1>, vector<16xf32>
          %broadcast_in_dim3A_346 = vector.broadcast %while3A_311 : i32 to vector<16xi32>
          %select_n3A_347 = arith.select %lt3A_344, %broadcast_in_dim3A_346, %while3A_313 : vector<16xi1>, vector<16xi32>
          scf.yield %select_n3A_345, %select_n3A_347 : vector<16xf32>, vector<16xi32>
        }
        %while3A_247 = arith.constant 1 : i32
        %while3A_248:2 = scf.for %while3A_311 = %while3A_244 to %while3A_240 step %while3A_247 iter_args(%while3A_312 = %while3A_246#0, %while3A_313 = %while3A_246#1) -> (vector<16xf32>, vector<16xi32>)  : i32 {
          %mul3A_314 = arith.constant 16 : i32
          %mul3A_315 = arith.muli %while3A_311, %mul3A_314 : i32
          %multiple_of3A = tpu.assume_multiple %mul3A_315, 16 : i32
          %add3A_316 = arith.addi %select_n3A_229, %multiple_of3A : i32
          %multiple_of3A_317 = tpu.assume_multiple %add3A_316, 16 : i32
          %get3A = arith.index_cast %multiple_of3A_317 : i32 to index
          %get3A_318 = tpu.vector_load %arg13[%get3A] {strides = array<i32>} : memref<117760xf32, #tpu.memory_space<vmem>>, vector<16xf32>,
          %neg3A = arith.constant 0.000000e+00 : f32
          %neg3A_319 = vector.broadcast %neg3A : f32 to vector<16xf32>
          %neg3A_320 = arith.subf %neg3A_319, %get3A_318 : vector<16xf32>
          %sub3A_321 = vector.broadcast %reduce_max3A_233 : f32 to vector<16xf32>
          %sub3A_322 = arith.subf %neg3A_320, %sub3A_321 : vector<16xf32>
          %get3A_323 = arith.index_cast %multiple_of3A : i32 to index
          %get3A_324 = tpu.vector_load %arg15[%get3A_323] {strides = array<i32>} : memref<512xf32, #tpu.memory_space<vmem>>, vector<16xf32>,
          %sub3A_325 = arith.subf %sub3A_322, %get3A_324 : vector<16xf32>
          %swap3A_326 = arith.index_cast %multiple_of3A : i32 to index
          %swap3A_327 = tpu.vector_load %arg16[%swap3A_326] {strides = array<i32>} : memref<512xf32, #tpu.memory_space<vmem>>, vector<16xf32>,
          tpu.vector_store %arg16[%swap3A_326], %sub3A_325 {strides = array<i32>} : memref<512xf32, #tpu.memory_space<vmem>>, vector<16xf32>,
          %broadcast_in_dim3A_328 = arith.constant -1 : i32
          %broadcast_in_dim3A_329 = vector.broadcast %broadcast_in_dim3A_328 : i32 to vector<16xi32>
          %swap3A_330 = arith.index_cast %multiple_of3A : i32 to index
          %swap3A_331 = tpu.vector_load %arg18[%swap3A_330] {strides = array<i32>} : memref<512xi32, #tpu.memory_space<vmem>>, vector<16xi32>,
          tpu.vector_store %arg18[%swap3A_330], %broadcast_in_dim3A_329 {strides = array<i32>} : memref<512xi32, #tpu.memory_space<vmem>>, vector<16xi32>,
          %broadcast_in_dim3A_332 = arith.constant 0.000000e+00 : f32
          %broadcast_in_dim3A_333 = vector.broadcast %broadcast_in_dim3A_332 : f32 to vector<16xf32>
          %swap3A_334 = arith.index_cast %multiple_of3A : i32 to index
          %swap3A_335 = tpu.vector_load %arg19[%swap3A_334] {strides = array<i32>} : memref<512xf32, #tpu.memory_space<vmem>>, vector<16xf32>,
          tpu.vector_store %arg19[%swap3A_334], %broadcast_in_dim3A_333 {strides = array<i32>} : memref<512xf32, #tpu.memory_space<vmem>>, vector<16xf32>,
          %get3A_336 = arith.index_cast %multiple_of3A : i32 to index
          %get3A_337 = tpu.vector_load %arg17[%get3A_336] {strides = array<i32>} : memref<512xf32, #tpu.memory_space<vmem>>, vector<16xf32>,
          %gt3A_338 = arith.constant 5.000000e-01 : f32
          %gt3A_339 = vector.broadcast %gt3A_338 : f32 to vector<16xf32>
          %gt3A_340 = arith.cmpf ogt, %get3A_337, %gt3A_339 : vector<16xf32>
          %jit3A_341 = arith.constant 1.000000e+30 : f32
          %broadcast_in_dim3A_342 = vector.broadcast %jit3A_341 : f32 to vector<16xf32>
          %select_n3A_343 = arith.select %gt3A_340, %sub3A_325, %broadcast_in_dim3A_342 : vector<16xi1>, vector<16xf32>
          %lt3A_344 = arith.cmpf olt, %select_n3A_343, %while3A_312 : vector<16xf32>
          %select_n3A_345 = arith.select %lt3A_344, %select_n3A_343, %while3A_312 : vector<16xi1>, vector<16xf32>
          %broadcast_in_dim3A_346 = vector.broadcast %while3A_311 : i32 to vector<16xi32>
          %select_n3A_347 = arith.select %lt3A_344, %broadcast_in_dim3A_346, %while3A_313 : vector<16xi1>, vector<16xi32>
          scf.yield %select_n3A_345, %select_n3A_347 : vector<16xf32>, vector<16xi32>
        }
        %reduce_min3A = arith.constant true
        %reduce_min3A_249 = vector.broadcast %reduce_min3A : i1 to vector<16xi1>
        %reduce_min3A_250 = tpu.scan <min>, %while3A_248#0 masked %reduce_min3A_249 : vector<16xf32>, vector<16xi1> -> vector<16xf32>
        %reduce_min3A_251 = vector.extract %reduce_min3A_250[15] : f32 from vector<16xf32>
        %le3A = vector.broadcast %reduce_min3A_251 : f32 to vector<16xf32>
        %le3A_252 = arith.cmpf ole, %while3A_248#0, %le3A : vector<16xf32>
        %all_reduce_ffs3A = tpu.all_reduce %le3A_252 {dim = 0 : i64, kind = #tpu.reduction_kind<find_first_set>} : vector<16xi1> -> vector<16xi32>
        %reduce_max3A_253 = arith.constant true
        %reduce_max3A_254 = vector.broadcast %reduce_max3A_253 : i1 to vector<16xi1>
        %reduce_max3A_255 = arith.constant -2147483648 : i32
        %reduce_max3A_256 = vector.broadcast %reduce_max3A_255 : i32 to vector<16xi32>
        %reduce_max3A_257 = arith.xori %all_reduce_ffs3A, %reduce_max3A_256 : vector<16xi32>
        %reduce_max3A_258 = tpu.scan <max>, %reduce_max3A_257 masked %reduce_max3A_254 : vector<16xi32>, vector<16xi1> -> vector<16xi32>
        %reduce_max3A_259 = arith.xori %reduce_max3A_258, %reduce_max3A_256 : vector<16xi32>
        %reduce_max3A_260 = vector.extract %reduce_max3A_259[15] : i32 from vector<16xi32>
        %iota3A = tpu.iota {dimensions = array<i32: 0>} : vector<16xi32>
        %eq3A_261 = vector.broadcast %reduce_max3A_260 : i32 to vector<16xi32>
        %eq3A_262 = arith.cmpi eq, %iota3A, %eq3A_261 : vector<16xi32>
        %jit3A_263 = arith.constant 0 : i32
        %broadcast_in_dim3A_264 = vector.broadcast %jit3A_263 : i32 to vector<16xi32>
        %select_n3A_265 = arith.select %eq3A_262, %while3A_248#1, %broadcast_in_dim3A_264 : vector<16xi1>, vector<16xi32>
        %reduce_sum3A = arith.constant true
        %reduce_sum3A_266 = vector.broadcast %reduce_sum3A : i1 to vector<16xi1>
        %reduce_sum3A_267 = tpu.scan <sum>, %select_n3A_265 masked %reduce_sum3A_266 : vector<16xi32>, vector<16xi1> -> vector<16xi32>
        %reduce_sum3A_268 = vector.extract %reduce_sum3A_267[15] : i32 from vector<16xi32>
        %mul3A_269 = arith.constant 16 : i32
        %mul3A_270 = arith.muli %reduce_sum3A_268, %mul3A_269 : i32
        %add3A_271 = arith.addi %mul3A_270, %reduce_max3A_260 : i32
        %broadcast_in_dim3A_272 = vector.broadcast %add3A_271 : i32 to vector<16xi32>
        %broadcast_in_dim3A_273 = arith.constant 1.000000e+00 : f32
        %broadcast_in_dim3A_274 = vector.broadcast %broadcast_in_dim3A_273 : f32 to vector<16xf32>
        %iota3A_275 = tpu.iota {dimensions = array<i32: 0>} : vector<16xi32>
        %eq3A_276 = arith.constant 0 : i32
        %eq3A_277 = vector.broadcast %eq3A_276 : i32 to vector<16xi32>
        %eq3A_278 = arith.cmpi eq, %iota3A_275, %eq3A_277 : vector<16xi32>
        tpu.vector_store_idx %arg19[%broadcast_in_dim3A_272], %broadcast_in_dim3A_274 masked %eq3A_278 : memref<512xf32, #tpu.memory_space<vmem>>[vector<16xi32>], vector<16xf32>, vector<16xi1>
        %broadcast_in_dim3A_279 = vector.broadcast %add3A_271 : i32 to vector<16xi32>
        %gather3A_280 = tpu.vector_load_idx %arg20[%broadcast_in_dim3A_279] : memref<512xi32, #tpu.memory_space<vmem>>[vector<16xi32>], vector<16xi32>,
        %reduce_max3A_281 = arith.constant true
        %reduce_max3A_282 = vector.broadcast %reduce_max3A_281 : i1 to vector<16xi1>
        %reduce_max3A_283 = arith.constant -2147483648 : i32
        %reduce_max3A_284 = vector.broadcast %reduce_max3A_283 : i32 to vector<16xi32>
        %reduce_max3A_285 = arith.xori %gather3A_280, %reduce_max3A_284 : vector<16xi32>
        %reduce_max3A_286 = tpu.scan <max>, %reduce_max3A_285 masked %reduce_max3A_282 : vector<16xi32>, vector<16xi1> -> vector<16xi32>
        %reduce_max3A_287 = arith.xori %reduce_max3A_286, %reduce_max3A_284 : vector<16xi32>
        %reduce_max3A_288 = vector.extract %reduce_max3A_287[15] : i32 from vector<16xi32>
        %while3A_289:3 = scf.while (%while3A_311 = %add3A_271, %while3A_312 = %reduce_min3A_251, %while3A_313 = %reduce_max3A_288) : (i32, f32, i32) -> (i32, f32, i32) {
          %ge3A = arith.constant 0 : i32
          %ge3A_314 = arith.cmpi sge, %while3A_313, %ge3A : i32
          scf.condition(%ge3A_314) %while3A_311, %while3A_312, %while3A_313 : i32, f32, i32
        } do {
        ^bb0(%while3A_311: i32, %while3A_312: f32, %while3A_313: i32):
          %lt3A_314 = arith.cmpi slt, %while3A_313, %min3A : i32
          %convert_element_type3A_315 = arith.extui %lt3A_314 : i1 to i32
          %cond3A_316 = arith.constant 0 : i32
          %cond3A_317 = arith.cmpi ne, %convert_element_type3A_315, %cond3A_316 : i32
          scf.if %cond3A_317 {
          } else {
            %scan3A_388 = arith.constant 0 : i32
            %scan3A_389 = arith.constant 0 : i32
            %scan3A_390 = arith.constant 32 : i32
            %scan3A_391 = arith.addi %scan3A_389, %scan3A_390 : i32
            %scan3A_392 = arith.constant 1 : i32
            %scan3A_393 = scf.for %scan3A_401 = %scan3A_389 to %scan3A_391 step %scan3A_392 iter_args(%scan3A_402 = %scan3A_388) -> (i32)  : i32 {
              %sub3A_403 = arith.constant 1 : i32
              %sub3A_404 = arith.subi %select_n3A_64, %sub3A_403 : i32
              %min3A_405 = arith.minsi %scan3A_401, %sub3A_404 : i32
              %sub3A_406 = arith.constant 1 : i32
              %sub3A_407 = arith.subi %scan3A_35, %sub3A_406 : i32
              %min3A_408 = arith.minsi %while3A_313, %sub3A_407 : i32
              %broadcast_in_dim3A_409 = vector.broadcast %min3A_408 : i32 to vector<16xi32>
              %gather3A_410 = tpu.vector_load_idx %arg12[%broadcast_in_dim3A_409] : memref<512xi32, #tpu.memory_space<vmem>>[vector<16xi32>], vector<16xi32>,
              %reduce_max3A_411 = arith.constant true
              %reduce_max3A_412 = vector.broadcast %reduce_max3A_411 : i1 to vector<16xi1>
              %reduce_max3A_413 = arith.constant -2147483648 : i32
              %reduce_max3A_414 = vector.broadcast %reduce_max3A_413 : i32 to vector<16xi32>
              %reduce_max3A_415 = arith.xori %gather3A_410, %reduce_max3A_414 : vector<16xi32>
              %reduce_max3A_416 = tpu.scan <max>, %reduce_max3A_415 masked %reduce_max3A_412 : vector<16xi32>, vector<16xi1> -> vector<16xi32>
              %reduce_max3A_417 = arith.xori %reduce_max3A_416, %reduce_max3A_414 : vector<16xi32>
              %reduce_max3A_418 = vector.extract %reduce_max3A_417[15] : i32 from vector<16xi32>
              %mul3A_419 = arith.constant 16 : i32
              %mul3A_420 = arith.muli %min3A_405, %mul3A_419 : i32
              %multiple_of3A = tpu.assume_multiple %mul3A_420, 16 : i32
              %get3A = arith.index_cast %multiple_of3A : i32 to index
              %get3A_421 = tpu.vector_load %arg11[%get3A] {strides = array<i32>} : memref<512xi32, #tpu.memory_space<vmem>>, vector<16xi32>,
              %iota3A_422 = tpu.iota {dimensions = array<i32: 0>} : vector<16xi32>
              %add3A_423 = vector.broadcast %multiple_of3A : i32 to vector<16xi32>
              %add3A_424 = arith.addi %add3A_423, %iota3A_422 : vector<16xi32>
              %lt3A_425 = vector.broadcast %scan3A_35 : i32 to vector<16xi32>
              %lt3A_426 = arith.cmpi slt, %add3A_424, %lt3A_425 : vector<16xi32>
              %jit3A_427 = arith.constant 0 : i32
              %broadcast_in_dim3A_428 = vector.broadcast %jit3A_427 : i32 to vector<16xi32>
              %select_n3A_429 = arith.select %lt3A_426, %get3A_421, %broadcast_in_dim3A_428 : vector<16xi1>, vector<16xi32>
              %add3A_430 = vector.broadcast %reduce_max3A_418 : i32 to vector<16xi32>
              %add3A_431 = arith.addi %add3A_430, %select_n3A_429 : vector<16xi32>
              %mul3A_432 = arith.constant 16 : i32
              %mul3A_433 = arith.muli %scan3A_401, %mul3A_432 : i32
              %multiple_of3A_434 = tpu.assume_multiple %mul3A_433, 16 : i32
              %swap3A_435 = arith.index_cast %multiple_of3A_434 : i32 to index
              %swap3A_436 = tpu.vector_load %arg22[%swap3A_435] {strides = array<i32>} : memref<512xi32, #tpu.memory_space<vmem>>, vector<16xi32>,
              tpu.vector_store %arg22[%swap3A_435], %add3A_431 {strides = array<i32>} : memref<512xi32, #tpu.memory_space<vmem>>, vector<16xi32>,
              %scan3A_437 = arith.constant 0 : i32
              scf.yield %scan3A_437 : i32
            }
            %scan3A_394 = arith.constant 32 : i32
            %dma_start3A = arith.constant 117248 : i32
            %dma_start3A_395 = tpu.memref_slice %arg13[%dma_start3A] : memref<117760xf32, #tpu.memory_space<vmem>> -> memref<512xf32, #tpu.memory_space<vmem>>
            %dma_start3A_396 = arith.constant 0 : i32
            %dma_start3A_397 = tpu.memref_slice %arg2[%dma_start3A_396] : memref<33554432xf32, #tpu.memory_space<hbm>> -> memref<33554432xf32, #tpu.memory_space<hbm>>
            tpu.enqueue_indirect_dma source(%dma_start3A_397 : memref<33554432xf32, #tpu.memory_space<hbm>>) target(%dma_start3A_395 : memref<512xf32, #tpu.memory_space<vmem>>) offsets(%arg22 : memref<512xi32, #tpu.memory_space<vmem>>) semaphore(%arg24 : memref<!tpu.dma_semaphore, #tpu.memory_space<semaphore_mem>>)
            %dma_wait3A = arith.constant 117248 : i32
            %dma_wait3A_398 = tpu.memref_slice %arg13[%dma_wait3A] : memref<117760xf32, #tpu.memory_space<vmem>> -> memref<512xf32, #tpu.memory_space<vmem>>
            %dma_wait3A_399 = arith.constant 0 : i32
            %dma_wait3A_400 = tpu.memref_slice %arg2[%dma_wait3A_399] : memref<33554432xf32, #tpu.memory_space<hbm>> -> memref<33554432xf32, #tpu.memory_space<hbm>>
            tpu.wait_indirect_dma semaphore(%arg24 : memref<!tpu.dma_semaphore, #tpu.memory_space<semaphore_mem>>) src(%dma_wait3A_400 : memref<33554432xf32, #tpu.memory_space<hbm>>) dst(%dma_wait3A_398 : memref<512xf32, #tpu.memory_space<vmem>>)
          }
          %lt3A_318 = arith.cmpi slt, %while3A_313, %min3A : i32
          %mul3A_319 = arith.muli %while3A_313, %mul3A_66 : i32
          %jit3A_320 = arith.constant 117248 : i32
          %select_n3A_321 = arith.select %lt3A_318, %mul3A_319, %jit3A_320 : i32
          %broadcast_in_dim3A_322 = vector.broadcast %while3A_313 : i32 to vector<16xi32>
          %gather3A_323 = tpu.vector_load_idx %arg14[%broadcast_in_dim3A_322] : memref<512xf32, #tpu.memory_space<vmem>>[vector<16xi32>], vector<16xf32>,
          %reduce_max3A_324 = arith.constant true
          %reduce_max3A_325 = vector.broadcast %reduce_max3A_324 : i1 to vector<16xi1>
          %reduce_max3A_326 = tpu.scan <max>, %gather3A_323 masked %reduce_max3A_325 : vector<16xf32>, vector<16xi1> -> vector<16xf32>
          %reduce_max3A_327 = vector.extract %reduce_max3A_326[15] : f32 from vector<16xf32>
          %broadcast_in_dim3A_328 = arith.constant 1.000000e+30 : f32
          %broadcast_in_dim3A_329 = vector.broadcast %broadcast_in_dim3A_328 : f32 to vector<16xf32>
          %broadcast_in_dim3A_330 = arith.constant 0 : i32
          %broadcast_in_dim3A_331 = vector.broadcast %broadcast_in_dim3A_330 : i32 to vector<16xi32>
          %while3A_332 = arith.constant 0 : i32
          %while3A_333 = arith.subi %select_n3A_64, %while3A_332 : i32
          %while3A_334 = arith.addi %while3A_332, %while3A_333 : i32
          %while3A_335 = arith.constant 1 : i32
          %while3A_336 = arith.divsi %while3A_333, %while3A_335 : i32
          %while3A_337 = arith.muli %while3A_336, %while3A_335 : i32
          %while3A_338 = arith.addi %while3A_332, %while3A_337 : i32
          %while3A_339 = arith.constant 1 : i32
          %while3A_340:2 = scf.for %while3A_388 = %while3A_332 to %while3A_338 step %while3A_339 iter_args(%while3A_389 = %broadcast_in_dim3A_329, %while3A_390 = %broadcast_in_dim3A_331) -> (vector<16xf32>, vector<16xi32>)  : i32 {
            %mul3A_391 = arith.constant 16 : i32
            %mul3A_392 = arith.muli %while3A_388, %mul3A_391 : i32
            %multiple_of3A = tpu.assume_multiple %mul3A_392, 16 : i32
            %get3A = arith.index_cast %multiple_of3A : i32 to index
            %get3A_393 = tpu.vector_load %arg19[%get3A] {strides = array<i32>} : memref<512xf32, #tpu.memory_space<vmem>>, vector<16xf32>,
            %get3A_394 = arith.index_cast %multiple_of3A : i32 to index
            %get3A_395 = tpu.vector_load %arg16[%get3A_394] {strides = array<i32>} : memref<512xf32, #tpu.memory_space<vmem>>, vector<16xf32>,
            %add3A_396 = arith.addi %select_n3A_321, %multiple_of3A : i32
            %multiple_of3A_397 = tpu.assume_multiple %add3A_396, 16 : i32
            %get3A_398 = arith.index_cast %multiple_of3A_397 : i32 to index
            %get3A_399 = tpu.vector_load %arg13[%get3A_398] {strides = array<i32>} : memref<117760xf32, #tpu.memory_space<vmem>>, vector<16xf32>,
            %neg3A = arith.constant 0.000000e+00 : f32
            %neg3A_400 = vector.broadcast %neg3A : f32 to vector<16xf32>
            %neg3A_401 = arith.subf %neg3A_400, %get3A_399 : vector<16xf32>
            %sub3A_402 = vector.broadcast %reduce_max3A_327 : f32 to vector<16xf32>
            %sub3A_403 = arith.subf %neg3A_401, %sub3A_402 : vector<16xf32>
            %get3A_404 = arith.index_cast %multiple_of3A : i32 to index
            %get3A_405 = tpu.vector_load %arg15[%get3A_404] {strides = array<i32>} : memref<512xf32, #tpu.memory_space<vmem>>, vector<16xf32>,
            %sub3A_406 = arith.subf %sub3A_403, %get3A_405 : vector<16xf32>
            %add3A_407 = vector.broadcast %while3A_312 : f32 to vector<16xf32>
            %add3A_408 = arith.addf %add3A_407, %sub3A_406 : vector<16xf32>
            %lt3A_409 = arith.constant 5.000000e-01 : f32
            %lt3A_410 = vector.broadcast %lt3A_409 : f32 to vector<16xf32>
            %lt3A_411 = arith.cmpf olt, %get3A_393, %lt3A_410 : vector<16xf32>
            %lt3A_412 = arith.cmpf olt, %add3A_408, %get3A_395 : vector<16xf32>
            %and3A_413 = arith.andi %lt3A_411, %lt3A_412 : vector<16xi1>
            %select_n3A_414 = arith.select %and3A_413, %add3A_408, %get3A_395 : vector<16xi1>, vector<16xf32>
            %swap3A_415 = arith.index_cast %multiple_of3A : i32 to index
            %swap3A_416 = tpu.vector_load %arg16[%swap3A_415] {strides = array<i32>} : memref<512xf32, #tpu.memory_space<vmem>>, vector<16xf32>,
            tpu.vector_store %arg16[%swap3A_415], %select_n3A_414 {strides = array<i32>} : memref<512xf32, #tpu.memory_space<vmem>>, vector<16xf32>,
            %get3A_417 = arith.index_cast %multiple_of3A : i32 to index
            %get3A_418 = tpu.vector_load %arg18[%get3A_417] {strides = array<i32>} : memref<512xi32, #tpu.memory_space<vmem>>, vector<16xi32>,
            %broadcast_in_dim3A_419 = vector.broadcast %while3A_311 : i32 to vector<16xi32>
            %select_n3A_420 = arith.select %and3A_413, %broadcast_in_dim3A_419, %get3A_418 : vector<16xi1>, vector<16xi32>
            %swap3A_421 = arith.index_cast %multiple_of3A : i32 to index
            %swap3A_422 = tpu.vector_load %arg18[%swap3A_421] {strides = array<i32>} : memref<512xi32, #tpu.memory_space<vmem>>, vector<16xi32>,
            tpu.vector_store %arg18[%swap3A_421], %select_n3A_420 {strides = array<i32>} : memref<512xi32, #tpu.memory_space<vmem>>, vector<16xi32>,
            %get3A_423 = arith.index_cast %multiple_of3A : i32 to index
            %get3A_424 = tpu.vector_load %arg17[%get3A_423] {strides = array<i32>} : memref<512xf32, #tpu.memory_space<vmem>>, vector<16xf32>,
            %gt3A_425 = arith.constant 5.000000e-01 : f32
            %gt3A_426 = vector.broadcast %gt3A_425 : f32 to vector<16xf32>
            %gt3A_427 = arith.cmpf ogt, %get3A_424, %gt3A_426 : vector<16xf32>
            %and3A_428 = arith.andi %lt3A_411, %gt3A_427 : vector<16xi1>
            %jit3A_429 = arith.constant 1.000000e+30 : f32
            %broadcast_in_dim3A_430 = vector.broadcast %jit3A_429 : f32 to vector<16xf32>
            %select_n3A_431 = arith.select %and3A_428, %select_n3A_414, %broadcast_in_dim3A_430 : vector<16xi1>, vector<16xf32>
            %lt3A_432 = arith.cmpf olt, %select_n3A_431, %while3A_389 : vector<16xf32>
            %select_n3A_433 = arith.select %lt3A_432, %select_n3A_431, %while3A_389 : vector<16xi1>, vector<16xf32>
            %broadcast_in_dim3A_434 = vector.broadcast %while3A_388 : i32 to vector<16xi32>
            %select_n3A_435 = arith.select %lt3A_432, %broadcast_in_dim3A_434, %while3A_390 : vector<16xi1>, vector<16xi32>
            scf.yield %select_n3A_433, %select_n3A_435 : vector<16xf32>, vector<16xi32>
          }
          %while3A_341 = arith.constant 1 : i32
          %while3A_342:2 = scf.for %while3A_388 = %while3A_338 to %while3A_334 step %while3A_341 iter_args(%while3A_389 = %while3A_340#0, %while3A_390 = %while3A_340#1) -> (vector<16xf32>, vector<16xi32>)  : i32 {
            %mul3A_391 = arith.constant 16 : i32
            %mul3A_392 = arith.muli %while3A_388, %mul3A_391 : i32
            %multiple_of3A = tpu.assume_multiple %mul3A_392, 16 : i32
            %get3A = arith.index_cast %multiple_of3A : i32 to index
            %get3A_393 = tpu.vector_load %arg19[%get3A] {strides = array<i32>} : memref<512xf32, #tpu.memory_space<vmem>>, vector<16xf32>,
            %get3A_394 = arith.index_cast %multiple_of3A : i32 to index
            %get3A_395 = tpu.vector_load %arg16[%get3A_394] {strides = array<i32>} : memref<512xf32, #tpu.memory_space<vmem>>, vector<16xf32>,
            %add3A_396 = arith.addi %select_n3A_321, %multiple_of3A : i32
            %multiple_of3A_397 = tpu.assume_multiple %add3A_396, 16 : i32
            %get3A_398 = arith.index_cast %multiple_of3A_397 : i32 to index
            %get3A_399 = tpu.vector_load %arg13[%get3A_398] {strides = array<i32>} : memref<117760xf32, #tpu.memory_space<vmem>>, vector<16xf32>,
            %neg3A = arith.constant 0.000000e+00 : f32
            %neg3A_400 = vector.broadcast %neg3A : f32 to vector<16xf32>
            %neg3A_401 = arith.subf %neg3A_400, %get3A_399 : vector<16xf32>
            %sub3A_402 = vector.broadcast %reduce_max3A_327 : f32 to vector<16xf32>
            %sub3A_403 = arith.subf %neg3A_401, %sub3A_402 : vector<16xf32>
            %get3A_404 = arith.index_cast %multiple_of3A : i32 to index
            %get3A_405 = tpu.vector_load %arg15[%get3A_404] {strides = array<i32>} : memref<512xf32, #tpu.memory_space<vmem>>, vector<16xf32>,
            %sub3A_406 = arith.subf %sub3A_403, %get3A_405 : vector<16xf32>
            %add3A_407 = vector.broadcast %while3A_312 : f32 to vector<16xf32>
            %add3A_408 = arith.addf %add3A_407, %sub3A_406 : vector<16xf32>
            %lt3A_409 = arith.constant 5.000000e-01 : f32
            %lt3A_410 = vector.broadcast %lt3A_409 : f32 to vector<16xf32>
            %lt3A_411 = arith.cmpf olt, %get3A_393, %lt3A_410 : vector<16xf32>
            %lt3A_412 = arith.cmpf olt, %add3A_408, %get3A_395 : vector<16xf32>
            %and3A_413 = arith.andi %lt3A_411, %lt3A_412 : vector<16xi1>
            %select_n3A_414 = arith.select %and3A_413, %add3A_408, %get3A_395 : vector<16xi1>, vector<16xf32>
            %swap3A_415 = arith.index_cast %multiple_of3A : i32 to index
            %swap3A_416 = tpu.vector_load %arg16[%swap3A_415] {strides = array<i32>} : memref<512xf32, #tpu.memory_space<vmem>>, vector<16xf32>,
            tpu.vector_store %arg16[%swap3A_415], %select_n3A_414 {strides = array<i32>} : memref<512xf32, #tpu.memory_space<vmem>>, vector<16xf32>,
            %get3A_417 = arith.index_cast %multiple_of3A : i32 to index
            %get3A_418 = tpu.vector_load %arg18[%get3A_417] {strides = array<i32>} : memref<512xi32, #tpu.memory_space<vmem>>, vector<16xi32>,
            %broadcast_in_dim3A_419 = vector.broadcast %while3A_311 : i32 to vector<16xi32>
            %select_n3A_420 = arith.select %and3A_413, %broadcast_in_dim3A_419, %get3A_418 : vector<16xi1>, vector<16xi32>
            %swap3A_421 = arith.index_cast %multiple_of3A : i32 to index
            %swap3A_422 = tpu.vector_load %arg18[%swap3A_421] {strides = array<i32>} : memref<512xi32, #tpu.memory_space<vmem>>, vector<16xi32>,
            tpu.vector_store %arg18[%swap3A_421], %select_n3A_420 {strides = array<i32>} : memref<512xi32, #tpu.memory_space<vmem>>, vector<16xi32>,
            %get3A_423 = arith.index_cast %multiple_of3A : i32 to index
            %get3A_424 = tpu.vector_load %arg17[%get3A_423] {strides = array<i32>} : memref<512xf32, #tpu.memory_space<vmem>>, vector<16xf32>,
            %gt3A_425 = arith.constant 5.000000e-01 : f32
            %gt3A_426 = vector.broadcast %gt3A_425 : f32 to vector<16xf32>
            %gt3A_427 = arith.cmpf ogt, %get3A_424, %gt3A_426 : vector<16xf32>
            %and3A_428 = arith.andi %lt3A_411, %gt3A_427 : vector<16xi1>
            %jit3A_429 = arith.constant 1.000000e+30 : f32
            %broadcast_in_dim3A_430 = vector.broadcast %jit3A_429 : f32 to vector<16xf32>
            %select_n3A_431 = arith.select %and3A_428, %select_n3A_414, %broadcast_in_dim3A_430 : vector<16xi1>, vector<16xf32>
            %lt3A_432 = arith.cmpf olt, %select_n3A_431, %while3A_389 : vector<16xf32>
            %select_n3A_433 = arith.select %lt3A_432, %select_n3A_431, %while3A_389 : vector<16xi1>, vector<16xf32>
            %broadcast_in_dim3A_434 = vector.broadcast %while3A_388 : i32 to vector<16xi32>
            %select_n3A_435 = arith.select %lt3A_432, %broadcast_in_dim3A_434, %while3A_390 : vector<16xi1>, vector<16xi32>
            scf.yield %select_n3A_433, %select_n3A_435 : vector<16xf32>, vector<16xi32>
          }
          %reduce_min3A_343 = arith.constant true
          %reduce_min3A_344 = vector.broadcast %reduce_min3A_343 : i1 to vector<16xi1>
          %reduce_min3A_345 = tpu.scan <min>, %while3A_342#0 masked %reduce_min3A_344 : vector<16xf32>, vector<16xi1> -> vector<16xf32>
          %reduce_min3A_346 = vector.extract %reduce_min3A_345[15] : f32 from vector<16xf32>
          %le3A_347 = vector.broadcast %reduce_min3A_346 : f32 to vector<16xf32>
          %le3A_348 = arith.cmpf ole, %while3A_342#0, %le3A_347 : vector<16xf32>
          %all_reduce_ffs3A_349 = tpu.all_reduce %le3A_348 {dim = 0 : i64, kind = #tpu.reduction_kind<find_first_set>} : vector<16xi1> -> vector<16xi32>
          %reduce_max3A_350 = arith.constant true
          %reduce_max3A_351 = vector.broadcast %reduce_max3A_350 : i1 to vector<16xi1>
          %reduce_max3A_352 = arith.constant -2147483648 : i32
          %reduce_max3A_353 = vector.broadcast %reduce_max3A_352 : i32 to vector<16xi32>
          %reduce_max3A_354 = arith.xori %all_reduce_ffs3A_349, %reduce_max3A_353 : vector<16xi32>
          %reduce_max3A_355 = tpu.scan <max>, %reduce_max3A_354 masked %reduce_max3A_351 : vector<16xi32>, vector<16xi1> -> vector<16xi32>
          %reduce_max3A_356 = arith.xori %reduce_max3A_355, %reduce_max3A_353 : vector<16xi32>
          %reduce_max3A_357 = vector.extract %reduce_max3A_356[15] : i32 from vector<16xi32>
          %iota3A_358 = tpu.iota {dimensions = array<i32: 0>} : vector<16xi32>
          %eq3A_359 = vector.broadcast %reduce_max3A_357 : i32 to vector<16xi32>
          %eq3A_360 = arith.cmpi eq, %iota3A_358, %eq3A_359 : vector<16xi32>
          %jit3A_361 = arith.constant 0 : i32
          %broadcast_in_dim3A_362 = vector.broadcast %jit3A_361 : i32 to vector<16xi32>
          %select_n3A_363 = arith.select %eq3A_360, %while3A_342#1, %broadcast_in_dim3A_362 : vector<16xi1>, vector<16xi32>
          %reduce_sum3A_364 = arith.constant true
          %reduce_sum3A_365 = vector.broadcast %reduce_sum3A_364 : i1 to vector<16xi1>
          %reduce_sum3A_366 = tpu.scan <sum>, %select_n3A_363 masked %reduce_sum3A_365 : vector<16xi32>, vector<16xi1> -> vector<16xi32>
          %reduce_sum3A_367 = vector.extract %reduce_sum3A_366[15] : i32 from vector<16xi32>
          %mul3A_368 = arith.constant 16 : i32
          %mul3A_369 = arith.muli %reduce_sum3A_367, %mul3A_368 : i32
          %add3A_370 = arith.addi %mul3A_369, %reduce_max3A_357 : i32
          %broadcast_in_dim3A_371 = vector.broadcast %add3A_370 : i32 to vector<16xi32>
          %broadcast_in_dim3A_372 = arith.constant 1.000000e+00 : f32
          %broadcast_in_dim3A_373 = vector.broadcast %broadcast_in_dim3A_372 : f32 to vector<16xf32>
          %iota3A_374 = tpu.iota {dimensions = array<i32: 0>} : vector<16xi32>
          %eq3A_375 = arith.constant 0 : i32
          %eq3A_376 = vector.broadcast %eq3A_375 : i32 to vector<16xi32>
          %eq3A_377 = arith.cmpi eq, %iota3A_374, %eq3A_376 : vector<16xi32>
          tpu.vector_store_idx %arg19[%broadcast_in_dim3A_371], %broadcast_in_dim3A_373 masked %eq3A_377 : memref<512xf32, #tpu.memory_space<vmem>>[vector<16xi32>], vector<16xf32>, vector<16xi1>
          %broadcast_in_dim3A_378 = vector.broadcast %add3A_370 : i32 to vector<16xi32>
          %gather3A_379 = tpu.vector_load_idx %arg20[%broadcast_in_dim3A_378] : memref<512xi32, #tpu.memory_space<vmem>>[vector<16xi32>], vector<16xi32>,
          %reduce_max3A_380 = arith.constant true
          %reduce_max3A_381 = vector.broadcast %reduce_max3A_380 : i1 to vector<16xi1>
          %reduce_max3A_382 = arith.constant -2147483648 : i32
          %reduce_max3A_383 = vector.broadcast %reduce_max3A_382 : i32 to vector<16xi32>
          %reduce_max3A_384 = arith.xori %gather3A_379, %reduce_max3A_383 : vector<16xi32>
          %reduce_max3A_385 = tpu.scan <max>, %reduce_max3A_384 masked %reduce_max3A_381 : vector<16xi32>, vector<16xi1> -> vector<16xi32>
          %reduce_max3A_386 = arith.xori %reduce_max3A_385, %reduce_max3A_383 : vector<16xi32>
          %reduce_max3A_387 = vector.extract %reduce_max3A_386[15] : i32 from vector<16xi32>
          scf.yield %add3A_370, %reduce_min3A_346, %reduce_max3A_387 : i32, f32, i32
        }
        %while3A_290 = arith.constant 0 : i32
        %while3A_291 = arith.constant 0 : i32
        %while3A_292 = arith.subi %select_n3A_64, %while3A_290 : i32
        %while3A_293 = arith.addi %while3A_290, %while3A_292 : i32
        %while3A_294 = arith.constant 1 : i32
        %while3A_295 = arith.divsi %while3A_292, %while3A_294 : i32
        %while3A_296 = arith.muli %while3A_295, %while3A_294 : i32
        %while3A_297 = arith.addi %while3A_290, %while3A_296 : i32
        %while3A_298 = arith.constant 1 : i32
        %while3A_299 = scf.for %while3A_311 = %while3A_290 to %while3A_297 step %while3A_298 iter_args(%while3A_312 = %while3A_291) -> (i32)  : i32 {
          %mul3A_313 = arith.constant 16 : i32
          %mul3A_314 = arith.muli %while3A_311, %mul3A_313 : i32
          %multiple_of3A = tpu.assume_multiple %mul3A_314, 16 : i32
          %get3A = arith.index_cast %multiple_of3A : i32 to index
          %get3A_315 = tpu.vector_load %arg19[%get3A] {strides = array<i32>} : memref<512xf32, #tpu.memory_space<vmem>>, vector<16xf32>,
          %gt3A_316 = arith.constant 5.000000e-01 : f32
          %gt3A_317 = vector.broadcast %gt3A_316 : f32 to vector<16xf32>
          %gt3A_318 = arith.cmpf ogt, %get3A_315, %gt3A_317 : vector<16xf32>
          %iota3A_319 = tpu.iota {dimensions = array<i32: 0>} : vector<16xi32>
          %add3A_320 = vector.broadcast %multiple_of3A : i32 to vector<16xi32>
          %add3A_321 = arith.addi %add3A_320, %iota3A_319 : vector<16xi32>
          %ne3A_322 = vector.broadcast %while3A_289#0 : i32 to vector<16xi32>
          %ne3A_323 = arith.cmpi ne, %add3A_321, %ne3A_322 : vector<16xi32>
          %and3A_324 = arith.andi %gt3A_318, %ne3A_323 : vector<16xi1>
          %get3A_325 = arith.index_cast %multiple_of3A : i32 to index
          %get3A_326 = tpu.vector_load %arg16[%get3A_325] {strides = array<i32>} : memref<512xf32, #tpu.memory_space<vmem>>, vector<16xf32>,
          %sub3A_327 = vector.broadcast %while3A_289#1 : f32 to vector<16xf32>
          %sub3A_328 = arith.subf %sub3A_327, %get3A_326 : vector<16xf32>
          %get3A_329 = arith.index_cast %multiple_of3A : i32 to index
          %get3A_330 = tpu.vector_load %arg15[%get3A_329] {strides = array<i32>} : memref<512xf32, #tpu.memory_space<vmem>>, vector<16xf32>,
          %jit3A_331 = arith.constant 0.000000e+00 : f32
          %broadcast_in_dim3A_332 = vector.broadcast %jit3A_331 : f32 to vector<16xf32>
          %select_n3A_333 = arith.select %and3A_324, %sub3A_328, %broadcast_in_dim3A_332 : vector<16xi1>, vector<16xf32>
          %sub3A_334 = arith.subf %get3A_330, %select_n3A_333 : vector<16xf32>
          %swap3A_335 = arith.index_cast %multiple_of3A : i32 to index
          %swap3A_336 = tpu.vector_load %arg15[%swap3A_335] {strides = array<i32>} : memref<512xf32, #tpu.memory_space<vmem>>, vector<16xf32>,
          tpu.vector_store %arg15[%swap3A_335], %sub3A_334 {strides = array<i32>} : memref<512xf32, #tpu.memory_space<vmem>>, vector<16xf32>,
          %get3A_337 = arith.index_cast %multiple_of3A : i32 to index
          %get3A_338 = tpu.vector_load %arg20[%get3A_337] {strides = array<i32>} : memref<512xi32, #tpu.memory_space<vmem>>, vector<16xi32>,
          tpu.vector_store_idx %arg14[%get3A_338], %sub3A_328 masked %and3A_324 {add = true} : memref<512xf32, #tpu.memory_space<vmem>>[vector<16xi32>], vector<16xf32>, vector<16xi1>
          %while3A_339 = arith.constant 0 : i32
          scf.yield %while3A_339 : i32
        }
        %while3A_300 = arith.constant 1 : i32
        %while3A_301 = scf.for %while3A_311 = %while3A_297 to %while3A_293 step %while3A_300 iter_args(%while3A_312 = %while3A_299) -> (i32)  : i32 {
          %mul3A_313 = arith.constant 16 : i32
          %mul3A_314 = arith.muli %while3A_311, %mul3A_313 : i32
          %multiple_of3A = tpu.assume_multiple %mul3A_314, 16 : i32
          %get3A = arith.index_cast %multiple_of3A : i32 to index
          %get3A_315 = tpu.vector_load %arg19[%get3A] {strides = array<i32>} : memref<512xf32, #tpu.memory_space<vmem>>, vector<16xf32>,
          %gt3A_316 = arith.constant 5.000000e-01 : f32
          %gt3A_317 = vector.broadcast %gt3A_316 : f32 to vector<16xf32>
          %gt3A_318 = arith.cmpf ogt, %get3A_315, %gt3A_317 : vector<16xf32>
          %iota3A_319 = tpu.iota {dimensions = array<i32: 0>} : vector<16xi32>
          %add3A_320 = vector.broadcast %multiple_of3A : i32 to vector<16xi32>
          %add3A_321 = arith.addi %add3A_320, %iota3A_319 : vector<16xi32>
          %ne3A_322 = vector.broadcast %while3A_289#0 : i32 to vector<16xi32>
          %ne3A_323 = arith.cmpi ne, %add3A_321, %ne3A_322 : vector<16xi32>
          %and3A_324 = arith.andi %gt3A_318, %ne3A_323 : vector<16xi1>
          %get3A_325 = arith.index_cast %multiple_of3A : i32 to index
          %get3A_326 = tpu.vector_load %arg16[%get3A_325] {strides = array<i32>} : memref<512xf32, #tpu.memory_space<vmem>>, vector<16xf32>,
          %sub3A_327 = vector.broadcast %while3A_289#1 : f32 to vector<16xf32>
          %sub3A_328 = arith.subf %sub3A_327, %get3A_326 : vector<16xf32>
          %get3A_329 = arith.index_cast %multiple_of3A : i32 to index
          %get3A_330 = tpu.vector_load %arg15[%get3A_329] {strides = array<i32>} : memref<512xf32, #tpu.memory_space<vmem>>, vector<16xf32>,
          %jit3A_331 = arith.constant 0.000000e+00 : f32
          %broadcast_in_dim3A_332 = vector.broadcast %jit3A_331 : f32 to vector<16xf32>
          %select_n3A_333 = arith.select %and3A_324, %sub3A_328, %broadcast_in_dim3A_332 : vector<16xi1>, vector<16xf32>
          %sub3A_334 = arith.subf %get3A_330, %select_n3A_333 : vector<16xf32>
          %swap3A_335 = arith.index_cast %multiple_of3A : i32 to index
          %swap3A_336 = tpu.vector_load %arg15[%swap3A_335] {strides = array<i32>} : memref<512xf32, #tpu.memory_space<vmem>>, vector<16xf32>,
          tpu.vector_store %arg15[%swap3A_335], %sub3A_334 {strides = array<i32>} : memref<512xf32, #tpu.memory_space<vmem>>, vector<16xf32>,
          %get3A_337 = arith.index_cast %multiple_of3A : i32 to index
          %get3A_338 = tpu.vector_load %arg20[%get3A_337] {strides = array<i32>} : memref<512xi32, #tpu.memory_space<vmem>>, vector<16xi32>,
          tpu.vector_store_idx %arg14[%get3A_338], %sub3A_328 masked %and3A_324 {add = true} : memref<512xf32, #tpu.memory_space<vmem>>[vector<16xi32>], vector<16xf32>, vector<16xi1>
          %while3A_339 = arith.constant 0 : i32
          scf.yield %while3A_339 : i32
        }
        %broadcast_in_dim3A_302 = vector.broadcast %while3A_220 : i32 to vector<16xi32>
        %broadcast_in_dim3A_303 = vector.broadcast %while3A_289#1 : f32 to vector<16xf32>
        %iota3A_304 = tpu.iota {dimensions = array<i32: 0>} : vector<16xi32>
        %eq3A_305 = arith.constant 0 : i32
        %eq3A_306 = vector.broadcast %eq3A_305 : i32 to vector<16xi32>
        %eq3A_307 = arith.cmpi eq, %iota3A_304, %eq3A_306 : vector<16xi32>
        tpu.vector_store_idx %arg14[%broadcast_in_dim3A_302], %broadcast_in_dim3A_303 masked %eq3A_307 {add = true} : memref<512xf32, #tpu.memory_space<vmem>>[vector<16xi32>], vector<16xf32>, vector<16xi1>
        %while3A_308 = arith.constant 1 : i32
        %while3A_309:2 = scf.while (%while3A_311 = %while3A_289#0, %while3A_312 = %while3A_308) : (i32, i32) -> (i32, i32) {
          %ne3A_313 = arith.constant 0 : i32
          %ne3A_314 = arith.cmpi ne, %while3A_312, %ne3A_313 : i32
          scf.condition(%ne3A_314) %while3A_311, %while3A_312 : i32, i32
        } do {
        ^bb0(%while3A_311: i32, %while3A_312: i32):
          %broadcast_in_dim3A_313 = vector.broadcast %while3A_311 : i32 to vector<16xi32>
          %gather3A_314 = tpu.vector_load_idx %arg18[%broadcast_in_dim3A_313] : memref<512xi32, #tpu.memory_space<vmem>>[vector<16xi32>], vector<16xi32>,
          %reduce_max3A_315 = arith.constant true
          %reduce_max3A_316 = vector.broadcast %reduce_max3A_315 : i1 to vector<16xi1>
          %reduce_max3A_317 = arith.constant -2147483648 : i32
          %reduce_max3A_318 = vector.broadcast %reduce_max3A_317 : i32 to vector<16xi32>
          %reduce_max3A_319 = arith.xori %gather3A_314, %reduce_max3A_318 : vector<16xi32>
          %reduce_max3A_320 = tpu.scan <max>, %reduce_max3A_319 masked %reduce_max3A_316 : vector<16xi32>, vector<16xi1> -> vector<16xi32>
          %reduce_max3A_321 = arith.xori %reduce_max3A_320, %reduce_max3A_318 : vector<16xi32>
          %reduce_max3A_322 = vector.extract %reduce_max3A_321[15] : i32 from vector<16xi32>
          %max3A_323 = arith.constant 0 : i32
          %max3A_324 = arith.maxsi %reduce_max3A_322, %max3A_323 : i32
          %broadcast_in_dim3A_325 = vector.broadcast %max3A_324 : i32 to vector<16xi32>
          %gather3A_326 = tpu.vector_load_idx %arg20[%broadcast_in_dim3A_325] : memref<512xi32, #tpu.memory_space<vmem>>[vector<16xi32>], vector<16xi32>,
          %reduce_max3A_327 = arith.constant true
          %reduce_max3A_328 = vector.broadcast %reduce_max3A_327 : i1 to vector<16xi1>
          %reduce_max3A_329 = arith.constant -2147483648 : i32
          %reduce_max3A_330 = vector.broadcast %reduce_max3A_329 : i32 to vector<16xi32>
          %reduce_max3A_331 = arith.xori %gather3A_326, %reduce_max3A_330 : vector<16xi32>
          %reduce_max3A_332 = tpu.scan <max>, %reduce_max3A_331 masked %reduce_max3A_328 : vector<16xi32>, vector<16xi1> -> vector<16xi32>
          %reduce_max3A_333 = arith.xori %reduce_max3A_332, %reduce_max3A_330 : vector<16xi32>
          %reduce_max3A_334 = vector.extract %reduce_max3A_333[15] : i32 from vector<16xi32>
          %ge3A = arith.constant 0 : i32
          %ge3A_335 = arith.cmpi sge, %reduce_max3A_322, %ge3A : i32
          %select_n3A_336 = arith.select %ge3A_335, %reduce_max3A_334, %while3A_220 : i32
          %broadcast_in_dim3A_337 = vector.broadcast %while3A_311 : i32 to vector<16xi32>
          %broadcast_in_dim3A_338 = vector.broadcast %select_n3A_336 : i32 to vector<16xi32>
          %iota3A_339 = tpu.iota {dimensions = array<i32: 0>} : vector<16xi32>
          %eq3A_340 = arith.constant 0 : i32
          %eq3A_341 = vector.broadcast %eq3A_340 : i32 to vector<16xi32>
          %eq3A_342 = arith.cmpi eq, %iota3A_339, %eq3A_341 : vector<16xi32>
          tpu.vector_store_idx %arg20[%broadcast_in_dim3A_337], %broadcast_in_dim3A_338 masked %eq3A_342 : memref<512xi32, #tpu.memory_space<vmem>>[vector<16xi32>], vector<16xi32>, vector<16xi1>
          %max3A_343 = arith.constant 0 : i32
          %max3A_344 = arith.maxsi %reduce_max3A_322, %max3A_343 : i32
          %ge3A_345 = arith.constant 0 : i32
          %ge3A_346 = arith.cmpi sge, %reduce_max3A_322, %ge3A_345 : i32
          %convert_element_type3A_347 = arith.extui %ge3A_346 : i1 to i32
          scf.yield %max3A_344, %convert_element_type3A_347 : i32, i32
        }
        %while3A_310 = arith.constant 0 : i32
        scf.yield %while3A_310 : i32
      }
      %while3A_203 = arith.constant 1 : i32
      %while3A_204 = scf.for %while3A_220 = %while3A_200 to %while3A_196 step %while3A_203 iter_args(%while3A_221 = %while3A_202) -> (i32)  : i32 {
        %lt3A_222 = arith.cmpi slt, %while3A_220, %min3A : i32
        %convert_element_type3A_223 = arith.extui %lt3A_222 : i1 to i32
        %cond3A_224 = arith.constant 0 : i32
        %cond3A_225 = arith.cmpi ne, %convert_element_type3A_223, %cond3A_224 : i32
        scf.if %cond3A_225 {
        } else {
          %scan3A_311 = arith.constant 0 : i32
          %scan3A_312 = arith.constant 0 : i32
          %scan3A_313 = arith.constant 32 : i32
          %scan3A_314 = arith.addi %scan3A_312, %scan3A_313 : i32
          %scan3A_315 = arith.constant 1 : i32
          %scan3A_316 = scf.for %scan3A_324 = %scan3A_312 to %scan3A_314 step %scan3A_315 iter_args(%scan3A_325 = %scan3A_311) -> (i32)  : i32 {
            %sub3A_326 = arith.constant 1 : i32
            %sub3A_327 = arith.subi %select_n3A_64, %sub3A_326 : i32
            %min3A_328 = arith.minsi %scan3A_324, %sub3A_327 : i32
            %sub3A_329 = arith.constant 1 : i32
            %sub3A_330 = arith.subi %scan3A_35, %sub3A_329 : i32
            %min3A_331 = arith.minsi %while3A_220, %sub3A_330 : i32
            %broadcast_in_dim3A_332 = vector.broadcast %min3A_331 : i32 to vector<16xi32>
            %gather3A_333 = tpu.vector_load_idx %arg12[%broadcast_in_dim3A_332] : memref<512xi32, #tpu.memory_space<vmem>>[vector<16xi32>], vector<16xi32>,
            %reduce_max3A_334 = arith.constant true
            %reduce_max3A_335 = vector.broadcast %reduce_max3A_334 : i1 to vector<16xi1>
            %reduce_max3A_336 = arith.constant -2147483648 : i32
            %reduce_max3A_337 = vector.broadcast %reduce_max3A_336 : i32 to vector<16xi32>
            %reduce_max3A_338 = arith.xori %gather3A_333, %reduce_max3A_337 : vector<16xi32>
            %reduce_max3A_339 = tpu.scan <max>, %reduce_max3A_338 masked %reduce_max3A_335 : vector<16xi32>, vector<16xi1> -> vector<16xi32>
            %reduce_max3A_340 = arith.xori %reduce_max3A_339, %reduce_max3A_337 : vector<16xi32>
            %reduce_max3A_341 = vector.extract %reduce_max3A_340[15] : i32 from vector<16xi32>
            %mul3A_342 = arith.constant 16 : i32
            %mul3A_343 = arith.muli %min3A_328, %mul3A_342 : i32
            %multiple_of3A = tpu.assume_multiple %mul3A_343, 16 : i32
            %get3A = arith.index_cast %multiple_of3A : i32 to index
            %get3A_344 = tpu.vector_load %arg11[%get3A] {strides = array<i32>} : memref<512xi32, #tpu.memory_space<vmem>>, vector<16xi32>,
            %iota3A_345 = tpu.iota {dimensions = array<i32: 0>} : vector<16xi32>
            %add3A_346 = vector.broadcast %multiple_of3A : i32 to vector<16xi32>
            %add3A_347 = arith.addi %add3A_346, %iota3A_345 : vector<16xi32>
            %lt3A_348 = vector.broadcast %scan3A_35 : i32 to vector<16xi32>
            %lt3A_349 = arith.cmpi slt, %add3A_347, %lt3A_348 : vector<16xi32>
            %jit3A_350 = arith.constant 0 : i32
            %broadcast_in_dim3A_351 = vector.broadcast %jit3A_350 : i32 to vector<16xi32>
            %select_n3A_352 = arith.select %lt3A_349, %get3A_344, %broadcast_in_dim3A_351 : vector<16xi1>, vector<16xi32>
            %add3A_353 = vector.broadcast %reduce_max3A_341 : i32 to vector<16xi32>
            %add3A_354 = arith.addi %add3A_353, %select_n3A_352 : vector<16xi32>
            %mul3A_355 = arith.constant 16 : i32
            %mul3A_356 = arith.muli %scan3A_324, %mul3A_355 : i32
            %multiple_of3A_357 = tpu.assume_multiple %mul3A_356, 16 : i32
            %swap3A_358 = arith.index_cast %multiple_of3A_357 : i32 to index
            %swap3A_359 = tpu.vector_load %arg22[%swap3A_358] {strides = array<i32>} : memref<512xi32, #tpu.memory_space<vmem>>, vector<16xi32>,
            tpu.vector_store %arg22[%swap3A_358], %add3A_354 {strides = array<i32>} : memref<512xi32, #tpu.memory_space<vmem>>, vector<16xi32>,
            %scan3A_360 = arith.constant 0 : i32
            scf.yield %scan3A_360 : i32
          }
          %scan3A_317 = arith.constant 32 : i32
          %dma_start3A = arith.constant 117248 : i32
          %dma_start3A_318 = tpu.memref_slice %arg13[%dma_start3A] : memref<117760xf32, #tpu.memory_space<vmem>> -> memref<512xf32, #tpu.memory_space<vmem>>
          %dma_start3A_319 = arith.constant 0 : i32
          %dma_start3A_320 = tpu.memref_slice %arg2[%dma_start3A_319] : memref<33554432xf32, #tpu.memory_space<hbm>> -> memref<33554432xf32, #tpu.memory_space<hbm>>
          tpu.enqueue_indirect_dma source(%dma_start3A_320 : memref<33554432xf32, #tpu.memory_space<hbm>>) target(%dma_start3A_318 : memref<512xf32, #tpu.memory_space<vmem>>) offsets(%arg22 : memref<512xi32, #tpu.memory_space<vmem>>) semaphore(%arg24 : memref<!tpu.dma_semaphore, #tpu.memory_space<semaphore_mem>>)
          %dma_wait3A = arith.constant 117248 : i32
          %dma_wait3A_321 = tpu.memref_slice %arg13[%dma_wait3A] : memref<117760xf32, #tpu.memory_space<vmem>> -> memref<512xf32, #tpu.memory_space<vmem>>
          %dma_wait3A_322 = arith.constant 0 : i32
          %dma_wait3A_323 = tpu.memref_slice %arg2[%dma_wait3A_322] : memref<33554432xf32, #tpu.memory_space<hbm>> -> memref<33554432xf32, #tpu.memory_space<hbm>>
          tpu.wait_indirect_dma semaphore(%arg24 : memref<!tpu.dma_semaphore, #tpu.memory_space<semaphore_mem>>) src(%dma_wait3A_323 : memref<33554432xf32, #tpu.memory_space<hbm>>) dst(%dma_wait3A_321 : memref<512xf32, #tpu.memory_space<vmem>>)
        }
        %lt3A_226 = arith.cmpi slt, %while3A_220, %min3A : i32
        %mul3A_227 = arith.muli %while3A_220, %mul3A_66 : i32
        %jit3A_228 = arith.constant 117248 : i32
        %select_n3A_229 = arith.select %lt3A_226, %mul3A_227, %jit3A_228 : i32
        %broadcast_in_dim3A_230 = vector.broadcast %while3A_220 : i32 to vector<16xi32>
        %gather3A = tpu.vector_load_idx %arg14[%broadcast_in_dim3A_230] : memref<512xf32, #tpu.memory_space<vmem>>[vector<16xi32>], vector<16xf32>,
        %reduce_max3A = arith.constant true
        %reduce_max3A_231 = vector.broadcast %reduce_max3A : i1 to vector<16xi1>
        %reduce_max3A_232 = tpu.scan <max>, %gather3A masked %reduce_max3A_231 : vector<16xf32>, vector<16xi1> -> vector<16xf32>
        %reduce_max3A_233 = vector.extract %reduce_max3A_232[15] : f32 from vector<16xf32>
        %broadcast_in_dim3A_234 = arith.constant 1.000000e+30 : f32
        %broadcast_in_dim3A_235 = vector.broadcast %broadcast_in_dim3A_234 : f32 to vector<16xf32>
        %broadcast_in_dim3A_236 = arith.constant 0 : i32
        %broadcast_in_dim3A_237 = vector.broadcast %broadcast_in_dim3A_236 : i32 to vector<16xi32>
        %while3A_238 = arith.constant 0 : i32
        %while3A_239 = arith.subi %select_n3A_64, %while3A_238 : i32
        %while3A_240 = arith.addi %while3A_238, %while3A_239 : i32
        %while3A_241 = arith.constant 1 : i32
        %while3A_242 = arith.divsi %while3A_239, %while3A_241 : i32
        %while3A_243 = arith.muli %while3A_242, %while3A_241 : i32
        %while3A_244 = arith.addi %while3A_238, %while3A_243 : i32
        %while3A_245 = arith.constant 1 : i32
        %while3A_246:2 = scf.for %while3A_311 = %while3A_238 to %while3A_244 step %while3A_245 iter_args(%while3A_312 = %broadcast_in_dim3A_235, %while3A_313 = %broadcast_in_dim3A_237) -> (vector<16xf32>, vector<16xi32>)  : i32 {
          %mul3A_314 = arith.constant 16 : i32
          %mul3A_315 = arith.muli %while3A_311, %mul3A_314 : i32
          %multiple_of3A = tpu.assume_multiple %mul3A_315, 16 : i32
          %add3A_316 = arith.addi %select_n3A_229, %multiple_of3A : i32
          %multiple_of3A_317 = tpu.assume_multiple %add3A_316, 16 : i32
          %get3A = arith.index_cast %multiple_of3A_317 : i32 to index
          %get3A_318 = tpu.vector_load %arg13[%get3A] {strides = array<i32>} : memref<117760xf32, #tpu.memory_space<vmem>>, vector<16xf32>,
          %neg3A = arith.constant 0.000000e+00 : f32
          %neg3A_319 = vector.broadcast %neg3A : f32 to vector<16xf32>
          %neg3A_320 = arith.subf %neg3A_319, %get3A_318 : vector<16xf32>
          %sub3A_321 = vector.broadcast %reduce_max3A_233 : f32 to vector<16xf32>
          %sub3A_322 = arith.subf %neg3A_320, %sub3A_321 : vector<16xf32>
          %get3A_323 = arith.index_cast %multiple_of3A : i32 to index
          %get3A_324 = tpu.vector_load %arg15[%get3A_323] {strides = array<i32>} : memref<512xf32, #tpu.memory_space<vmem>>, vector<16xf32>,
          %sub3A_325 = arith.subf %sub3A_322, %get3A_324 : vector<16xf32>
          %swap3A_326 = arith.index_cast %multiple_of3A : i32 to index
          %swap3A_327 = tpu.vector_load %arg16[%swap3A_326] {strides = array<i32>} : memref<512xf32, #tpu.memory_space<vmem>>, vector<16xf32>,
          tpu.vector_store %arg16[%swap3A_326], %sub3A_325 {strides = array<i32>} : memref<512xf32, #tpu.memory_space<vmem>>, vector<16xf32>,
          %broadcast_in_dim3A_328 = arith.constant -1 : i32
          %broadcast_in_dim3A_329 = vector.broadcast %broadcast_in_dim3A_328 : i32 to vector<16xi32>
          %swap3A_330 = arith.index_cast %multiple_of3A : i32 to index
          %swap3A_331 = tpu.vector_load %arg18[%swap3A_330] {strides = array<i32>} : memref<512xi32, #tpu.memory_space<vmem>>, vector<16xi32>,
          tpu.vector_store %arg18[%swap3A_330], %broadcast_in_dim3A_329 {strides = array<i32>} : memref<512xi32, #tpu.memory_space<vmem>>, vector<16xi32>,
          %broadcast_in_dim3A_332 = arith.constant 0.000000e+00 : f32
          %broadcast_in_dim3A_333 = vector.broadcast %broadcast_in_dim3A_332 : f32 to vector<16xf32>
          %swap3A_334 = arith.index_cast %multiple_of3A : i32 to index
          %swap3A_335 = tpu.vector_load %arg19[%swap3A_334] {strides = array<i32>} : memref<512xf32, #tpu.memory_space<vmem>>, vector<16xf32>,
          tpu.vector_store %arg19[%swap3A_334], %broadcast_in_dim3A_333 {strides = array<i32>} : memref<512xf32, #tpu.memory_space<vmem>>, vector<16xf32>,
          %get3A_336 = arith.index_cast %multiple_of3A : i32 to index
          %get3A_337 = tpu.vector_load %arg17[%get3A_336] {strides = array<i32>} : memref<512xf32, #tpu.memory_space<vmem>>, vector<16xf32>,
          %gt3A_338 = arith.constant 5.000000e-01 : f32
          %gt3A_339 = vector.broadcast %gt3A_338 : f32 to vector<16xf32>
          %gt3A_340 = arith.cmpf ogt, %get3A_337, %gt3A_339 : vector<16xf32>
          %jit3A_341 = arith.constant 1.000000e+30 : f32
          %broadcast_in_dim3A_342 = vector.broadcast %jit3A_341 : f32 to vector<16xf32>
          %select_n3A_343 = arith.select %gt3A_340, %sub3A_325, %broadcast_in_dim3A_342 : vector<16xi1>, vector<16xf32>
          %lt3A_344 = arith.cmpf olt, %select_n3A_343, %while3A_312 : vector<16xf32>
          %select_n3A_345 = arith.select %lt3A_344, %select_n3A_343, %while3A_312 : vector<16xi1>, vector<16xf32>
          %broadcast_in_dim3A_346 = vector.broadcast %while3A_311 : i32 to vector<16xi32>
          %select_n3A_347 = arith.select %lt3A_344, %broadcast_in_dim3A_346, %while3A_313 : vector<16xi1>, vector<16xi32>
          scf.yield %select_n3A_345, %select_n3A_347 : vector<16xf32>, vector<16xi32>
        }
        %while3A_247 = arith.constant 1 : i32
        %while3A_248:2 = scf.for %while3A_311 = %while3A_244 to %while3A_240 step %while3A_247 iter_args(%while3A_312 = %while3A_246#0, %while3A_313 = %while3A_246#1) -> (vector<16xf32>, vector<16xi32>)  : i32 {
          %mul3A_314 = arith.constant 16 : i32
          %mul3A_315 = arith.muli %while3A_311, %mul3A_314 : i32
          %multiple_of3A = tpu.assume_multiple %mul3A_315, 16 : i32
          %add3A_316 = arith.addi %select_n3A_229, %multiple_of3A : i32
          %multiple_of3A_317 = tpu.assume_multiple %add3A_316, 16 : i32
          %get3A = arith.index_cast %multiple_of3A_317 : i32 to index
          %get3A_318 = tpu.vector_load %arg13[%get3A] {strides = array<i32>} : memref<117760xf32, #tpu.memory_space<vmem>>, vector<16xf32>,
          %neg3A = arith.constant 0.000000e+00 : f32
          %neg3A_319 = vector.broadcast %neg3A : f32 to vector<16xf32>
          %neg3A_320 = arith.subf %neg3A_319, %get3A_318 : vector<16xf32>
          %sub3A_321 = vector.broadcast %reduce_max3A_233 : f32 to vector<16xf32>
          %sub3A_322 = arith.subf %neg3A_320, %sub3A_321 : vector<16xf32>
          %get3A_323 = arith.index_cast %multiple_of3A : i32 to index
          %get3A_324 = tpu.vector_load %arg15[%get3A_323] {strides = array<i32>} : memref<512xf32, #tpu.memory_space<vmem>>, vector<16xf32>,
          %sub3A_325 = arith.subf %sub3A_322, %get3A_324 : vector<16xf32>
          %swap3A_326 = arith.index_cast %multiple_of3A : i32 to index
          %swap3A_327 = tpu.vector_load %arg16[%swap3A_326] {strides = array<i32>} : memref<512xf32, #tpu.memory_space<vmem>>, vector<16xf32>,
          tpu.vector_store %arg16[%swap3A_326], %sub3A_325 {strides = array<i32>} : memref<512xf32, #tpu.memory_space<vmem>>, vector<16xf32>,
          %broadcast_in_dim3A_328 = arith.constant -1 : i32
          %broadcast_in_dim3A_329 = vector.broadcast %broadcast_in_dim3A_328 : i32 to vector<16xi32>
          %swap3A_330 = arith.index_cast %multiple_of3A : i32 to index
          %swap3A_331 = tpu.vector_load %arg18[%swap3A_330] {strides = array<i32>} : memref<512xi32, #tpu.memory_space<vmem>>, vector<16xi32>,
          tpu.vector_store %arg18[%swap3A_330], %broadcast_in_dim3A_329 {strides = array<i32>} : memref<512xi32, #tpu.memory_space<vmem>>, vector<16xi32>,
          %broadcast_in_dim3A_332 = arith.constant 0.000000e+00 : f32
          %broadcast_in_dim3A_333 = vector.broadcast %broadcast_in_dim3A_332 : f32 to vector<16xf32>
          %swap3A_334 = arith.index_cast %multiple_of3A : i32 to index
          %swap3A_335 = tpu.vector_load %arg19[%swap3A_334] {strides = array<i32>} : memref<512xf32, #tpu.memory_space<vmem>>, vector<16xf32>,
          tpu.vector_store %arg19[%swap3A_334], %broadcast_in_dim3A_333 {strides = array<i32>} : memref<512xf32, #tpu.memory_space<vmem>>, vector<16xf32>,
          %get3A_336 = arith.index_cast %multiple_of3A : i32 to index
          %get3A_337 = tpu.vector_load %arg17[%get3A_336] {strides = array<i32>} : memref<512xf32, #tpu.memory_space<vmem>>, vector<16xf32>,
          %gt3A_338 = arith.constant 5.000000e-01 : f32
          %gt3A_339 = vector.broadcast %gt3A_338 : f32 to vector<16xf32>
          %gt3A_340 = arith.cmpf ogt, %get3A_337, %gt3A_339 : vector<16xf32>
          %jit3A_341 = arith.constant 1.000000e+30 : f32
          %broadcast_in_dim3A_342 = vector.broadcast %jit3A_341 : f32 to vector<16xf32>
          %select_n3A_343 = arith.select %gt3A_340, %sub3A_325, %broadcast_in_dim3A_342 : vector<16xi1>, vector<16xf32>
          %lt3A_344 = arith.cmpf olt, %select_n3A_343, %while3A_312 : vector<16xf32>
          %select_n3A_345 = arith.select %lt3A_344, %select_n3A_343, %while3A_312 : vector<16xi1>, vector<16xf32>
          %broadcast_in_dim3A_346 = vector.broadcast %while3A_311 : i32 to vector<16xi32>
          %select_n3A_347 = arith.select %lt3A_344, %broadcast_in_dim3A_346, %while3A_313 : vector<16xi1>, vector<16xi32>
          scf.yield %select_n3A_345, %select_n3A_347 : vector<16xf32>, vector<16xi32>
        }
        %reduce_min3A = arith.constant true
        %reduce_min3A_249 = vector.broadcast %reduce_min3A : i1 to vector<16xi1>
        %reduce_min3A_250 = tpu.scan <min>, %while3A_248#0 masked %reduce_min3A_249 : vector<16xf32>, vector<16xi1> -> vector<16xf32>
        %reduce_min3A_251 = vector.extract %reduce_min3A_250[15] : f32 from vector<16xf32>
        %le3A = vector.broadcast %reduce_min3A_251 : f32 to vector<16xf32>
        %le3A_252 = arith.cmpf ole, %while3A_248#0, %le3A : vector<16xf32>
        %all_reduce_ffs3A = tpu.all_reduce %le3A_252 {dim = 0 : i64, kind = #tpu.reduction_kind<find_first_set>} : vector<16xi1> -> vector<16xi32>
        %reduce_max3A_253 = arith.constant true
        %reduce_max3A_254 = vector.broadcast %reduce_max3A_253 : i1 to vector<16xi1>
        %reduce_max3A_255 = arith.constant -2147483648 : i32
        %reduce_max3A_256 = vector.broadcast %reduce_max3A_255 : i32 to vector<16xi32>
        %reduce_max3A_257 = arith.xori %all_reduce_ffs3A, %reduce_max3A_256 : vector<16xi32>
        %reduce_max3A_258 = tpu.scan <max>, %reduce_max3A_257 masked %reduce_max3A_254 : vector<16xi32>, vector<16xi1> -> vector<16xi32>
        %reduce_max3A_259 = arith.xori %reduce_max3A_258, %reduce_max3A_256 : vector<16xi32>
        %reduce_max3A_260 = vector.extract %reduce_max3A_259[15] : i32 from vector<16xi32>
        %iota3A = tpu.iota {dimensions = array<i32: 0>} : vector<16xi32>
        %eq3A_261 = vector.broadcast %reduce_max3A_260 : i32 to vector<16xi32>
        %eq3A_262 = arith.cmpi eq, %iota3A, %eq3A_261 : vector<16xi32>
        %jit3A_263 = arith.constant 0 : i32
        %broadcast_in_dim3A_264 = vector.broadcast %jit3A_263 : i32 to vector<16xi32>
        %select_n3A_265 = arith.select %eq3A_262, %while3A_248#1, %broadcast_in_dim3A_264 : vector<16xi1>, vector<16xi32>
        %reduce_sum3A = arith.constant true
        %reduce_sum3A_266 = vector.broadcast %reduce_sum3A : i1 to vector<16xi1>
        %reduce_sum3A_267 = tpu.scan <sum>, %select_n3A_265 masked %reduce_sum3A_266 : vector<16xi32>, vector<16xi1> -> vector<16xi32>
        %reduce_sum3A_268 = vector.extract %reduce_sum3A_267[15] : i32 from vector<16xi32>
        %mul3A_269 = arith.constant 16 : i32
        %mul3A_270 = arith.muli %reduce_sum3A_268, %mul3A_269 : i32
        %add3A_271 = arith.addi %mul3A_270, %reduce_max3A_260 : i32
        %broadcast_in_dim3A_272 = vector.broadcast %add3A_271 : i32 to vector<16xi32>
        %broadcast_in_dim3A_273 = arith.constant 1.000000e+00 : f32
        %broadcast_in_dim3A_274 = vector.broadcast %broadcast_in_dim3A_273 : f32 to vector<16xf32>
        %iota3A_275 = tpu.iota {dimensions = array<i32: 0>} : vector<16xi32>
        %eq3A_276 = arith.constant 0 : i32
        %eq3A_277 = vector.broadcast %eq3A_276 : i32 to vector<16xi32>
        %eq3A_278 = arith.cmpi eq, %iota3A_275, %eq3A_277 : vector<16xi32>
        tpu.vector_store_idx %arg19[%broadcast_in_dim3A_272], %broadcast_in_dim3A_274 masked %eq3A_278 : memref<512xf32, #tpu.memory_space<vmem>>[vector<16xi32>], vector<16xf32>, vector<16xi1>
        %broadcast_in_dim3A_279 = vector.broadcast %add3A_271 : i32 to vector<16xi32>
        %gather3A_280 = tpu.vector_load_idx %arg20[%broadcast_in_dim3A_279] : memref<512xi32, #tpu.memory_space<vmem>>[vector<16xi32>], vector<16xi32>,
        %reduce_max3A_281 = arith.constant true
        %reduce_max3A_282 = vector.broadcast %reduce_max3A_281 : i1 to vector<16xi1>
        %reduce_max3A_283 = arith.constant -2147483648 : i32
        %reduce_max3A_284 = vector.broadcast %reduce_max3A_283 : i32 to vector<16xi32>
        %reduce_max3A_285 = arith.xori %gather3A_280, %reduce_max3A_284 : vector<16xi32>
        %reduce_max3A_286 = tpu.scan <max>, %reduce_max3A_285 masked %reduce_max3A_282 : vector<16xi32>, vector<16xi1> -> vector<16xi32>
        %reduce_max3A_287 = arith.xori %reduce_max3A_286, %reduce_max3A_284 : vector<16xi32>
        %reduce_max3A_288 = vector.extract %reduce_max3A_287[15] : i32 from vector<16xi32>
        %while3A_289:3 = scf.while (%while3A_311 = %add3A_271, %while3A_312 = %reduce_min3A_251, %while3A_313 = %reduce_max3A_288) : (i32, f32, i32) -> (i32, f32, i32) {
          %ge3A = arith.constant 0 : i32
          %ge3A_314 = arith.cmpi sge, %while3A_313, %ge3A : i32
          scf.condition(%ge3A_314) %while3A_311, %while3A_312, %while3A_313 : i32, f32, i32
        } do {
        ^bb0(%while3A_311: i32, %while3A_312: f32, %while3A_313: i32):
          %lt3A_314 = arith.cmpi slt, %while3A_313, %min3A : i32
          %convert_element_type3A_315 = arith.extui %lt3A_314 : i1 to i32
          %cond3A_316 = arith.constant 0 : i32
          %cond3A_317 = arith.cmpi ne, %convert_element_type3A_315, %cond3A_316 : i32
          scf.if %cond3A_317 {
          } else {
            %scan3A_388 = arith.constant 0 : i32
            %scan3A_389 = arith.constant 0 : i32
            %scan3A_390 = arith.constant 32 : i32
            %scan3A_391 = arith.addi %scan3A_389, %scan3A_390 : i32
            %scan3A_392 = arith.constant 1 : i32
            %scan3A_393 = scf.for %scan3A_401 = %scan3A_389 to %scan3A_391 step %scan3A_392 iter_args(%scan3A_402 = %scan3A_388) -> (i32)  : i32 {
              %sub3A_403 = arith.constant 1 : i32
              %sub3A_404 = arith.subi %select_n3A_64, %sub3A_403 : i32
              %min3A_405 = arith.minsi %scan3A_401, %sub3A_404 : i32
              %sub3A_406 = arith.constant 1 : i32
              %sub3A_407 = arith.subi %scan3A_35, %sub3A_406 : i32
              %min3A_408 = arith.minsi %while3A_313, %sub3A_407 : i32
              %broadcast_in_dim3A_409 = vector.broadcast %min3A_408 : i32 to vector<16xi32>
              %gather3A_410 = tpu.vector_load_idx %arg12[%broadcast_in_dim3A_409] : memref<512xi32, #tpu.memory_space<vmem>>[vector<16xi32>], vector<16xi32>,
              %reduce_max3A_411 = arith.constant true
              %reduce_max3A_412 = vector.broadcast %reduce_max3A_411 : i1 to vector<16xi1>
              %reduce_max3A_413 = arith.constant -2147483648 : i32
              %reduce_max3A_414 = vector.broadcast %reduce_max3A_413 : i32 to vector<16xi32>
              %reduce_max3A_415 = arith.xori %gather3A_410, %reduce_max3A_414 : vector<16xi32>
              %reduce_max3A_416 = tpu.scan <max>, %reduce_max3A_415 masked %reduce_max3A_412 : vector<16xi32>, vector<16xi1> -> vector<16xi32>
              %reduce_max3A_417 = arith.xori %reduce_max3A_416, %reduce_max3A_414 : vector<16xi32>
              %reduce_max3A_418 = vector.extract %reduce_max3A_417[15] : i32 from vector<16xi32>
              %mul3A_419 = arith.constant 16 : i32
              %mul3A_420 = arith.muli %min3A_405, %mul3A_419 : i32
              %multiple_of3A = tpu.assume_multiple %mul3A_420, 16 : i32
              %get3A = arith.index_cast %multiple_of3A : i32 to index
              %get3A_421 = tpu.vector_load %arg11[%get3A] {strides = array<i32>} : memref<512xi32, #tpu.memory_space<vmem>>, vector<16xi32>,
              %iota3A_422 = tpu.iota {dimensions = array<i32: 0>} : vector<16xi32>
              %add3A_423 = vector.broadcast %multiple_of3A : i32 to vector<16xi32>
              %add3A_424 = arith.addi %add3A_423, %iota3A_422 : vector<16xi32>
              %lt3A_425 = vector.broadcast %scan3A_35 : i32 to vector<16xi32>
              %lt3A_426 = arith.cmpi slt, %add3A_424, %lt3A_425 : vector<16xi32>
              %jit3A_427 = arith.constant 0 : i32
              %broadcast_in_dim3A_428 = vector.broadcast %jit3A_427 : i32 to vector<16xi32>
              %select_n3A_429 = arith.select %lt3A_426, %get3A_421, %broadcast_in_dim3A_428 : vector<16xi1>, vector<16xi32>
              %add3A_430 = vector.broadcast %reduce_max3A_418 : i32 to vector<16xi32>
              %add3A_431 = arith.addi %add3A_430, %select_n3A_429 : vector<16xi32>
              %mul3A_432 = arith.constant 16 : i32
              %mul3A_433 = arith.muli %scan3A_401, %mul3A_432 : i32
              %multiple_of3A_434 = tpu.assume_multiple %mul3A_433, 16 : i32
              %swap3A_435 = arith.index_cast %multiple_of3A_434 : i32 to index
              %swap3A_436 = tpu.vector_load %arg22[%swap3A_435] {strides = array<i32>} : memref<512xi32, #tpu.memory_space<vmem>>, vector<16xi32>,
              tpu.vector_store %arg22[%swap3A_435], %add3A_431 {strides = array<i32>} : memref<512xi32, #tpu.memory_space<vmem>>, vector<16xi32>,
              %scan3A_437 = arith.constant 0 : i32
              scf.yield %scan3A_437 : i32
            }
            %scan3A_394 = arith.constant 32 : i32
            %dma_start3A = arith.constant 117248 : i32
            %dma_start3A_395 = tpu.memref_slice %arg13[%dma_start3A] : memref<117760xf32, #tpu.memory_space<vmem>> -> memref<512xf32, #tpu.memory_space<vmem>>
            %dma_start3A_396 = arith.constant 0 : i32
            %dma_start3A_397 = tpu.memref_slice %arg2[%dma_start3A_396] : memref<33554432xf32, #tpu.memory_space<hbm>> -> memref<33554432xf32, #tpu.memory_space<hbm>>
            tpu.enqueue_indirect_dma source(%dma_start3A_397 : memref<33554432xf32, #tpu.memory_space<hbm>>) target(%dma_start3A_395 : memref<512xf32, #tpu.memory_space<vmem>>) offsets(%arg22 : memref<512xi32, #tpu.memory_space<vmem>>) semaphore(%arg24 : memref<!tpu.dma_semaphore, #tpu.memory_space<semaphore_mem>>)
            %dma_wait3A = arith.constant 117248 : i32
            %dma_wait3A_398 = tpu.memref_slice %arg13[%dma_wait3A] : memref<117760xf32, #tpu.memory_space<vmem>> -> memref<512xf32, #tpu.memory_space<vmem>>
            %dma_wait3A_399 = arith.constant 0 : i32
            %dma_wait3A_400 = tpu.memref_slice %arg2[%dma_wait3A_399] : memref<33554432xf32, #tpu.memory_space<hbm>> -> memref<33554432xf32, #tpu.memory_space<hbm>>
            tpu.wait_indirect_dma semaphore(%arg24 : memref<!tpu.dma_semaphore, #tpu.memory_space<semaphore_mem>>) src(%dma_wait3A_400 : memref<33554432xf32, #tpu.memory_space<hbm>>) dst(%dma_wait3A_398 : memref<512xf32, #tpu.memory_space<vmem>>)
          }
          %lt3A_318 = arith.cmpi slt, %while3A_313, %min3A : i32
          %mul3A_319 = arith.muli %while3A_313, %mul3A_66 : i32
          %jit3A_320 = arith.constant 117248 : i32
          %select_n3A_321 = arith.select %lt3A_318, %mul3A_319, %jit3A_320 : i32
          %broadcast_in_dim3A_322 = vector.broadcast %while3A_313 : i32 to vector<16xi32>
          %gather3A_323 = tpu.vector_load_idx %arg14[%broadcast_in_dim3A_322] : memref<512xf32, #tpu.memory_space<vmem>>[vector<16xi32>], vector<16xf32>,
          %reduce_max3A_324 = arith.constant true
          %reduce_max3A_325 = vector.broadcast %reduce_max3A_324 : i1 to vector<16xi1>
          %reduce_max3A_326 = tpu.scan <max>, %gather3A_323 masked %reduce_max3A_325 : vector<16xf32>, vector<16xi1> -> vector<16xf32>
          %reduce_max3A_327 = vector.extract %reduce_max3A_326[15] : f32 from vector<16xf32>
          %broadcast_in_dim3A_328 = arith.constant 1.000000e+30 : f32
          %broadcast_in_dim3A_329 = vector.broadcast %broadcast_in_dim3A_328 : f32 to vector<16xf32>
          %broadcast_in_dim3A_330 = arith.constant 0 : i32
          %broadcast_in_dim3A_331 = vector.broadcast %broadcast_in_dim3A_330 : i32 to vector<16xi32>
          %while3A_332 = arith.constant 0 : i32
          %while3A_333 = arith.subi %select_n3A_64, %while3A_332 : i32
          %while3A_334 = arith.addi %while3A_332, %while3A_333 : i32
          %while3A_335 = arith.constant 1 : i32
          %while3A_336 = arith.divsi %while3A_333, %while3A_335 : i32
          %while3A_337 = arith.muli %while3A_336, %while3A_335 : i32
          %while3A_338 = arith.addi %while3A_332, %while3A_337 : i32
          %while3A_339 = arith.constant 1 : i32
          %while3A_340:2 = scf.for %while3A_388 = %while3A_332 to %while3A_338 step %while3A_339 iter_args(%while3A_389 = %broadcast_in_dim3A_329, %while3A_390 = %broadcast_in_dim3A_331) -> (vector<16xf32>, vector<16xi32>)  : i32 {
            %mul3A_391 = arith.constant 16 : i32
            %mul3A_392 = arith.muli %while3A_388, %mul3A_391 : i32
            %multiple_of3A = tpu.assume_multiple %mul3A_392, 16 : i32
            %get3A = arith.index_cast %multiple_of3A : i32 to index
            %get3A_393 = tpu.vector_load %arg19[%get3A] {strides = array<i32>} : memref<512xf32, #tpu.memory_space<vmem>>, vector<16xf32>,
            %get3A_394 = arith.index_cast %multiple_of3A : i32 to index
            %get3A_395 = tpu.vector_load %arg16[%get3A_394] {strides = array<i32>} : memref<512xf32, #tpu.memory_space<vmem>>, vector<16xf32>,
            %add3A_396 = arith.addi %select_n3A_321, %multiple_of3A : i32
            %multiple_of3A_397 = tpu.assume_multiple %add3A_396, 16 : i32
            %get3A_398 = arith.index_cast %multiple_of3A_397 : i32 to index
            %get3A_399 = tpu.vector_load %arg13[%get3A_398] {strides = array<i32>} : memref<117760xf32, #tpu.memory_space<vmem>>, vector<16xf32>,
            %neg3A = arith.constant 0.000000e+00 : f32
            %neg3A_400 = vector.broadcast %neg3A : f32 to vector<16xf32>
            %neg3A_401 = arith.subf %neg3A_400, %get3A_399 : vector<16xf32>
            %sub3A_402 = vector.broadcast %reduce_max3A_327 : f32 to vector<16xf32>
            %sub3A_403 = arith.subf %neg3A_401, %sub3A_402 : vector<16xf32>
            %get3A_404 = arith.index_cast %multiple_of3A : i32 to index
            %get3A_405 = tpu.vector_load %arg15[%get3A_404] {strides = array<i32>} : memref<512xf32, #tpu.memory_space<vmem>>, vector<16xf32>,
            %sub3A_406 = arith.subf %sub3A_403, %get3A_405 : vector<16xf32>
            %add3A_407 = vector.broadcast %while3A_312 : f32 to vector<16xf32>
            %add3A_408 = arith.addf %add3A_407, %sub3A_406 : vector<16xf32>
            %lt3A_409 = arith.constant 5.000000e-01 : f32
            %lt3A_410 = vector.broadcast %lt3A_409 : f32 to vector<16xf32>
            %lt3A_411 = arith.cmpf olt, %get3A_393, %lt3A_410 : vector<16xf32>
            %lt3A_412 = arith.cmpf olt, %add3A_408, %get3A_395 : vector<16xf32>
            %and3A_413 = arith.andi %lt3A_411, %lt3A_412 : vector<16xi1>
            %select_n3A_414 = arith.select %and3A_413, %add3A_408, %get3A_395 : vector<16xi1>, vector<16xf32>
            %swap3A_415 = arith.index_cast %multiple_of3A : i32 to index
            %swap3A_416 = tpu.vector_load %arg16[%swap3A_415] {strides = array<i32>} : memref<512xf32, #tpu.memory_space<vmem>>, vector<16xf32>,
            tpu.vector_store %arg16[%swap3A_415], %select_n3A_414 {strides = array<i32>} : memref<512xf32, #tpu.memory_space<vmem>>, vector<16xf32>,
            %get3A_417 = arith.index_cast %multiple_of3A : i32 to index
            %get3A_418 = tpu.vector_load %arg18[%get3A_417] {strides = array<i32>} : memref<512xi32, #tpu.memory_space<vmem>>, vector<16xi32>,
            %broadcast_in_dim3A_419 = vector.broadcast %while3A_311 : i32 to vector<16xi32>
            %select_n3A_420 = arith.select %and3A_413, %broadcast_in_dim3A_419, %get3A_418 : vector<16xi1>, vector<16xi32>
            %swap3A_421 = arith.index_cast %multiple_of3A : i32 to index
            %swap3A_422 = tpu.vector_load %arg18[%swap3A_421] {strides = array<i32>} : memref<512xi32, #tpu.memory_space<vmem>>, vector<16xi32>,
            tpu.vector_store %arg18[%swap3A_421], %select_n3A_420 {strides = array<i32>} : memref<512xi32, #tpu.memory_space<vmem>>, vector<16xi32>,
            %get3A_423 = arith.index_cast %multiple_of3A : i32 to index
            %get3A_424 = tpu.vector_load %arg17[%get3A_423] {strides = array<i32>} : memref<512xf32, #tpu.memory_space<vmem>>, vector<16xf32>,
            %gt3A_425 = arith.constant 5.000000e-01 : f32
            %gt3A_426 = vector.broadcast %gt3A_425 : f32 to vector<16xf32>
            %gt3A_427 = arith.cmpf ogt, %get3A_424, %gt3A_426 : vector<16xf32>
            %and3A_428 = arith.andi %lt3A_411, %gt3A_427 : vector<16xi1>
            %jit3A_429 = arith.constant 1.000000e+30 : f32
            %broadcast_in_dim3A_430 = vector.broadcast %jit3A_429 : f32 to vector<16xf32>
            %select_n3A_431 = arith.select %and3A_428, %select_n3A_414, %broadcast_in_dim3A_430 : vector<16xi1>, vector<16xf32>
            %lt3A_432 = arith.cmpf olt, %select_n3A_431, %while3A_389 : vector<16xf32>
            %select_n3A_433 = arith.select %lt3A_432, %select_n3A_431, %while3A_389 : vector<16xi1>, vector<16xf32>
            %broadcast_in_dim3A_434 = vector.broadcast %while3A_388 : i32 to vector<16xi32>
            %select_n3A_435 = arith.select %lt3A_432, %broadcast_in_dim3A_434, %while3A_390 : vector<16xi1>, vector<16xi32>
            scf.yield %select_n3A_433, %select_n3A_435 : vector<16xf32>, vector<16xi32>
          }
          %while3A_341 = arith.constant 1 : i32
          %while3A_342:2 = scf.for %while3A_388 = %while3A_338 to %while3A_334 step %while3A_341 iter_args(%while3A_389 = %while3A_340#0, %while3A_390 = %while3A_340#1) -> (vector<16xf32>, vector<16xi32>)  : i32 {
            %mul3A_391 = arith.constant 16 : i32
            %mul3A_392 = arith.muli %while3A_388, %mul3A_391 : i32
            %multiple_of3A = tpu.assume_multiple %mul3A_392, 16 : i32
            %get3A = arith.index_cast %multiple_of3A : i32 to index
            %get3A_393 = tpu.vector_load %arg19[%get3A] {strides = array<i32>} : memref<512xf32, #tpu.memory_space<vmem>>, vector<16xf32>,
            %get3A_394 = arith.index_cast %multiple_of3A : i32 to index
            %get3A_395 = tpu.vector_load %arg16[%get3A_394] {strides = array<i32>} : memref<512xf32, #tpu.memory_space<vmem>>, vector<16xf32>,
            %add3A_396 = arith.addi %select_n3A_321, %multiple_of3A : i32
            %multiple_of3A_397 = tpu.assume_multiple %add3A_396, 16 : i32
            %get3A_398 = arith.index_cast %multiple_of3A_397 : i32 to index
            %get3A_399 = tpu.vector_load %arg13[%get3A_398] {strides = array<i32>} : memref<117760xf32, #tpu.memory_space<vmem>>, vector<16xf32>,
            %neg3A = arith.constant 0.000000e+00 : f32
            %neg3A_400 = vector.broadcast %neg3A : f32 to vector<16xf32>
            %neg3A_401 = arith.subf %neg3A_400, %get3A_399 : vector<16xf32>
            %sub3A_402 = vector.broadcast %reduce_max3A_327 : f32 to vector<16xf32>
            %sub3A_403 = arith.subf %neg3A_401, %sub3A_402 : vector<16xf32>
            %get3A_404 = arith.index_cast %multiple_of3A : i32 to index
            %get3A_405 = tpu.vector_load %arg15[%get3A_404] {strides = array<i32>} : memref<512xf32, #tpu.memory_space<vmem>>, vector<16xf32>,
            %sub3A_406 = arith.subf %sub3A_403, %get3A_405 : vector<16xf32>
            %add3A_407 = vector.broadcast %while3A_312 : f32 to vector<16xf32>
            %add3A_408 = arith.addf %add3A_407, %sub3A_406 : vector<16xf32>
            %lt3A_409 = arith.constant 5.000000e-01 : f32
            %lt3A_410 = vector.broadcast %lt3A_409 : f32 to vector<16xf32>
            %lt3A_411 = arith.cmpf olt, %get3A_393, %lt3A_410 : vector<16xf32>
            %lt3A_412 = arith.cmpf olt, %add3A_408, %get3A_395 : vector<16xf32>
            %and3A_413 = arith.andi %lt3A_411, %lt3A_412 : vector<16xi1>
            %select_n3A_414 = arith.select %and3A_413, %add3A_408, %get3A_395 : vector<16xi1>, vector<16xf32>
            %swap3A_415 = arith.index_cast %multiple_of3A : i32 to index
            %swap3A_416 = tpu.vector_load %arg16[%swap3A_415] {strides = array<i32>} : memref<512xf32, #tpu.memory_space<vmem>>, vector<16xf32>,
            tpu.vector_store %arg16[%swap3A_415], %select_n3A_414 {strides = array<i32>} : memref<512xf32, #tpu.memory_space<vmem>>, vector<16xf32>,
            %get3A_417 = arith.index_cast %multiple_of3A : i32 to index
            %get3A_418 = tpu.vector_load %arg18[%get3A_417] {strides = array<i32>} : memref<512xi32, #tpu.memory_space<vmem>>, vector<16xi32>,
            %broadcast_in_dim3A_419 = vector.broadcast %while3A_311 : i32 to vector<16xi32>
            %select_n3A_420 = arith.select %and3A_413, %broadcast_in_dim3A_419, %get3A_418 : vector<16xi1>, vector<16xi32>
            %swap3A_421 = arith.index_cast %multiple_of3A : i32 to index
            %swap3A_422 = tpu.vector_load %arg18[%swap3A_421] {strides = array<i32>} : memref<512xi32, #tpu.memory_space<vmem>>, vector<16xi32>,
            tpu.vector_store %arg18[%swap3A_421], %select_n3A_420 {strides = array<i32>} : memref<512xi32, #tpu.memory_space<vmem>>, vector<16xi32>,
            %get3A_423 = arith.index_cast %multiple_of3A : i32 to index
            %get3A_424 = tpu.vector_load %arg17[%get3A_423] {strides = array<i32>} : memref<512xf32, #tpu.memory_space<vmem>>, vector<16xf32>,
            %gt3A_425 = arith.constant 5.000000e-01 : f32
            %gt3A_426 = vector.broadcast %gt3A_425 : f32 to vector<16xf32>
            %gt3A_427 = arith.cmpf ogt, %get3A_424, %gt3A_426 : vector<16xf32>
            %and3A_428 = arith.andi %lt3A_411, %gt3A_427 : vector<16xi1>
            %jit3A_429 = arith.constant 1.000000e+30 : f32
            %broadcast_in_dim3A_430 = vector.broadcast %jit3A_429 : f32 to vector<16xf32>
            %select_n3A_431 = arith.select %and3A_428, %select_n3A_414, %broadcast_in_dim3A_430 : vector<16xi1>, vector<16xf32>
            %lt3A_432 = arith.cmpf olt, %select_n3A_431, %while3A_389 : vector<16xf32>
            %select_n3A_433 = arith.select %lt3A_432, %select_n3A_431, %while3A_389 : vector<16xi1>, vector<16xf32>
            %broadcast_in_dim3A_434 = vector.broadcast %while3A_388 : i32 to vector<16xi32>
            %select_n3A_435 = arith.select %lt3A_432, %broadcast_in_dim3A_434, %while3A_390 : vector<16xi1>, vector<16xi32>
            scf.yield %select_n3A_433, %select_n3A_435 : vector<16xf32>, vector<16xi32>
          }
          %reduce_min3A_343 = arith.constant true
          %reduce_min3A_344 = vector.broadcast %reduce_min3A_343 : i1 to vector<16xi1>
          %reduce_min3A_345 = tpu.scan <min>, %while3A_342#0 masked %reduce_min3A_344 : vector<16xf32>, vector<16xi1> -> vector<16xf32>
          %reduce_min3A_346 = vector.extract %reduce_min3A_345[15] : f32 from vector<16xf32>
          %le3A_347 = vector.broadcast %reduce_min3A_346 : f32 to vector<16xf32>
          %le3A_348 = arith.cmpf ole, %while3A_342#0, %le3A_347 : vector<16xf32>
          %all_reduce_ffs3A_349 = tpu.all_reduce %le3A_348 {dim = 0 : i64, kind = #tpu.reduction_kind<find_first_set>} : vector<16xi1> -> vector<16xi32>
          %reduce_max3A_350 = arith.constant true
          %reduce_max3A_351 = vector.broadcast %reduce_max3A_350 : i1 to vector<16xi1>
          %reduce_max3A_352 = arith.constant -2147483648 : i32
          %reduce_max3A_353 = vector.broadcast %reduce_max3A_352 : i32 to vector<16xi32>
          %reduce_max3A_354 = arith.xori %all_reduce_ffs3A_349, %reduce_max3A_353 : vector<16xi32>
          %reduce_max3A_355 = tpu.scan <max>, %reduce_max3A_354 masked %reduce_max3A_351 : vector<16xi32>, vector<16xi1> -> vector<16xi32>
          %reduce_max3A_356 = arith.xori %reduce_max3A_355, %reduce_max3A_353 : vector<16xi32>
          %reduce_max3A_357 = vector.extract %reduce_max3A_356[15] : i32 from vector<16xi32>
          %iota3A_358 = tpu.iota {dimensions = array<i32: 0>} : vector<16xi32>
          %eq3A_359 = vector.broadcast %reduce_max3A_357 : i32 to vector<16xi32>
          %eq3A_360 = arith.cmpi eq, %iota3A_358, %eq3A_359 : vector<16xi32>
          %jit3A_361 = arith.constant 0 : i32
          %broadcast_in_dim3A_362 = vector.broadcast %jit3A_361 : i32 to vector<16xi32>
          %select_n3A_363 = arith.select %eq3A_360, %while3A_342#1, %broadcast_in_dim3A_362 : vector<16xi1>, vector<16xi32>
          %reduce_sum3A_364 = arith.constant true
          %reduce_sum3A_365 = vector.broadcast %reduce_sum3A_364 : i1 to vector<16xi1>
          %reduce_sum3A_366 = tpu.scan <sum>, %select_n3A_363 masked %reduce_sum3A_365 : vector<16xi32>, vector<16xi1> -> vector<16xi32>
          %reduce_sum3A_367 = vector.extract %reduce_sum3A_366[15] : i32 from vector<16xi32>
          %mul3A_368 = arith.constant 16 : i32
          %mul3A_369 = arith.muli %reduce_sum3A_367, %mul3A_368 : i32
          %add3A_370 = arith.addi %mul3A_369, %reduce_max3A_357 : i32
          %broadcast_in_dim3A_371 = vector.broadcast %add3A_370 : i32 to vector<16xi32>
          %broadcast_in_dim3A_372 = arith.constant 1.000000e+00 : f32
          %broadcast_in_dim3A_373 = vector.broadcast %broadcast_in_dim3A_372 : f32 to vector<16xf32>
          %iota3A_374 = tpu.iota {dimensions = array<i32: 0>} : vector<16xi32>
          %eq3A_375 = arith.constant 0 : i32
          %eq3A_376 = vector.broadcast %eq3A_375 : i32 to vector<16xi32>
          %eq3A_377 = arith.cmpi eq, %iota3A_374, %eq3A_376 : vector<16xi32>
          tpu.vector_store_idx %arg19[%broadcast_in_dim3A_371], %broadcast_in_dim3A_373 masked %eq3A_377 : memref<512xf32, #tpu.memory_space<vmem>>[vector<16xi32>], vector<16xf32>, vector<16xi1>
          %broadcast_in_dim3A_378 = vector.broadcast %add3A_370 : i32 to vector<16xi32>
          %gather3A_379 = tpu.vector_load_idx %arg20[%broadcast_in_dim3A_378] : memref<512xi32, #tpu.memory_space<vmem>>[vector<16xi32>], vector<16xi32>,
          %reduce_max3A_380 = arith.constant true
          %reduce_max3A_381 = vector.broadcast %reduce_max3A_380 : i1 to vector<16xi1>
          %reduce_max3A_382 = arith.constant -2147483648 : i32
          %reduce_max3A_383 = vector.broadcast %reduce_max3A_382 : i32 to vector<16xi32>
          %reduce_max3A_384 = arith.xori %gather3A_379, %reduce_max3A_383 : vector<16xi32>
          %reduce_max3A_385 = tpu.scan <max>, %reduce_max3A_384 masked %reduce_max3A_381 : vector<16xi32>, vector<16xi1> -> vector<16xi32>
          %reduce_max3A_386 = arith.xori %reduce_max3A_385, %reduce_max3A_383 : vector<16xi32>
          %reduce_max3A_387 = vector.extract %reduce_max3A_386[15] : i32 from vector<16xi32>
          scf.yield %add3A_370, %reduce_min3A_346, %reduce_max3A_387 : i32, f32, i32
        }
        %while3A_290 = arith.constant 0 : i32
        %while3A_291 = arith.constant 0 : i32
        %while3A_292 = arith.subi %select_n3A_64, %while3A_290 : i32
        %while3A_293 = arith.addi %while3A_290, %while3A_292 : i32
        %while3A_294 = arith.constant 1 : i32
        %while3A_295 = arith.divsi %while3A_292, %while3A_294 : i32
        %while3A_296 = arith.muli %while3A_295, %while3A_294 : i32
        %while3A_297 = arith.addi %while3A_290, %while3A_296 : i32
        %while3A_298 = arith.constant 1 : i32
        %while3A_299 = scf.for %while3A_311 = %while3A_290 to %while3A_297 step %while3A_298 iter_args(%while3A_312 = %while3A_291) -> (i32)  : i32 {
          %mul3A_313 = arith.constant 16 : i32
          %mul3A_314 = arith.muli %while3A_311, %mul3A_313 : i32
          %multiple_of3A = tpu.assume_multiple %mul3A_314, 16 : i32
          %get3A = arith.index_cast %multiple_of3A : i32 to index
          %get3A_315 = tpu.vector_load %arg19[%get3A] {strides = array<i32>} : memref<512xf32, #tpu.memory_space<vmem>>, vector<16xf32>,
          %gt3A_316 = arith.constant 5.000000e-01 : f32
          %gt3A_317 = vector.broadcast %gt3A_316 : f32 to vector<16xf32>
          %gt3A_318 = arith.cmpf ogt, %get3A_315, %gt3A_317 : vector<16xf32>
          %iota3A_319 = tpu.iota {dimensions = array<i32: 0>} : vector<16xi32>
          %add3A_320 = vector.broadcast %multiple_of3A : i32 to vector<16xi32>
          %add3A_321 = arith.addi %add3A_320, %iota3A_319 : vector<16xi32>
          %ne3A_322 = vector.broadcast %while3A_289#0 : i32 to vector<16xi32>
          %ne3A_323 = arith.cmpi ne, %add3A_321, %ne3A_322 : vector<16xi32>
          %and3A_324 = arith.andi %gt3A_318, %ne3A_323 : vector<16xi1>
          %get3A_325 = arith.index_cast %multiple_of3A : i32 to index
          %get3A_326 = tpu.vector_load %arg16[%get3A_325] {strides = array<i32>} : memref<512xf32, #tpu.memory_space<vmem>>, vector<16xf32>,
          %sub3A_327 = vector.broadcast %while3A_289#1 : f32 to vector<16xf32>
          %sub3A_328 = arith.subf %sub3A_327, %get3A_326 : vector<16xf32>
          %get3A_329 = arith.index_cast %multiple_of3A : i32 to index
          %get3A_330 = tpu.vector_load %arg15[%get3A_329] {strides = array<i32>} : memref<512xf32, #tpu.memory_space<vmem>>, vector<16xf32>,
          %jit3A_331 = arith.constant 0.000000e+00 : f32
          %broadcast_in_dim3A_332 = vector.broadcast %jit3A_331 : f32 to vector<16xf32>
          %select_n3A_333 = arith.select %and3A_324, %sub3A_328, %broadcast_in_dim3A_332 : vector<16xi1>, vector<16xf32>
          %sub3A_334 = arith.subf %get3A_330, %select_n3A_333 : vector<16xf32>
          %swap3A_335 = arith.index_cast %multiple_of3A : i32 to index
          %swap3A_336 = tpu.vector_load %arg15[%swap3A_335] {strides = array<i32>} : memref<512xf32, #tpu.memory_space<vmem>>, vector<16xf32>,
          tpu.vector_store %arg15[%swap3A_335], %sub3A_334 {strides = array<i32>} : memref<512xf32, #tpu.memory_space<vmem>>, vector<16xf32>,
          %get3A_337 = arith.index_cast %multiple_of3A : i32 to index
          %get3A_338 = tpu.vector_load %arg20[%get3A_337] {strides = array<i32>} : memref<512xi32, #tpu.memory_space<vmem>>, vector<16xi32>,
          tpu.vector_store_idx %arg14[%get3A_338], %sub3A_328 masked %and3A_324 {add = true} : memref<512xf32, #tpu.memory_space<vmem>>[vector<16xi32>], vector<16xf32>, vector<16xi1>
          %while3A_339 = arith.constant 0 : i32
          scf.yield %while3A_339 : i32
        }
        %while3A_300 = arith.constant 1 : i32
        %while3A_301 = scf.for %while3A_311 = %while3A_297 to %while3A_293 step %while3A_300 iter_args(%while3A_312 = %while3A_299) -> (i32)  : i32 {
          %mul3A_313 = arith.constant 16 : i32
          %mul3A_314 = arith.muli %while3A_311, %mul3A_313 : i32
          %multiple_of3A = tpu.assume_multiple %mul3A_314, 16 : i32
          %get3A = arith.index_cast %multiple_of3A : i32 to index
          %get3A_315 = tpu.vector_load %arg19[%get3A] {strides = array<i32>} : memref<512xf32, #tpu.memory_space<vmem>>, vector<16xf32>,
          %gt3A_316 = arith.constant 5.000000e-01 : f32
          %gt3A_317 = vector.broadcast %gt3A_316 : f32 to vector<16xf32>
          %gt3A_318 = arith.cmpf ogt, %get3A_315, %gt3A_317 : vector<16xf32>
          %iota3A_319 = tpu.iota {dimensions = array<i32: 0>} : vector<16xi32>
          %add3A_320 = vector.broadcast %multiple_of3A : i32 to vector<16xi32>
          %add3A_321 = arith.addi %add3A_320, %iota3A_319 : vector<16xi32>
          %ne3A_322 = vector.broadcast %while3A_289#0 : i32 to vector<16xi32>
          %ne3A_323 = arith.cmpi ne, %add3A_321, %ne3A_322 : vector<16xi32>
          %and3A_324 = arith.andi %gt3A_318, %ne3A_323 : vector<16xi1>
          %get3A_325 = arith.index_cast %multiple_of3A : i32 to index
          %get3A_326 = tpu.vector_load %arg16[%get3A_325] {strides = array<i32>} : memref<512xf32, #tpu.memory_space<vmem>>, vector<16xf32>,
          %sub3A_327 = vector.broadcast %while3A_289#1 : f32 to vector<16xf32>
          %sub3A_328 = arith.subf %sub3A_327, %get3A_326 : vector<16xf32>
          %get3A_329 = arith.index_cast %multiple_of3A : i32 to index
          %get3A_330 = tpu.vector_load %arg15[%get3A_329] {strides = array<i32>} : memref<512xf32, #tpu.memory_space<vmem>>, vector<16xf32>,
          %jit3A_331 = arith.constant 0.000000e+00 : f32
          %broadcast_in_dim3A_332 = vector.broadcast %jit3A_331 : f32 to vector<16xf32>
          %select_n3A_333 = arith.select %and3A_324, %sub3A_328, %broadcast_in_dim3A_332 : vector<16xi1>, vector<16xf32>
          %sub3A_334 = arith.subf %get3A_330, %select_n3A_333 : vector<16xf32>
          %swap3A_335 = arith.index_cast %multiple_of3A : i32 to index
          %swap3A_336 = tpu.vector_load %arg15[%swap3A_335] {strides = array<i32>} : memref<512xf32, #tpu.memory_space<vmem>>, vector<16xf32>,
          tpu.vector_store %arg15[%swap3A_335], %sub3A_334 {strides = array<i32>} : memref<512xf32, #tpu.memory_space<vmem>>, vector<16xf32>,
          %get3A_337 = arith.index_cast %multiple_of3A : i32 to index
          %get3A_338 = tpu.vector_load %arg20[%get3A_337] {strides = array<i32>} : memref<512xi32, #tpu.memory_space<vmem>>, vector<16xi32>,
          tpu.vector_store_idx %arg14[%get3A_338], %sub3A_328 masked %and3A_324 {add = true} : memref<512xf32, #tpu.memory_space<vmem>>[vector<16xi32>], vector<16xf32>, vector<16xi1>
          %while3A_339 = arith.constant 0 : i32
          scf.yield %while3A_339 : i32
        }
        %broadcast_in_dim3A_302 = vector.broadcast %while3A_220 : i32 to vector<16xi32>
        %broadcast_in_dim3A_303 = vector.broadcast %while3A_289#1 : f32 to vector<16xf32>
        %iota3A_304 = tpu.iota {dimensions = array<i32: 0>} : vector<16xi32>
        %eq3A_305 = arith.constant 0 : i32
        %eq3A_306 = vector.broadcast %eq3A_305 : i32 to vector<16xi32>
        %eq3A_307 = arith.cmpi eq, %iota3A_304, %eq3A_306 : vector<16xi32>
        tpu.vector_store_idx %arg14[%broadcast_in_dim3A_302], %broadcast_in_dim3A_303 masked %eq3A_307 {add = true} : memref<512xf32, #tpu.memory_space<vmem>>[vector<16xi32>], vector<16xf32>, vector<16xi1>
        %while3A_308 = arith.constant 1 : i32
        %while3A_309:2 = scf.while (%while3A_311 = %while3A_289#0, %while3A_312 = %while3A_308) : (i32, i32) -> (i32, i32) {
          %ne3A_313 = arith.constant 0 : i32
          %ne3A_314 = arith.cmpi ne, %while3A_312, %ne3A_313 : i32
          scf.condition(%ne3A_314) %while3A_311, %while3A_312 : i32, i32
        } do {
        ^bb0(%while3A_311: i32, %while3A_312: i32):
          %broadcast_in_dim3A_313 = vector.broadcast %while3A_311 : i32 to vector<16xi32>
          %gather3A_314 = tpu.vector_load_idx %arg18[%broadcast_in_dim3A_313] : memref<512xi32, #tpu.memory_space<vmem>>[vector<16xi32>], vector<16xi32>,
          %reduce_max3A_315 = arith.constant true
          %reduce_max3A_316 = vector.broadcast %reduce_max3A_315 : i1 to vector<16xi1>
          %reduce_max3A_317 = arith.constant -2147483648 : i32
          %reduce_max3A_318 = vector.broadcast %reduce_max3A_317 : i32 to vector<16xi32>
          %reduce_max3A_319 = arith.xori %gather3A_314, %reduce_max3A_318 : vector<16xi32>
          %reduce_max3A_320 = tpu.scan <max>, %reduce_max3A_319 masked %reduce_max3A_316 : vector<16xi32>, vector<16xi1> -> vector<16xi32>
          %reduce_max3A_321 = arith.xori %reduce_max3A_320, %reduce_max3A_318 : vector<16xi32>
          %reduce_max3A_322 = vector.extract %reduce_max3A_321[15] : i32 from vector<16xi32>
          %max3A_323 = arith.constant 0 : i32
          %max3A_324 = arith.maxsi %reduce_max3A_322, %max3A_323 : i32
          %broadcast_in_dim3A_325 = vector.broadcast %max3A_324 : i32 to vector<16xi32>
          %gather3A_326 = tpu.vector_load_idx %arg20[%broadcast_in_dim3A_325] : memref<512xi32, #tpu.memory_space<vmem>>[vector<16xi32>], vector<16xi32>,
          %reduce_max3A_327 = arith.constant true
          %reduce_max3A_328 = vector.broadcast %reduce_max3A_327 : i1 to vector<16xi1>
          %reduce_max3A_329 = arith.constant -2147483648 : i32
          %reduce_max3A_330 = vector.broadcast %reduce_max3A_329 : i32 to vector<16xi32>
          %reduce_max3A_331 = arith.xori %gather3A_326, %reduce_max3A_330 : vector<16xi32>
          %reduce_max3A_332 = tpu.scan <max>, %reduce_max3A_331 masked %reduce_max3A_328 : vector<16xi32>, vector<16xi1> -> vector<16xi32>
          %reduce_max3A_333 = arith.xori %reduce_max3A_332, %reduce_max3A_330 : vector<16xi32>
          %reduce_max3A_334 = vector.extract %reduce_max3A_333[15] : i32 from vector<16xi32>
          %ge3A = arith.constant 0 : i32
          %ge3A_335 = arith.cmpi sge, %reduce_max3A_322, %ge3A : i32
          %select_n3A_336 = arith.select %ge3A_335, %reduce_max3A_334, %while3A_220 : i32
          %broadcast_in_dim3A_337 = vector.broadcast %while3A_311 : i32 to vector<16xi32>
          %broadcast_in_dim3A_338 = vector.broadcast %select_n3A_336 : i32 to vector<16xi32>
          %iota3A_339 = tpu.iota {dimensions = array<i32: 0>} : vector<16xi32>
          %eq3A_340 = arith.constant 0 : i32
          %eq3A_341 = vector.broadcast %eq3A_340 : i32 to vector<16xi32>
          %eq3A_342 = arith.cmpi eq, %iota3A_339, %eq3A_341 : vector<16xi32>
          tpu.vector_store_idx %arg20[%broadcast_in_dim3A_337], %broadcast_in_dim3A_338 masked %eq3A_342 : memref<512xi32, #tpu.memory_space<vmem>>[vector<16xi32>], vector<16xi32>, vector<16xi1>
          %max3A_343 = arith.constant 0 : i32
          %max3A_344 = arith.maxsi %reduce_max3A_322, %max3A_343 : i32
          %ge3A_345 = arith.constant 0 : i32
          %ge3A_346 = arith.cmpi sge, %reduce_max3A_322, %ge3A_345 : i32
          %convert_element_type3A_347 = arith.extui %ge3A_346 : i1 to i32
          scf.yield %max3A_344, %convert_element_type3A_347 : i32, i32
        }
        %while3A_310 = arith.constant 0 : i32
        scf.yield %while3A_310 : i32
      }
      %while3A_205 = arith.constant 0 : i32
      %while3A_206 = arith.constant 0.000000e+00 : f32
      "tpu.trace_stop"() : () -> ()
      %while3A_207 = arith.subi %select_n3A_64, %while3A_205 : i32
      %while3A_208 = arith.addi %while3A_205, %while3A_207 : i32
      %while3A_209 = arith.constant 1 : i32
      %while3A_210 = arith.divsi %while3A_207, %while3A_209 : i32
      %while3A_211 = arith.muli %while3A_210, %while3A_209 : i32
      %while3A_212 = arith.addi %while3A_205, %while3A_211 : i32
      %while3A_213 = arith.constant 1 : i32
      %while3A_214 = scf.for %while3A_220 = %while3A_205 to %while3A_212 step %while3A_213 iter_args(%while3A_221 = %while3A_206) -> (f32)  : i32 {
        %mul3A_222 = arith.constant 16 : i32
        %mul3A_223 = arith.muli %while3A_220, %mul3A_222 : i32
        %multiple_of3A = tpu.assume_multiple %mul3A_223, 16 : i32
        %get3A = arith.index_cast %multiple_of3A : i32 to index
        %get3A_224 = tpu.vector_load %arg14[%get3A] {strides = array<i32>} : memref<512xf32, #tpu.memory_space<vmem>>, vector<16xf32>,
        %reduce_sum3A = arith.constant true
        %reduce_sum3A_225 = vector.broadcast %reduce_sum3A : i1 to vector<16xi1>
        %reduce_sum3A_226 = tpu.scan <sum>, %get3A_224 masked %reduce_sum3A_225 : vector<16xf32>, vector<16xi1> -> vector<16xf32>
        %reduce_sum3A_227 = vector.extract %reduce_sum3A_226[15] : f32 from vector<16xf32>
        %add3A_228 = arith.addf %while3A_221, %reduce_sum3A_227 : f32
        %get3A_229 = arith.index_cast %multiple_of3A : i32 to index
        %get3A_230 = tpu.vector_load %arg15[%get3A_229] {strides = array<i32>} : memref<512xf32, #tpu.memory_space<vmem>>, vector<16xf32>,
        %reduce_sum3A_231 = arith.constant true
        %reduce_sum3A_232 = vector.broadcast %reduce_sum3A_231 : i1 to vector<16xi1>
        %reduce_sum3A_233 = tpu.scan <sum>, %get3A_230 masked %reduce_sum3A_232 : vector<16xf32>, vector<16xi1> -> vector<16xf32>
        %reduce_sum3A_234 = vector.extract %reduce_sum3A_233[15] : f32 from vector<16xf32>
        %add3A_235 = arith.addf %add3A_228, %reduce_sum3A_234 : f32
        scf.yield %add3A_235 : f32
      }
      %while3A_215 = arith.constant 1 : i32
      %while3A_216 = scf.for %while3A_220 = %while3A_212 to %while3A_208 step %while3A_215 iter_args(%while3A_221 = %while3A_214) -> (f32)  : i32 {
        %mul3A_222 = arith.constant 16 : i32
        %mul3A_223 = arith.muli %while3A_220, %mul3A_222 : i32
        %multiple_of3A = tpu.assume_multiple %mul3A_223, 16 : i32
        %get3A = arith.index_cast %multiple_of3A : i32 to index
        %get3A_224 = tpu.vector_load %arg14[%get3A] {strides = array<i32>} : memref<512xf32, #tpu.memory_space<vmem>>, vector<16xf32>,
        %reduce_sum3A = arith.constant true
        %reduce_sum3A_225 = vector.broadcast %reduce_sum3A : i1 to vector<16xi1>
        %reduce_sum3A_226 = tpu.scan <sum>, %get3A_224 masked %reduce_sum3A_225 : vector<16xf32>, vector<16xi1> -> vector<16xf32>
        %reduce_sum3A_227 = vector.extract %reduce_sum3A_226[15] : f32 from vector<16xf32>
        %add3A_228 = arith.addf %while3A_221, %reduce_sum3A_227 : f32
        %get3A_229 = arith.index_cast %multiple_of3A : i32 to index
        %get3A_230 = tpu.vector_load %arg15[%get3A_229] {strides = array<i32>} : memref<512xf32, #tpu.memory_space<vmem>>, vector<16xf32>,
        %reduce_sum3A_231 = arith.constant true
        %reduce_sum3A_232 = vector.broadcast %reduce_sum3A_231 : i1 to vector<16xi1>
        %reduce_sum3A_233 = tpu.scan <sum>, %get3A_230 masked %reduce_sum3A_232 : vector<16xf32>, vector<16xi1> -> vector<16xf32>
        %reduce_sum3A_234 = vector.extract %reduce_sum3A_233[15] : f32 from vector<16xf32>
        %add3A_235 = arith.addf %add3A_228, %reduce_sum3A_234 : f32
        scf.yield %add3A_235 : f32
      }
      %broadcast_in_dim3A_217 = vector.broadcast %while3A_216 : f32 to vector<16xf32>
      %swap3A_218 = arith.constant 0 : index
      %swap3A_219 = tpu.vector_load %arg23[%swap3A_218] {strides = array<i32>} : memref<16xf32, #tpu.memory_space<vmem>>, vector<16xf32>,
      tpu.vector_store %arg23[%swap3A_218], %broadcast_in_dim3A_217 {strides = array<i32>} : memref<16xf32, #tpu.memory_space<vmem>>, vector<16xf32>,
    } else {
    }
    "tpu.region"() ({
      %run_scoped3A = tpu.sem_alloc : memref<!tpu.dma_semaphore, #tpu.memory_space<semaphore_mem>>
      %dma_start3A = arith.constant 0 : i32
      %dma_start3A_123 = tpu.memref_slice %arg6[%add3A, %dma_start3A] : memref<32x16xf32, #tpu.memory_space<hbm>> -> memref<1x16xf32, #tpu.memory_space<hbm>>
      %dma_start3A_124 = tpu.memref_squeeze %dma_start3A_123 : memref<1x16xf32, #tpu.memory_space<hbm>> -> memref<16xf32, #tpu.memory_space<hbm>>
      %dma_start3A_125 = arith.constant 0 : i32
      %dma_start3A_126 = tpu.memref_slice %arg6[%add3A, %dma_start3A_125] : memref<32x16xf32, #tpu.memory_space<hbm>> -> memref<1x16xf32, #tpu.memory_space<hbm>>
      %dma_start3A_127 = tpu.memref_squeeze %dma_start3A_126 : memref<1x16xf32, #tpu.memory_space<hbm>> -> memref<16xf32, #tpu.memory_space<hbm>>
      tpu.enqueue_dma source(%arg23 : memref<16xf32, #tpu.memory_space<vmem>>) target(%dma_start3A_127 : memref<16xf32, #tpu.memory_space<hbm>>) target_semaphore(%run_scoped3A : memref<!tpu.dma_semaphore, #tpu.memory_space<semaphore_mem>>)
      %dma_wait3A = arith.constant 0 : i32
      %dma_wait3A_128 = tpu.memref_slice %arg6[%add3A, %dma_wait3A] : memref<32x16xf32, #tpu.memory_space<hbm>> -> memref<1x16xf32, #tpu.memory_space<hbm>>
      %dma_wait3A_129 = tpu.memref_squeeze %dma_wait3A_128 : memref<1x16xf32, #tpu.memory_space<hbm>> -> memref<16xf32, #tpu.memory_space<hbm>>
      %dma_wait3A_130 = arith.constant 0 : i32
      %dma_wait3A_131 = tpu.memref_slice %arg6[%add3A, %dma_wait3A_130] : memref<32x16xf32, #tpu.memory_space<hbm>> -> memref<1x16xf32, #tpu.memory_space<hbm>>
      %dma_wait3A_132 = tpu.memref_squeeze %dma_wait3A_131 : memref<1x16xf32, #tpu.memory_space<hbm>> -> memref<16xf32, #tpu.memory_space<hbm>>
      tpu.wait_dma2 semaphore(%run_scoped3A : memref<!tpu.dma_semaphore, #tpu.memory_space<semaphore_mem>>) src(%arg23 : memref<16xf32, #tpu.memory_space<vmem>>) dst(%dma_wait3A_132 : memref<16xf32, #tpu.memory_space<hbm>>)
      tpu.yield
    }) : () -> ()
    return
  }
}

module attributes {stable_mosaic.version = 14 : i64} {
  func.func @_lse_body(%arg0: i32, %arg1: i32, %arg2: memref<1x512x1024xf32, #tpu.memory_space<vmem>>, %arg3: memref<512x8xf32, #tpu.memory_space<vmem>>, %arg4: memref<8x128xf32, #tpu.memory_space<vmem>>, %arg5: memref<8x128xf32, #tpu.memory_space<vmem>>, %arg6: memref<512x1xf32, #tpu.memory_space<vmem>>, %arg7: memref<512x1xf32, #tpu.memory_space<vmem>>) attributes {dimension_semantics = [#tpu.dimension_semantics<arbitrary>, #tpu.dimension_semantics<arbitrary>], iteration_bounds = array<i64: 8, 8>, scalar_prefetch = 0 : i64, scratch_operands = 2 : i64, tpu.core_type = #tpu.core_type<tc>, window_params = [{transform_indices = @transform_0, window_bounds = array<i64: 1, 512, 1024>}, {pipeline_mode = #tpu.pipeline_mode<synchronous>, transform_indices = @transform_1, window_bounds = array<i64: 512, 8>}, {pipeline_mode = #tpu.pipeline_mode<synchronous>, transform_indices = @transform_2, window_bounds = array<i64: 8, 128>}, {pipeline_mode = #tpu.pipeline_mode<synchronous>, transform_indices = @transform_3, window_bounds = array<i64: 8, 128>}]} {
    %eq3A = arith.constant 0 : i32
    %eq3A_0 = arith.cmpi eq, %arg1, %eq3A : i32
    %convert_element_type3A = arith.extui %eq3A_0 : i1 to i32
    %cond3A = arith.constant 0 : i32
    %cond3A_1 = arith.cmpi ne, %convert_element_type3A, %cond3A : i32
    scf.if %cond3A_1 {
      %broadcast_in_dim3A_35 = arith.constant -1.000000e+30 : f32
      %broadcast_in_dim3A_36 = vector.broadcast %broadcast_in_dim3A_35 : f32 to vector<512x1xf32>
      %swap3A_37 = arith.constant 0 : index
      %swap3A_38 = arith.constant 0 : index
      %swap3A_39 = vector.load %arg6[%swap3A_37, %swap3A_38] : memref<512x1xf32, #tpu.memory_space<vmem>>, vector<512x1xf32>
      tpu.vector_store %arg6[%swap3A_37, %swap3A_38], %broadcast_in_dim3A_36 {strides = array<i32>} : memref<512x1xf32, #tpu.memory_space<vmem>>, vector<512x1xf32>,
      %broadcast_in_dim3A_40 = arith.constant 0.000000e+00 : f32
      %broadcast_in_dim3A_41 = vector.broadcast %broadcast_in_dim3A_40 : f32 to vector<512x1xf32>
      %swap3A_42 = arith.constant 0 : index
      %swap3A_43 = arith.constant 0 : index
      %swap3A_44 = vector.load %arg7[%swap3A_42, %swap3A_43] : memref<512x1xf32, #tpu.memory_space<vmem>>, vector<512x1xf32>
      tpu.vector_store %arg7[%swap3A_42, %swap3A_43], %broadcast_in_dim3A_41 {strides = array<i32>} : memref<512x1xf32, #tpu.memory_space<vmem>>, vector<512x1xf32>,
    } else {
    }
    %get3A = arith.constant 0 : index
    %get3A_2 = arith.constant 0 : index
    %get3A_3 = arith.constant 0 : index
    %get3A_4 = vector.load %arg2[%get3A, %get3A_2, %get3A_3] : memref<1x512x1024xf32, #tpu.memory_space<vmem>>, vector<1x512x1024xf32>
    %get3A_5 = vector.shape_cast %get3A_4 : vector<1x512x1024xf32> to vector<512x1024xf32>
    %get3A_6 = arith.constant 0 : index
    %get3A_7 = arith.constant 0 : index
    %get3A_8 = vector.load %arg6[%get3A_6, %get3A_7] : memref<512x1xf32, #tpu.memory_space<vmem>>, vector<512x1xf32>
    %reduce_max3A = arith.constant dense<0xFF800000> : vector<512xf32>
    %reduce_max3A_9 = vector.multi_reduction <maximumf>, %get3A_5, %reduce_max3A [1] : vector<512x1024xf32> to vector<512xf32>
    %broadcast_in_dim3A = vector.shape_cast %reduce_max3A_9 : vector<512xf32> to vector<512x1xf32>
    %max3A = arith.maximumf %get3A_8, %broadcast_in_dim3A : vector<512x1xf32>
    %get3A_10 = arith.constant 0 : index
    %get3A_11 = arith.constant 0 : index
    %get3A_12 = vector.load %arg7[%get3A_10, %get3A_11] : memref<512x1xf32, #tpu.memory_space<vmem>>, vector<512x1xf32>
    %sub3A = arith.subf %get3A_8, %max3A : vector<512x1xf32>
    %exp3A = math.exp %sub3A : vector<512x1xf32>
    %mul3A = arith.mulf %get3A_12, %exp3A : vector<512x1xf32>
    %sub3A_13 = vector.broadcast %max3A : vector<512x1xf32> to vector<512x1024xf32>
    %sub3A_14 = arith.subf %get3A_5, %sub3A_13 : vector<512x1024xf32>
    %exp3A_15 = math.exp %sub3A_14 : vector<512x1024xf32>
    %reduce_sum3A = arith.constant dense<0.000000e+00> : vector<512xf32>
    %reduce_sum3A_16 = vector.multi_reduction <add>, %exp3A_15, %reduce_sum3A [1] : vector<512x1024xf32> to vector<512xf32>
    %broadcast_in_dim3A_17 = vector.shape_cast %reduce_sum3A_16 : vector<512xf32> to vector<512x1xf32>
    %add3A = arith.addf %mul3A, %broadcast_in_dim3A_17 : vector<512x1xf32>
    %swap3A = arith.constant 0 : index
    %swap3A_18 = arith.constant 0 : index
    %swap3A_19 = vector.load %arg7[%swap3A, %swap3A_18] : memref<512x1xf32, #tpu.memory_space<vmem>>, vector<512x1xf32>
    tpu.vector_store %arg7[%swap3A, %swap3A_18], %add3A {strides = array<i32>} : memref<512x1xf32, #tpu.memory_space<vmem>>, vector<512x1xf32>,
    %swap3A_20 = arith.constant 0 : index
    %swap3A_21 = arith.constant 0 : index
    %swap3A_22 = vector.load %arg6[%swap3A_20, %swap3A_21] : memref<512x1xf32, #tpu.memory_space<vmem>>, vector<512x1xf32>
    tpu.vector_store %arg6[%swap3A_20, %swap3A_21], %max3A {strides = array<i32>} : memref<512x1xf32, #tpu.memory_space<vmem>>, vector<512x1xf32>,
    %eq3A_23 = arith.constant 0 : i32
    %eq3A_24 = arith.cmpi eq, %arg1, %eq3A_23 : i32
    %eq3A_25 = arith.constant 0 : i32
    %eq3A_26 = arith.cmpi eq, %arg0, %eq3A_25 : i32
    %and3A = arith.andi %eq3A_24, %eq3A_26 : i1
    %convert_element_type3A_27 = arith.extui %and3A : i1 to i32
    %cond3A_28 = arith.constant 0 : i32
    %cond3A_29 = arith.cmpi ne, %convert_element_type3A_27, %cond3A_28 : i32
    scf.if %cond3A_29 {
      %broadcast_in_dim3A_35 = arith.constant 0.000000e+00 : f32
      %broadcast_in_dim3A_36 = vector.broadcast %broadcast_in_dim3A_35 : f32 to vector<8x128xf32>
      %swap3A_37 = arith.constant 0 : index
      %swap3A_38 = arith.constant 0 : index
      %swap3A_39 = vector.load %arg4[%swap3A_37, %swap3A_38] : memref<8x128xf32, #tpu.memory_space<vmem>>, vector<8x128xf32>
      tpu.vector_store %arg4[%swap3A_37, %swap3A_38], %broadcast_in_dim3A_36 {strides = array<i32>} : memref<8x128xf32, #tpu.memory_space<vmem>>, vector<8x128xf32>,
      %broadcast_in_dim3A_40 = arith.constant 0.000000e+00 : f32
      %broadcast_in_dim3A_41 = vector.broadcast %broadcast_in_dim3A_40 : f32 to vector<8x128xf32>
      %swap3A_42 = arith.constant 0 : index
      %swap3A_43 = arith.constant 0 : index
      %swap3A_44 = vector.load %arg5[%swap3A_42, %swap3A_43] : memref<8x128xf32, #tpu.memory_space<vmem>>, vector<8x128xf32>
      tpu.vector_store %arg5[%swap3A_42, %swap3A_43], %broadcast_in_dim3A_41 {strides = array<i32>} : memref<8x128xf32, #tpu.memory_space<vmem>>, vector<8x128xf32>,
    } else {
    }
    %eq3A_30 = arith.constant 7 : i32
    %eq3A_31 = arith.cmpi eq, %arg1, %eq3A_30 : i32
    %convert_element_type3A_32 = arith.extui %eq3A_31 : i1 to i32
    %cond3A_33 = arith.constant 0 : i32
    %cond3A_34 = arith.cmpi ne, %convert_element_type3A_32, %cond3A_33 : i32
    scf.if %cond3A_34 {
      %get3A_35 = arith.constant 0 : index
      %get3A_36 = arith.constant 0 : index
      %get3A_37 = vector.load %arg6[%get3A_35, %get3A_36] : memref<512x1xf32, #tpu.memory_space<vmem>>, vector<512x1xf32>
      %get3A_38 = arith.constant 0 : index
      %get3A_39 = arith.constant 0 : index
      %get3A_40 = vector.load %arg7[%get3A_38, %get3A_39] : memref<512x1xf32, #tpu.memory_space<vmem>>, vector<512x1xf32>
      %log3A = math.log %get3A_40 : vector<512x1xf32>
      %add3A_41 = arith.addf %get3A_37, %log3A : vector<512x1xf32>
      %iota3A = tpu.iota {dimensions = array<i32: 1>} : vector<512x8xi32>
      %eq3A_42 = vector.broadcast %arg0 : i32 to vector<512x8xi32>
      %eq3A_43 = arith.cmpi eq, %iota3A, %eq3A_42 : vector<512x8xi32>
      %get3A_44 = arith.constant 0 : index
      %get3A_45 = arith.constant 0 : index
      %get3A_46 = vector.load %arg3[%get3A_44, %get3A_45] : memref<512x8xf32, #tpu.memory_space<vmem>>, vector<512x8xf32>
      %jit3A = arith.constant 0.000000e+00 : f32
      %broadcast_in_dim3A_47 = vector.broadcast %jit3A : f32 to vector<512x8xf32>
      %select_n3A = arith.select %eq3A_43, %get3A_46, %broadcast_in_dim3A_47 : vector<512x8xi1>, vector<512x8xf32>
      %reduce_sum3A_48 = arith.constant dense<0.000000e+00> : vector<512xf32>
      %reduce_sum3A_49 = vector.multi_reduction <add>, %select_n3A, %reduce_sum3A_48 [1] : vector<512x8xf32> to vector<512xf32>
      %broadcast_in_dim3A_50 = vector.shape_cast %reduce_sum3A_49 : vector<512xf32> to vector<512x1xf32>
      %iota3A_51 = tpu.iota {dimensions = array<i32: 0>} : vector<8x128xi32>
      %eq3A_52 = vector.broadcast %arg0 : i32 to vector<8x128xi32>
      %eq3A_53 = arith.cmpi eq, %iota3A_51, %eq3A_52 : vector<8x128xi32>
      %mul3A_54 = arith.mulf %add3A_41, %broadcast_in_dim3A_50 : vector<512x1xf32>
      %reduce_sum3A_55 = vector.shape_cast %mul3A_54 : vector<512x1xf32> to vector<1x512x1xf32>
      %reduce_sum3A_56 = arith.constant dense<0.000000e+00> : vector<1xf32>
      %reduce_sum3A_57 = vector.multi_reduction <add>, %reduce_sum3A_55, %reduce_sum3A_56 [1, 2] : vector<1x512x1xf32> to vector<1xf32>
      %reduce_sum3A_58 = vector.shape_cast %reduce_sum3A_57 : vector<1xf32> to vector<1x1x1xf32>
      %reduce_sum3A_59 = vector.extract %reduce_sum3A_58[0, 0, 0] : f32 from vector<1x1x1xf32>
      %get3A_60 = arith.constant 0 : index
      %get3A_61 = arith.constant 0 : index
      %get3A_62 = vector.load %arg4[%get3A_60, %get3A_61] : memref<8x128xf32, #tpu.memory_space<vmem>>, vector<8x128xf32>
      %broadcast_in_dim3A_63 = vector.broadcast %reduce_sum3A_59 : f32 to vector<8x128xf32>
      %select_n3A_64 = arith.select %eq3A_53, %broadcast_in_dim3A_63, %get3A_62 : vector<8x128xi1>, vector<8x128xf32>
      %swap3A_65 = arith.constant 0 : index
      %swap3A_66 = arith.constant 0 : index
      %swap3A_67 = vector.load %arg4[%swap3A_65, %swap3A_66] : memref<8x128xf32, #tpu.memory_space<vmem>>, vector<8x128xf32>
      tpu.vector_store %arg4[%swap3A_65, %swap3A_66], %select_n3A_64 {strides = array<i32>} : memref<8x128xf32, #tpu.memory_space<vmem>>, vector<8x128xf32>,
      %reduce_sum3A_68 = vector.shape_cast %broadcast_in_dim3A_50 : vector<512x1xf32> to vector<1x512x1xf32>
      %reduce_sum3A_69 = arith.constant dense<0.000000e+00> : vector<1xf32>
      %reduce_sum3A_70 = vector.multi_reduction <add>, %reduce_sum3A_68, %reduce_sum3A_69 [1, 2] : vector<1x512x1xf32> to vector<1xf32>
      %reduce_sum3A_71 = vector.shape_cast %reduce_sum3A_70 : vector<1xf32> to vector<1x1x1xf32>
      %reduce_sum3A_72 = vector.extract %reduce_sum3A_71[0, 0, 0] : f32 from vector<1x1x1xf32>
      %get3A_73 = arith.constant 0 : index
      %get3A_74 = arith.constant 0 : index
      %get3A_75 = vector.load %arg5[%get3A_73, %get3A_74] : memref<8x128xf32, #tpu.memory_space<vmem>>, vector<8x128xf32>
      %broadcast_in_dim3A_76 = vector.broadcast %reduce_sum3A_72 : f32 to vector<8x128xf32>
      %select_n3A_77 = arith.select %eq3A_53, %broadcast_in_dim3A_76, %get3A_75 : vector<8x128xi1>, vector<8x128xf32>
      %swap3A_78 = arith.constant 0 : index
      %swap3A_79 = arith.constant 0 : index
      %swap3A_80 = vector.load %arg5[%swap3A_78, %swap3A_79] : memref<8x128xf32, #tpu.memory_space<vmem>>, vector<8x128xf32>
      tpu.vector_store %arg5[%swap3A_78, %swap3A_79], %select_n3A_77 {strides = array<i32>} : memref<8x128xf32, #tpu.memory_space<vmem>>, vector<8x128xf32>,
    } else {
    }
    return
  }
  func.func @transform_0(%arg0: i32, %arg1: i32) -> (i32, i32, i32) {
    %c0_i32 = arith.constant 0 : i32
    %c0_i32_0 = arith.constant 0 : i32
    return %arg0, %c0_i32, %arg1 : i32, i32, i32
  }
  func.func @transform_1(%arg0: i32, %arg1: i32) -> (i32, i32) {
    %c0_i32 = arith.constant 0 : i32
    %c0_i32_0 = arith.constant 0 : i32
    %c0_i32_1 = arith.constant 0 : i32
    return %c0_i32, %c0_i32_0 : i32, i32
  }
  func.func @transform_2(%arg0: i32, %arg1: i32) -> (i32, i32) {
    %c0_i32 = arith.constant 0 : i32
    %c0_i32_0 = arith.constant 0 : i32
    %c0_i32_1 = arith.constant 0 : i32
    return %c0_i32, %c0_i32_0 : i32, i32
  }
  func.func @transform_3(%arg0: i32, %arg1: i32) -> (i32, i32) {
    %c0_i32 = arith.constant 0 : i32
    %c0_i32_0 = arith.constant 0 : i32
    %c0_i32_1 = arith.constant 0 : i32
    return %c0_i32, %c0_i32_0 : i32, i32
  }
}

</mosaic_0001>

<sc_bundles>
// kernel: kernel.4.cloned.1.call-start
scs
__scs_entry_jumppad:
0x0: {  	(pc) =	sbr.rel $0x88, $3  }
0x1: {  	(tag) =	ssettag $0x0;
	lr =	simm.s32 $0x1  }
0x2: {  	[smem:$0x3F9D] =	sst lr;
	_ =	strace $0xD0000000  }
0x3: {  	_ = 	snop  }
0x4: {  	_ = 	snop  }
0x5: {  	_ = 	snop  }
0x6: {  	_ = 	snop  }
0x7: {  	_ = 	snop  }
__scs_overlays_trampoline_lowered:
0x8: {  	[smem:$0x3FAC] =	sst s0  }
0x9: {  	[smem:$0x3FAD] =	sst s1  }
0xa: {  	[smem:$0x3FAE] =	sst s2  }
0xb: {  	[smem:$0x3FAF] =	sst s3  }
0xc: {  	[smem:$0x3FB0] =	sst s4  }
0xd: {  	[smem:$0x3FB1] =	sst s5  }
0xe: {  	[smem:$0x3FB2] =	sst s6  }
0xf: {  	[smem:$0x3FB3] =	sst s7  }
0x10: {  	[smem:$0x3FB4] =	sst s8  }
0x11: {  	[smem:$0x3FB5] =	sst s9;
	s0 =	simm.s32 @!p0 $0x0  }
0x12: {  	s1 =	sld [smem:$0x3F9B];
	s0 =	simm.s32 @p0 $0x1  }
0x13: {  	[smem:$0x3FB6] =	sst s0;
	s0 =	simm.s32 @!p1 $0x0  }
0x14: {  	s2 =	sld [smem:$0x3F9A];
	s0 =	simm.s32 @p1 $0x1  }
0x15: {  	[smem:$0x3FB7] =	sst s0;
	s0 =	simm.s32 @!p2 $0x0  }
0x16: {  	s3 =	sld [smem:$0x3FDB];
	s0 =	simm.s32 @p2 $0x1  }
0x17: {  	s4 =	simm.s32 $0x1BF5;
	[smem:$0x3FB9] =	sst s0  }
0x18: {  	s0 =	sld [smem:$0x3F9C];
	_ =	swait.ge [sflag:s4], $0x0  }
0x19: {  	s7 =	sld [smem:$0x3F9D]  }
0x1a: {  	s8 =	sadd.s32 $0xFFFFE003, lr  }
0x1b: {  	s9 =	sadd.s32 $0xFFFFFEF7, lr;
	s5 =	simm.s32 $0xFFFFFFFF;
	p2 =	slt.u32 s8, $0xFFFFF086  }
0x1c: {  	p1 =	slt.u32 s9, $0xF7A;
	s5 =	simm.s32 @!p2 $0x0  }
0x1d: {  	s5 =	simm.s32 @p1 $0x1;
	p0 =	seq.s32 s7, s2  }
0x1e: {  	s7 =	smul.u32 @!p0 $0xF7A, s2;
	p2 =	seq.s32 @!p0 s5, $0x0  }
0x1f: {  	s9 =	smul.u32 $0xF7A, s1;
	s8 =	simm.s32 @!p0 $0x1BF5;
	p2 =	por !p2, p0  }
0x20: {  	[sflag:s8] =	ssyncset.s32 @!p0 $0xFFFFF086;
	s6 =	sadd.s32 @!p0 s3, s7;
	s7 =	simm.s32 @!p0 $0x108  }
0x21: {  	s3 =	sadd.s32 s3, s9;
	s6 =	sadd.s32 @!p0 $0x88, s6;
	s7 =	simm.s32 @p2 $0x1082  }
0x22: {  	[simem:s7], [sflag:s8] =	dma.local @!p0 [hbm:s6], $0xF7A  }
0x23: {  	s9 =	sor.u32 $0xD0000000, s2;
	s6 =	simm.s32 $0x108;
	_ =	swait.ge @!p0 [sflag:s8], $0x0  }
0x24: {  	s3 =	sadd.s32 $0x88, s3;
	s6 =	simm.s32 @!p1 $0x1082;
	[sflag:s4] =	ssyncset.s32 $0xFFFFF086  }
0x25: {  	[simem:s6], [sflag:s4] =	dma.local [hbm:s3], $0xF7A  }
0x26: {  	[smem:$0x3F9D] =	sst s1;
	(tag) =	ssettag s2;
	_ =	strace s9  }
0x27: {  	s1 =	sld [smem:$0x3FAD]  }
0x28: {  	s2 =	sld [smem:$0x3FAE]  }
0x29: {  	s4 =	sld [smem:$0x3FB0]  }
0x2a: {  	p0 =	seq.s32 s5, $0x0;
	s5 =	sld [smem:$0x3FB1]  }
0x2b: {  	s6 =	sld [smem:$0x3FB2]  }
0x2c: {  	s7 =	sld [smem:$0x3FB3]  }
0x2d: {  	s3 =	simm.s32 $0x108;
	s8 =	sld [smem:$0x3FB4]  }
0x2e: {  	s3 =	simm.s32 @!p0 $0x1082;
	s9 =	sld [smem:$0x3FB5]  }
0x2f: {  	lr =	sadd.s32 s0, s3;
	s0 =	sld [smem:$0x3FAC]  }
0x30: {  	s3 =	sld [smem:$0x3FAF]  }
0x31: {  	[smem:$0x3FB8] =	sst s10  }
0x32: {  	s10 =	sld [smem:$0x3FB6];
	_ =	sdelay $0x3  }
0x33: {  	p0 =	seq.s32 s10, $0x1;
	s10 =	sld [smem:$0x3FB8];
	_ =	sdelay $0x3  }
0x34: {  	[smem:$0x3FB8] =	sst s10  }
0x35: {  	s10 =	sld [smem:$0x3FB7];
	_ =	sdelay $0x3  }
0x36: {  	p1 =	seq.s32 s10, $0x1;
	s10 =	sld [smem:$0x3FB8];
	_ =	sdelay $0x3  }
0x37: {  	[smem:$0x3FB8] =	sst s10  }
0x38: {  	s10 =	sld [smem:$0x3FB9]  }
0x39: {  	_ = 	snop;
	(pc) =	sbr.ind lr, $3  }
0x3a: {  	_ = 	snop  }
0x3b: {  	_ = 	snop  }
0x3c: {  	p2 =	seq.s32 s10, $0x1;
	s10 =	sld [smem:$0x3FB8]  }
0x3d: {  	_ =	shalt  }
0x3e: {  	_ =	shalt  }
0x3f: {  	_ =	shalt  }
0x40: {  	_ =	shalt  }
0x41: {  	_ =	shalt  }
0x42: {  	_ =	shalt  }
0x43: {  	_ =	shalt  }
0x44: {  	_ =	shalt  }
0x45: {  	_ =	shalt  }
0x46: {  	_ =	shalt  }
0x47: {  	_ =	shalt  }
0x48: {  	_ =	shalt  }
0x49: {  	_ =	shalt  }
0x4a: {  	_ =	shalt  }
0x4b: {  	_ =	shalt  }
0x4c: {  	_ =	shalt  }
0x4d: {  	_ =	shalt  }
0x4e: {  	_ =	shalt  }
0x4f: {  	_ =	shalt  }
0x50: {  	_ =	shalt  }
0x51: {  	_ =	shalt  }
0x52: {  	_ =	shalt  }
0x53: {  	_ =	shalt  }
0x54: {  	_ =	shalt  }
0x55: {  	_ =	shalt  }
0x56: {  	_ =	shalt  }
0x57: {  	_ =	shalt  }
0x58: {  	_ =	shalt  }
0x59: {  	_ =	shalt  }
0x5a: {  	_ =	shalt  }
0x5b: {  	_ =	shalt  }
0x5c: {  	_ =	shalt  }
0x5d: {  	_ =	shalt  }
0x5e: {  	_ =	shalt  }
0x5f: {  	_ =	shalt  }
0x60: {  	_ =	shalt  }
0x61: {  	_ =	shalt  }
0x62: {  	_ =	shalt  }
0x63: {  	_ =	shalt  }
0x64: {  	_ =	shalt  }
0x65: {  	_ =	shalt  }
0x66: {  	_ =	shalt  }
0x67: {  	_ =	shalt  }
0x68: {  	_ =	shalt  }
0x69: {  	_ =	shalt  }
0x6a: {  	_ =	shalt  }
0x6b: {  	_ =	shalt  }
0x6c: {  	_ =	shalt  }
0x6d: {  	_ =	shalt  }
0x6e: {  	_ =	shalt  }
0x6f: {  	_ =	shalt  }
0x70: {  	_ =	shalt  }
0x71: {  	_ =	shalt  }
0x72: {  	_ =	shalt  }
0x73: {  	_ =	shalt  }
0x74: {  	_ =	shalt  }
0x75: {  	_ =	shalt  }
0x76: {  	_ =	shalt  }
0x77: {  	_ =	shalt  }
0x78: {  	_ =	shalt  }
0x79: {  	_ =	shalt  }
0x7a: {  	_ =	shalt  }
0x7b: {  	_ =	shalt  }
0x7c: {  	_ =	shalt  }
0x7d: {  	_ =	shalt  }
0x7e: {  	_ =	shalt  }
0x7f: {  	_ =	shalt  }
0x80: {  	_ =	shalt  }
0x81: {  	_ =	shalt  }
0x82: {  	_ =	shalt  }
0x83: {  	_ =	shalt  }
0x84: {  	_ =	shalt  }
0x85: {  	_ =	shalt  }
0x86: {  	_ =	shalt  }
0x87: {  	_ =	shalt  }
.Lfunc_end0:
.L_simem_size_0:
called_computation.1_lowered:
.L_overlay_start_0:
0x88: {  	s2 =	sld [smem:$0x3FD9]  }
0x89: {  	s3 =	sld [smem:$0x3FFE];
	_ =	sdelay $0x1  }
0x8a: {  	s1 =	srdreg.scid  }
0x8b: {  	s0 =	sand.u32 $0x1, s1  }
0x8c: {  	s17 =	sshll.u32 s0, $0xA;
	s2 =	sadd.s32 s3, s2  }
0x8d: {  	s2 =	sadd.s32 s2, s17  }
0x8e: {  	[smem:$0x3FC4] =	sst s2  }
0x8f: {  	_ = 	snop  }
0x90: {  	s2 =	sld [smem:$0x3FC8]  }
0x91: {  	s18 =	sld [smem:$0x3FC7];
	(tm) =	ssettm $0x1  }
0x92: {  	s4 =	sld [smem:$0x3FFB];
	_ =	sdelay $0x3  }
0x93: {  	_ =	strace s4  }
0x94: {  	s4 =	sld [smem:$0x3FFC];
	_ =	sdelay $0x3  }
0x95: {  	_ =	strace s4  }
0x96: {  	s4 =	sld [smem:$0x3FFD];
	_ =	sdelay $0x3  }
0x97: {  	_ =	strace s4  }
0x98: {  	_ =	strace $0x8FFFFFFF  }
0x99: {  	s19 =	sld [smem:$0x3FDB];
	_ =	sdelay $0x1  }
0x9a: {  	s5 =	simm.s32 $_scs_section_size  }
0x9b: {  	s6 =	simm.s32 $_size__tile_overlayer_lowered;
	s7 =	simm.s32 $_tile_overlayer_lowered  }
0x9c: {  	s22 =	simm.s32 $0x1BFF;
	s21 =	sshll.u32 s7, $0x1;
	s4 =	sadd.s32 s5, s19  }
0x9d: {  	s8 =	simm.s32 $0x0;
	s20 =	sshll.u32 s6, $0x1;
	s6 =	sadd.s32 s21, s4  }
0x9e: {  	[timem:s8], [sflag:s22] =	dma.local [hbm:s6], s20  }
0x9f: {  	_ =	swait.ge [sflag:s22], s20  }
0xa0: {  	s5 =	ssub.s32 $0x0, s20;
	[sflag:s22] =	ssyncset.done $0x0  }
0xa1: {  	[sflag:s22] =	ssyncadd.s32 s5;
	_ =	sdelay $0x1  }
0xa2: {  	s23 =	simm.s32 $0x1B8B  }
0xa3: {  	_ =	swait.ge [sflag:s23], $0x1  }
0xa4: {  	[sflag:s23] =	ssyncset.done $0x0  }
0xa5: {  	s25 =	simm.s32 $0x1B8E;
	s24 =	sld [smem:$0x3FFE];
	[sflag:s23] =	ssyncadd.s32 $0xFFFFFFFF  }
0xa6: {  	s26 =	simm.s32 $execute0_lowered;
	[smem:$0x3FD2] =	sst s25  }
0xa7: {  	s6 =	sshll.u32 s26, $0x1;
	_ =	strace $0x80000049;
	[dreg:$0x1] =	wrdreg $0xFFFFFFFF  }
0xa8: {  	s28 =	simm.s32 $_size_execute0_lowered;
	s4 =	sadd.s32 s4, s6;
	[dreg:$0x0] =	wrdreg $0x0  }
0xa9: {  	s6 =	sshll.u32 s28, $0x1;
	[dreg:$0x2] =	wrdreg s4  }
0xaa: {  	[dreg:$0x3] =	wrdreg s6  }
0xab: {  	[dreg:$0x4] =	wrdreg $0xC0  }
0xac: {  	_ =	task [dreg:s8], $0x5FFFF  }
0xad: {  	[dreg:$0x1] =	wrdreg $0xFFFFFFFF  }
0xae: {  	[dreg:$0x0] =	wrdreg $0x60  }
0xaf: {  	[dreg:$0x2] =	wrdreg s24  }
0xb0: {  	[dreg:$0x3] =	wrdreg s2  }
0xb1: {  	[dreg:$0x4] =	wrdreg s18  }
0xb2: {  	[dreg:$0x5] =	wrdreg $0x9  }
0xb3: {  	_ =	task.clear_ibuf [dreg:s8], $0x6FFFF;
	_ =	strace $0x90000049  }
0xb4: {  	s29 =	simm.s32 $0x9;
	_ =	strace $0x8000004E  }
0xb5: {  	_ =	swait.ge [sflag:s29], $0x1  }
0xb6: {  	[sflag:s29] =	ssyncadd.s32 $0xFFFFFFFF  }
0xb7: {  	_ =	strace $0x9000004E  }
0xb8: {  	_ =	sfence  }
0xb9: {  	s30 =	sld [smem:$0x0];
	_ =	sdelay $0x2  }
0xba: {  	s31 =	sshll.u32 s1, $0xD;
	s1 =	sshrl.u32 s1, $0x2  }
0xbb: {  	s3 =	sand.u32 $0x4000, s31;
	s1 =	sadd.s32 s1, s30  }
0xbc: {  	s0 =	sor.u32 s3, s0;
	s1 =	sshll.u32 s1, $0x11  }
0xbd: {  	s0 =	sor.u32 s1, s0  }
0xbe: {  	s0 =	sadd.s32 $0x8F2B, s0  }
0xbf: {  	[sflag:s0] =	ssyncadd.remote.s32 $0x1  }
0xc0: {  	_ =	sfence.sel $0xFFFF  }
0xc1: {  	[dreg:$0x0] =	wrdreg $0xFFFFFFFF;
	(pc) =	sbr.abs _section_cstart, $3  }
0xc2: {  	[dreg:$0x1] =	wrdreg $0xFFFFFFFF  }
0xc3: {  	_ =	task.clear_ibuf [dreg:s8], $0x2FFFF;
	_ =	strace $0x9FFFFFFF  }
0xc4: {  	(tm) =	ssettm $0x7FFFFFFF  }
0xc5: {  	_ =	shalt  }
tec
execute0_lowered:
.L_overlay_start_1:
0x0: {  	(tag) =	ssettag $0x1  }
0x1: {  	s1 =	rddreg [dreg:$0x0]  }
0x2: {  	s0 =	rddreg [dreg:$0x1]  }
0x3: {  	s2 =	rddreg [dreg:$0x2]  }
0x4: {  	s3 =	srdreg.scid;
	s9 =	stileid.u32;
	s10 =	simm.s32 $0x0  }
0x5: {  	s11 =	simm.s32 $0x600;
	s12 =	simm.s32 $0x800;
	s13 =	simm.s32 $0x1  }
0x6: {  	s15 =	simm.s32 $0xA00;
	s16 =	simm.s32 $0x200;
	s17 =	simm.s32 $0x1E800  }
0x7: {  	s18 =	simm.s32 $0x1D600;
	s19 =	simm.s32 $0x1D800;
	s20 =	simm.s32 $0x1E200  }
0x8: {  	s21 =	simm.s32 $0x1E400;
	s3 =	sand.u32 $0x1, s3;
	s4 =	sshll.u32 s9, $0x1  }
0x9: {  	s22 =	simm.s32 $0x1E000;
	[smem:$0x7FF] =	sst s10;
	s4 =	sor.u32 s3, s4  }
0xa: {  	s25 =	sshrl.u32 s9, $0x2;
	_ =	strace $0x8000004A;
	s5 =	sand.u32 $0x7, s4  }
0xb: {  	s3 =	ssub.s32 $0x2, s3;
	s4 =	sshll.u32 s4, $0x4;
	s6 =	sshll.u32 s5, $0x4  }
0xc: {  	s8 =	sshrl.u32 s3, $0x1;
	s4 =	sadd.s32 s4, s1;
	s0 =	sadd.s32 s0, s6  }
.Ltmp0:
0xd: {  	s26 =	sadd.s32 s2, s6;
	[dreg:$0x4] =	wrdreg s0;
	(pc) =	sbr.rel .LBB2_1-.Ltmp0, $4  }
0xe: {  	s3 =	ssub.s32 s3, s8;
	s30 =	sadd.s32 $0x400200, s4;
	[dreg:$0x5] =	wrdreg s26  }
0xf: {  	v2 =	vimm.s32 $0x0;
	v3 =	vlaneseq.u32;
	s7 =	sadd.s32 s6, s1;
	s31 =	smax.u32 s3, $0x1;
	[dreg:$0x7] =	wrdreg s30  }
0x10: {  	v4 =	vimm.f32 $0.0e+00;
	v5 =	vimm.f32 $1.000000020e+30;
	v6 =	vimm.s32 $0xFFFFFFFF;
	s29 =	sshll.u32 s5, $0x9;
	s28 =	sadd.s32 $0x400000, s7;
	[dreg:$0x8] =	wrdreg s31  }
0x11: {  	v7 =	vimm.f32 $1.000000000e+00;
	s9 =	simm.s32 $0x2;
	v0 =	vmov s25;
	s8 =	simm.s32 $0x0;
	v1 =	vmov s29;
	[dreg:$0x6] =	wrdreg s28  }
.LBB2_70:
0x12: {  	s10 =	simm.s32 $0x0;
	s9 =	simm.s32 $0x2;
	s8 =	rddreg [dreg:$0x9]  }
.LBB2_100:
0x13: {  	v8 =	vmov s2  }
0x14: {  	[tilespmem:$0x1EA00] =	vst v8  }
.LBB2_101:
0x15: {  	s0 =	rddreg [dreg:$0x7];
	s2 =	simm.s32 $0x1EA00  }
0x16: {  	[hbm4b:s0+s10] =	stream.linear.scatter [tilespmem:s2], [sflag:$0x2], $0x80, $0x38;
	[tilespmem:$0x1EA80] =	vst v63  }
0x17: {  	_ =	swait.ge [sflag:s9], $0x80  }
0x18: {  	s8 =	sadd.s32 $0x1, s8;
	s31 =	rddreg [dreg:$0x8]  }
0x19: {  	p0 =	sne.s32 s8, s31  }
.Ltmp1:
0x1a: {  	_ = 	snop;
	(pc) =	sbr.rel @!p0 .LBB2_102-.Ltmp1, $3  }
0x1b: {  	_ =	sdelay $0x1  }
0x1c: {  	[sflag:s9] =	ssyncset.done $0x0  }
0x1d: {  	[sflag:s9] =	ssyncadd.s32 $0xFFFFFF80  }
.LBB2_1:
0x1e: {  	s0 =	simm.s32 $0x400;
	s2 =	rddreg [dreg:$0x4];
	s3 =	simm.s32 $0x80  }
0x1f: {  	[tilespmem:s10], [sflag:$0x2] =	stream.strided.gather [hbm4b:s2+s3], $0x200, s0, s3, $0x38;
	[tilespmem:$0x1EA80] =	vst v63  }
0x20: {  	_ =	swait.ge [sflag:s9], $0x200  }
0x21: {  	[sflag:s9] =	ssyncset.done $0x0  }
0x22: {  	s30 =	rddreg [dreg:$0x5];
	[sflag:s9] =	ssyncadd.s32 $0xFFFFFE00  }
0x23: {  	[tilespmem:s16], [sflag:$0x2] =	stream.strided.gather [hbm4b:s30+s3], $0x200, s0, s3, $0x38;
	[tilespmem:$0x1EA80] =	vst v63  }
0x24: {  	_ =	swait.ge [sflag:s9], $0x200  }
0x25: {  	[sflag:s9] =	ssyncset.done $0x0  }
0x26: {  	s31 =	rddreg [dreg:$0x6];
	[sflag:s9] =	ssyncadd.s32 $0xFFFFFE00  }
0x27: {  	[tilespmem:s0], [sflag:$0x2] =	stream.strided.gather [hbm4b:s31+s3], $0x200, s0, s3, $0x38;
	[tilespmem:$0x1EA80] =	vst v63  }
0x28: {  	_ =	swait.ge [sflag:s9], $0x200  }
0x29: {  	[sflag:s9] =	ssyncset.done $0x0  }
0x2a: {  	[sflag:s9] =	ssyncadd.s32 $0xFFFFFE00  }
0x2b: {  	v8 =	vld [tilespmem:s16+$0x0]  }
0x2c: {  	v9 =	vld [tilespmem:s0+$0x0];
	_ =	sdelay $0x4  }
0x2d: {  	vm0 =	veq.s32 v8, v0;
	vm1 =	vne.s32 v9, $0x0  }
0x2e: {  	vm0 =	vmand vm0, vm1  }
0x2f: {  	v8 =	vsel vm0, $0x1, v2  }
0x30: {  	(xrf0) =	vadd.scan.msk.s32 $0xffff, v8;
	_ =	sdelay $0x3  }
0x31: {  	v8 =	vmov s10  }
0x32: {  	v8 =	vadd.s32 $0xFFFFFFFF, v8  }
0x33: {  	v8 =	vbroadcast v8, $0x0;
	v9, _, _ =	vpop (xrf0)  }
0x34: {  	v10 =	vxor.u32 $0x80000000, v9  }
0x35: {  	v8 =	vadd.s32 v9, v8;
	(xrf0) =	vmax.scan.msk.u32 $0xffff, v10  }
0x36: {  	v9 =	vld [tilespmem:s10+$0x0];
	_ =	sdelay $0x2  }
0x37: {  	v10 =	vor.u32 s10, v3  }
0x38: {  	[tilespmem:v8+s11+$0x0] =	vst.idx.msk vm0, v10  }
0x39: {  	[tilespmem:v8+s12+$0x0] =	vst.idx.msk vm0, v9;
	v9, _, _ =	vpop (xrf0)  }
0x3a: {  	(v2sf) =	vpush v9, $0xF;
	_ =	sdelay $0x1  }
0x3b: {  	s4 =	simm.s32 $0x210  }
0x3c: {  	s5 =	simm.s32 $0x410;
	s6 =	simm.s32 $0x20;
	v8 =	vld [tilespmem:s4+$0x0]  }
0x3d: {  	s2 =	simm.s32 $0x0;
	s3 =	simm.s32 $0x0;
	s0 =	simm.s32 $0x10;
	v9 =	vld [tilespmem:s5+$0x0]  }
.LBB2_2:
0x3e: {  	p0 =	sne.s32 s6, $0x1F0;
	_ =	sdelay $0x3  }
0x3f: {  	vm0 =	veq.s32 v8, v0;
	vm1 =	vne.s32 v9, $0x0  }
0x40: {  	vm0 =	vmand vm0, vm1  }
0x41: {  	v8 =	vsel vm0, $0x1, v2  }
0x42: {  	(xrf0) =	vadd.scan.msk.s32 $0xffff, v8;
	_ =	sdelay $0x2  }
0x43: {  	s7 =	spop (v2sf)  }
0x44: {  	s3 =	sadd.s32 s7, s3  }
0x45: {  	s3 =	sadd.s32 $0x80000000, s3  }
0x46: {  	v8 =	vmov s3;
	v9, _, _ =	vpop (xrf0)  }
0x47: {  	v8 =	vadd.s32 $0xFFFFFFFF, v8;
	v10 =	vxor.u32 $0x80000000, v9  }
0x48: {  	v8 =	vbroadcast v8, $0x0;
	(xrf0) =	vmax.scan.msk.u32 $0xffff, v10;
	_ =	sdelay $0x1  }
0x49: {  	s2 =	sadd.s32 $0x10, s2;
	v8 =	vadd.s32 v9, v8  }
0x4a: {  	v9 =	vld [tilespmem:s2+$0x0];
	_ =	sdelay $0x2  }
0x4b: {  	v10 =	vor.u32 s0, v3;
	s0 =	smov.u32 s6;
	v11, _, _ =	vpop (xrf0)  }
.Ltmp2:
0x4c: {  	[tilespmem:v8+s11+$0x0] =	vst.idx.msk vm0, v10;
	(v2sf) =	vpush v11, $0xF;
	(pc) =	sbr.rel @p0 .LBB2_2-.Ltmp2, $4  }
0x4d: {  	[tilespmem:v8+s12+$0x0] =	vst.idx.msk vm0, v9  }
0x4e: {  	s4 =	sadd.s32 $0x10, s4  }
0x4f: {  	s5 =	sadd.s32 $0x10, s5;
	v8 =	vld [tilespmem:s4+$0x0]  }
0x50: {  	s6 =	sadd.s32 $0x10, s6;
	v9 =	vld [tilespmem:s5+$0x0]  }
0x51: {  	_ =	sdelay $0x3  }
0x52: {  	vm0 =	veq.s32 v8, v0;
	vm1 =	vne.s32 v9, $0x0  }
0x53: {  	vm0 =	vmand vm0, vm1  }
0x54: {  	v8 =	vsel vm0, $0x1, v2  }
0x55: {  	(xrf0) =	vadd.scan.msk.s32 $0xffff, v8;
	_ =	sdelay $0x5  }
0x56: {  	v8, _, _ =	vpop (xrf0)  }
0x57: {  	v61 =	vxor.u32 $0x80000000, v8  }
0x58: {  	(xrf0) =	vmax.scan.msk.u32 $0xffff, v61;
	_ =	sdelay $0x5  }
0x59: {  	v9, _, _ =	vpop (xrf0)  }
0x5a: {  	(v2sf) =	vpush v9, $0xF;
	_ =	sdelay $0xc  }
0x5b: {  	s4 =	spop (v2sf)  }
0x5c: {  	s3 =	sadd.s32 s4, s3  }
0x5d: {  	s3 =	sadd.s32 $0x80000000, s3;
	s26 =	spop (v2sf)  }
0x5e: {  	s4 =	sadd.s32 s26, s3  }
0x5f: {  	s6 =	sadd.s32 $0x80000000, s4  }
0x60: {  	s4 =	sadd.s32 $0xF, s6  }
0x61: {  	s5 =	sand.u32 $0xF, s4  }
0x62: {  	s29 =	sshra.s32 s4, $0x1F;
	p1 =	slt.s32 s4, $0x1;
	p0 =	sne.s32 s5, $0x0  }
0x63: {  	s5 =	sshrl.u32 s29, $0x1C;
	p0 =	por !p1, !p0  }
0x64: {  	s4 =	sadd.s32 s5, s4;
	s5 =	simm.s32 $0x1;
	p0 =	por !p0, !p0  }
0x65: {  	s4 =	sshra.s32 s4, $0x4;
	s5 =	simm.s32 @!p0 $0x0  }
0x66: {  	s26 =	ssub.s32 s4, s5  }
0x67: {  	s28 =	sshll.u32 s26, $0x4  }
0x68: {  	v62 =	vmov s3;
	p0 =	sgt.s32 s28, $0x1;
	s3 =	smov.u32 s28  }
0x69: {  	s31 =	simm.s32 $0x1CA00;
	v9 =	vadd.s32 $0xFFFFFFFF, v62;
	s3 =	simm.s32 @!p0 $0x1  }
0x6a: {  	v9 =	vbroadcast v9, $0x0;
	(drf) =	sdiv.u32 s31, s3;
	_ =	sdelay $0x1  }
0x6b: {  	s2 =	sadd.s32 $0x10, s2;
	v8 =	vadd.s32 v8, v9  }
0x6c: {  	v63 =	vld [tilespmem:s2+$0x0]  }
0x6d: {  	p0 =	slt.s32 s6, $0x1  }
.Ltmp3:
0x6e: {  	_ = 	snop;
	(pc) =	sbr.rel @p0 .LBB2_101-.Ltmp3, $4  }
0x6f: {  	v10 =	vor.u32 s0, v3  }
0x70: {  	[tilespmem:v8+s11+$0x0] =	vst.idx.msk vm0, v10  }
0x71: {  	[tilespmem:v8+s12+$0x0] =	vst.idx.msk vm0, v63  }
0x72: {  	[tilespmem:$0x1EA00] =	vst v4;
	s30 =	spop (drf)  }
0x73: {  	p0 =	slt.s32 s26, $0x1  }
.Ltmp4:
0x74: {  	_ = 	snop;
	(pc) =	sbr.rel @p0 .LBB2_11-.Ltmp4, $1  }
0x75: {  	_ =	sdelay $0x3  }
0x76: {  	p2 =	sne.s32 s26, $0x1  }
.Ltmp5:
0x77: {  	_ = 	snop;
	(pc) =	sbr.rel @!p2 .LBB2_6-.Ltmp5, $3  }
0x78: {  	_ =	sdelay $0x1  }
0x79: {  	s2 =	simm.s32 $0x600  }
0x7a: {  	s0 =	simm.s32 $0xA00;
	p1 =	por $0x0, $0x0;
	v8 =	vld [tilespmem:s2+$0x0];
	s2 =	sadd.s32 $0xFFFFFFFF, s26  }
0x7b: {  	_ =	sdelay $0x1  }
0x7c: {  	p2 =	sne.s32 s2, $0x1  }
.Ltmp6:
0x7d: {  	_ = 	snop;
	(pc) =	sbr.rel @!p2 .LBB2_8-.Ltmp6, $4  }
0x7e: {  	v8 =	vadd.s32 v1, v8  }
0x7f: {  	v8 =	vshll.u32 v8, $0xD  }
0x80: {  	s3 =	simm.s32 $0x610;
	[tilespmem:s0+$0x0] =	vst v8  }
0x81: {  	s4 =	sadd.s32 $0xFFFFFFFF, s2;
	p1 =	por $0x1, $0x1;
	s2 =	simm.s32 $0xA00;
	v8 =	vld [tilespmem:s3+$0x0]  }
.LBB2_9:
0x82: {  	p2 =	sne.s32 s4, $0x1;
	_ =	sdelay $0x2  }
.Ltmp7:
0x83: {  	(pc) =	sbr.rel @p2 .LBB2_9-.Ltmp7, $4  }
0x84: {  	v8 =	vadd.s32 v1, v8  }
0x85: {  	s2 =	sadd.s32 $0x10, s2;
	v8 =	vshll.u32 v8, $0xD  }
0x86: {  	s3 =	sadd.s32 $0x10, s3;
	[tilespmem:s2+$0x0] =	vst v8  }
0x87: {  	s4 =	sadd.s32 $0xFFFFFFFF, s4;
	v8 =	vld [tilespmem:s3+$0x0]  }
.LBB2_10:
0x88: {  	_ =	sdelay $0x3  }
0x89: {  	s2 =	sadd.s32 @p1 $0x10, s2;
	v8 =	vadd.s32 v1, v8  }
0x8a: {  	s0 =	smov.u32 @p1 s2;
	v8 =	vshll.u32 v8, $0xD  }
0x8b: {  	[tilespmem:s0+$0x0] =	vst v8  }
.LBB2_11:
0x8c: {  	p1 =	slt.s32 s6, s30  }
0x8d: {  	[dreg:$0xb] =	wrdreg s30;
	s30 =	smov.u32 @p1 s6  }
0x8e: {  	s0 =	smul.u32 s28, s30;
	_ =	sdelay $0x1  }
0x8f: {  	s0 =	sadd.s32 $0x1FF, s0  }
0x90: {  	s2 =	sshra.s32 s0, $0x1F  }
0x91: {  	s3 =	sshrl.u32 s2, $0x17  }
0x92: {  	s0 =	sadd.s32 s3, s0  }
0x93: {  	s0 =	sshra.s32 s0, $0x9  }
0x94: {  	s0 =	sadd.s32 s2, s0  }
0x95: {  	p1 =	slt.s32 s0, $0x1  }
.Ltmp8:
0x96: {  	_ = 	snop;
	(pc) =	sbr.rel @p1 .LBB2_16-.Ltmp8, $3  }
0x97: {  	_ =	sdelay $0x1  }
0x98: {  	[dreg:$0x9] =	wrdreg s8  }
0x99: {  	s31 =	sadd.s32 $0xFFFFFFFF, s6;
	v8 =	vmov s6;
	_ =	strace $0x8000004B;
	[dreg:$0xa] =	wrdreg s6  }
0x9a: {  	s2 =	sshra.s32 s26, $0x1F  }
0x9b: {  	s9 =	simm.s32 $0x0;
	s4 =	simm.s32 $0x0;
	s14 =	sor.u32 $0x1, s2  }
.LBB2_13:
0x9c: {  	s3 =	sshra.s32 s9, $0x1F  }
0x9d: {  	s5 =	sxor.u32 s2, s26;
	s6 =	sxor.u32 s3, s9  }
0x9e: {  	s8 =	ssub.s32 s5, s2;
	s25 =	ssub.s32 s6, s3  }
0x9f: {  	(drf) =	sdiv.u32 s25, s8;
	_ =	sdelay $0x8  }
0xa0: {  	s3 =	sxor.u32 s2, s3;
	s5 =	spop (drf)  }
0xa1: {  	s5 =	sxor.u32 s3, s5  }
0xa2: {  	p1 =	sgt.s32 s9, $0x0;
	s3 =	ssub.s32 s5, s3;
	s5 =	simm.s32 $0x1  }
0xa3: {  	s5 =	simm.s32 @!p1 $0x0;
	p1 =	slt.s32 s9, $0x0;
	s29 =	smul.u32 s26, s3  }
0xa4: {  	s5 =	simm.s32 @p1 $0xFFFFFFFF  }
0xa5: {  	p1 =	sne.s32 s5, s14;
	p2 =	sne.s32 s9, s29  }
0xa6: {  	p1 =	por !p1, !p2  }
0xa7: {  	s5 =	simm.s32 $0x1;
	p1 =	por !p1, !p1  }
0xa8: {  	s5 =	simm.s32 @!p1 $0x0  }
0xa9: {  	s3 =	ssub.s32 s3, s5  }
0xaa: {  	s5 =	smov.u32 s31;
	p1 =	slt.s32 s3, s31  }
0xab: {  	s5 =	smov.u32 @p1 s3  }
0xac: {  	v9 =	vmov s5;
	_ =	sdelay $0x4  }
0xad: {  	v9 =	vld.idx.msk [tilespmem:v9+s15+$0x0], $0xffff;
	_ =	sdelay $0x1  }
0xae: {  	s10 =	simm.s32 $0x80;
	s23 =	smov.u32 s9;
	s6 =	sadd.s32 $0x1, s9  }
0xaf: {  	s7 =	simm.s32 $0x0;
	s24 =	sshra.s32 s6, $0x1F;
	s5 =	simm.s32 $0x40  }
.LBB2_14:
0xb0: {  	p1 =	sne.s32 s10, $0x7C0;
	s29 =	sxor.u32 s24, s6  }
0xb1: {  	v9 =	vxor.u32 $0x80000000, v9;
	s29 =	ssub.s32 s29, s24  }
0xb2: {  	(drf) =	sdiv.u32 s29, s8;
	(xrf0) =	vmax.scan.msk.u32 $0xffff, v9;
	_ =	sdelay $0x5  }
0xb3: {  	v9, _, _ =	vpop (xrf0)  }
0xb4: {  	(v2sf) =	vpush v9, $0xF;
	_ =	sdelay $0x1  }
0xb5: {  	s24 =	sxor.u32 s2, s24;
	s29 =	spop (drf)  }
0xb6: {  	s29 =	sxor.u32 s24, s29  }
0xb7: {  	p2 =	sgt.s32 s6, $0x0;
	s24 =	ssub.s32 s29, s24;
	s29 =	simm.s32 $0x1  }
0xb8: {  	s29 =	simm.s32 @!p2 $0x0;
	p2 =	slt.s32 s6, $0x0;
	s25 =	smul.u32 s26, s24  }
0xb9: {  	s3 =	smul.u32 s26, s3;
	s29 =	simm.s32 @p2 $0xFFFFFFFF  }
0xba: {  	p2 =	sne.s32 s29, s14;
	p3 =	sne.s32 s6, s25  }
0xbb: {  	s3 =	ssub.s32 s23, s3;
	p2 =	por !p2, !p3  }
0xbc: {  	s23 =	smov.u32 s6;
	s25 =	simm.s32 $0x1;
	p2 =	por !p2, !p2  }
0xbd: {  	s29 =	sshll.u32 s3, $0x4;
	s25 =	simm.s32 @!p2 $0x0  }
0xbe: {  	s3 =	ssub.s32 s24, s25;
	v9 =	vld [tilespmem:s29+$0x800]  }
0xbf: {  	s24 =	smov.u32 s31;
	p2 =	slt.s32 s3, s31  }
0xc0: {  	s24 =	smov.u32 @p2 s3  }
0xc1: {  	v11 =	vor.u32 s29, v3;
	v10 =	vmov s24  }
0xc2: {  	vm0 =	vlt.s32 v11, v8;
	s24 =	spop (v2sf)  }
0xc3: {  	s24 =	sxor.u32 $0x80000000, s24;
	v9 =	vnsel vm0, $0x0, v9  }
0xc4: {  	v9 =	vadd.s32 s24, v9;
	s24 =	sshra.s32 s7, $0x2;
	s7 =	smov.u32 s5;
	s5 =	smov.u32 s10  }
0xc5: {  	[tilespmem:s24+$0x1E800] =	vst v9  }
.Ltmp9:
0xc6: {  	v9 =	vld.idx.msk [tilespmem:v10+s15+$0x0], $0xffff;
	(pc) =	sbr.rel @p1 .LBB2_14-.Ltmp9, $3  }
0xc7: {  	_ =	sdelay $0x1  }
0xc8: {  	s6 =	sadd.s32 $0x1, s6  }
0xc9: {  	s10 =	sadd.s32 $0x40, s10;
	s24 =	sshra.s32 s6, $0x1F  }
0xca: {  	s10 =	sxor.u32 s24, s6  }
0xcb: {  	v9 =	vxor.u32 $0x80000000, v9;
	s10 =	ssub.s32 s10, s24  }
0xcc: {  	(xrf0) =	vmax.scan.msk.u32 $0xffff, v9;
	(drf) =	sdiv.u32 s10, s8;
	_ =	sdelay $0x5  }
0xcd: {  	v9, _, _ =	vpop (xrf0)  }
0xce: {  	(v2sf) =	vpush v9, $0xF;
	_ =	sdelay $0x1  }
0xcf: {  	s24 =	sxor.u32 s2, s24;
	s10 =	spop (drf)  }
0xd0: {  	s10 =	sxor.u32 s24, s10  }
0xd1: {  	p1 =	sgt.s32 s6, $0x0;
	s8 =	ssub.s32 s10, s24;
	s10 =	simm.s32 $0x1  }
0xd2: {  	s10 =	simm.s32 @!p1 $0x0;
	p1 =	slt.s32 s6, $0x0;
	s25 =	smul.u32 s26, s8  }
0xd3: {  	s10 =	simm.s32 @p1 $0xFFFFFFFF  }
0xd4: {  	s3 =	smul.u32 s26, s3;
	p1 =	sne.s32 s10, s14;
	p2 =	sne.s32 s6, s25  }
0xd5: {  	p1 =	por !p1, !p2  }
0xd6: {  	s3 =	ssub.s32 s23, s3;
	s10 =	simm.s32 $0x1;
	p1 =	por !p1, !p1  }
0xd7: {  	s3 =	sshll.u32 s3, $0x4;
	s10 =	simm.s32 @!p1 $0x0  }
0xd8: {  	v9 =	vld [tilespmem:s3+$0x800];
	s8 =	ssub.s32 s8, s10  }
0xd9: {  	s10 =	smov.u32 s31;
	p1 =	slt.s32 s8, s31  }
0xda: {  	s10 =	smov.u32 @p1 s8  }
0xdb: {  	v11 =	vor.u32 s3, v3;
	v10 =	vmov s10  }
0xdc: {  	vm0 =	vlt.s32 v11, v8;
	s29 =	spop (v2sf)  }
0xdd: {  	v9 =	vnsel vm0, $0x0, v9;
	s3 =	sxor.u32 $0x80000000, s29  }
0xde: {  	s7 =	sshra.s32 s7, $0x2;
	v9 =	vadd.s32 s3, v9  }
0xdf: {  	[tilespmem:s7+$0x1E800] =	vst v9  }
0xe0: {  	v9 =	vld.idx.msk [tilespmem:v10+s15+$0x0], $0xffff;
	_ =	sdelay $0x4  }
0xe1: {  	v9 =	vxor.u32 $0x80000000, v9  }
0xe2: {  	(xrf0) =	vmax.scan.msk.u32 $0xffff, v9;
	_ =	sdelay $0x5  }
0xe3: {  	v9, _, _ =	vpop (xrf0)  }
0xe4: {  	(v2sf) =	vpush v9, $0xF;
	_ =	sdelay $0x6  }
0xe5: {  	s8 =	smul.u32 s26, s8;
	_ =	sdelay $0x1  }
0xe6: {  	s3 =	ssub.s32 s6, s8  }
0xe7: {  	s3 =	sshll.u32 s3, $0x4  }
0xe8: {  	v9 =	vld [tilespmem:s3+$0x800];
	_ =	sdelay $0x2  }
0xe9: {  	v10 =	vor.u32 s3, v3  }
0xea: {  	vm15 =	vlt.s32 v10, v8;
	s10 =	spop (v2sf)  }
0xeb: {  	s23 =	sshll.u32 s4, $0xB;
	s4 =	sadd.s32 $0x1, s4;
	v9 =	vnsel vm15, $0x0, v9;
	s3 =	sxor.u32 $0x80000000, s10  }
0xec: {  	s24 =	sshra.s32 s5, $0x2;
	s25 =	sshra.s32 s23, $0x2;
	p1 =	sne.s32 s4, s0;
	v9 =	vadd.s32 s3, v9  }
.Ltmp10:
0xed: {  	s29 =	sadd.s32 $0xC00, s25;
	[tilespmem:s24+$0x1E800] =	vst v9;
	(pc) =	sbr.rel @p1 .LBB2_13-.Ltmp10, $4  }
0xee: {  	[tilespmem:s29], [sflag:$0x1] =	stream.indirect.gather [hbm4b:s1+s16], $0x1, s17, s16, $0x2000b8;
	[tilespmem:$0x1EA80] =	vst v63  }
0xef: {  	_ =	swait.ge [sflag:s13], $0x200  }
0xf0: {  	[sflag:s13] =	ssyncset.done $0x0  }
0xf1: {  	s9 =	sadd.s32 $0x20, s9;
	[sflag:s13] =	ssyncadd.s32 $0xFFFFFE00  }
.LBB2_16:
0xf2: {  	p1 =	sgt.s32 s26, $0x0  }
.Ltmp11:
0xf3: {  	_ = 	snop;
	(pc) =	sbr.rel @!p1 .LBB2_17-.Ltmp11, $2  }
0xf4: {  	_ =	sdelay $0x2  }
0xf5: {  	_ =	strace $0x9000004B;
	s0 =	simm.s32 $0x1E600  }
0xf6: {  	p2 =	sne.s32 s26, $0x1  }
.Ltmp12:
0xf7: {  	_ = 	snop;
	(pc) =	sbr.rel @!p2 .LBB2_20-.Ltmp12, $3  }
0xf8: {  	_ =	sdelay $0x1  }
0xf9: {  	s25 =	rddreg [dreg:$0xa]  }
0xfa: {  	s2 =	sadd.s32 $0xFFFFFFFF, s26;
	[tilespmem:s0+$0x0] =	vst v5;
	s29 =	rddreg [dreg:$0xb]  }
.LBB2_19:
0xfb: {  	p2 =	sne.s32 s2, $0x1  }
.Ltmp13:
0xfc: {  	_ = 	snop;
	(pc) =	sbr.rel @p2 .LBB2_19-.Ltmp13, $3  }
0xfd: {  	_ =	sdelay $0x1  }
0xfe: {  	s2 =	sadd.s32 $0xFFFFFFFF, s2;
	s0 =	sadd.s32 $0x10, s0  }
0xff: {  	[tilespmem:s0+$0x0] =	vst v5  }
.LBB2_20:
0x100: {  	p2 =	sgt.s32 s28, $0x1CA00  }
.Ltmp14:
0x101: {  	_ = 	snop;
	(pc) =	sbr.rel @p2 .LBB2_28-.Ltmp14, $2  }
0x102: {  	_ =	sdelay $0x2  }
0x103: {  	_ =	strace $0x8000004C  }
0x104: {  	p2 =	sgt.s32 s30, $0x1  }
0x105: {  	s0 =	smov.u32 s30;
	s4 =	sshll.u32 s26, $0x6;
	s2 =	simm.s32 $0x0  }
0x106: {  	s3 =	simm.s32 $0xC00;
	s0 =	simm.s32 @!p2 $0x1;
	s4 =	sshra.s32 s4, $0x2  }
.LBB2_22:
0x107: {  	p3 =	sne.s32 s26, $0x1  }
.Ltmp15:
0x108: {  	_ = 	snop;
	(pc) =	sbr.rel @!p3 .LBB2_23-.Ltmp15, $2  }
0x109: {  	_ =	sdelay $0x2  }
0x10a: {  	s5 =	simm.s32 $0x1E600;
	v9 =	vld [tilespmem:s3+$0x0];
	s6 =	sadd.s32 $0xFFFFFFFF, s26;
	p2 =	por $0x0, $0x0  }
0x10b: {  	_ = 	snop  }
0x10c: {  	v10 =	vld [tilespmem:s5+$0x0];
	_ =	sdelay $0x2  }
0x10d: {  	p3 =	sne.s32 s6, $0x1;
	v9 =	vsub.f32 $0.0e+00, v9  }
.Ltmp16:
0x10e: {  	_ = 	snop;
	(pc) =	sbr.rel @!p3 .LBB2_25-.Ltmp16, $4  }
0x10f: {  	vm0 =	vlt.f32 v9, v10  }
0x110: {  	v9 =	vsel vm0, v9, v10  }
0x111: {  	s7 =	sadd.s32 $0x10, s3;
	[tilespmem:s5+$0x0] =	vst v9  }
0x112: {  	s8 =	sadd.s32 $0xFFFFFFFF, s6;
	p2 =	por $0x1, $0x1;
	s6 =	simm.s32 $0x1E600;
	v9 =	vld [tilespmem:s7+$0x0]  }
.LBB2_26:
0x113: {  	p3 =	sne.s32 s8, $0x1;
	s6 =	sadd.s32 $0x10, s6  }
0x114: {  	v10 =	vld [tilespmem:s6+$0x0];
	_ =	sdelay $0x2  }
0x115: {  	v9 =	vsub.f32 $0.0e+00, v9  }
.Ltmp17:
0x116: {  	(pc) =	sbr.rel @p3 .LBB2_26-.Ltmp17, $4  }
0x117: {  	vm0 =	vlt.f32 v9, v10  }
0x118: {  	v9 =	vsel vm0, v9, v10  }
0x119: {  	s7 =	sadd.s32 $0x10, s7;
	[tilespmem:s6+$0x0] =	vst v9  }
0x11a: {  	s8 =	sadd.s32 $0xFFFFFFFF, s8;
	v9 =	vld [tilespmem:s7+$0x0]  }
.LBB2_27:
0x11b: {  	s6 =	sadd.s32 @p2 $0x10, s6  }
0x11c: {  	s5 =	smov.u32 @p2 s6  }
0x11d: {  	v10 =	vld [tilespmem:s5+$0x0]  }
0x11e: {  	s2 =	sadd.s32 $0x1, s2  }
0x11f: {  	p2 =	sne.s32 s2, s0  }
.Ltmp18:
0x120: {  	v9 =	vsub.f32 $0.0e+00, v9;
	(pc) =	sbr.rel @p2 .LBB2_22-.Ltmp18, $4  }
.Ltmp19:
0x121: {  	_ = 	snop;
	(pc) =	sbr.rel @!p2 .LBB2_28-.Ltmp19, $4  }
0x122: {  	vm0 =	vlt.f32 v9, v10  }
0x123: {  	v9 =	vsel vm0, v9, v10  }
0x124: {  	s3 =	sadd.s32 s4, s3;
	[tilespmem:s5+$0x0] =	vst v9  }
0x125: {  	_ = 	snop  }
.LBB2_23:
.Ltmp20:
0x126: {  	(pc) =	sbr.rel .LBB2_27-.Ltmp20, $2  }
0x127: {  	_ =	sdelay $0x2  }
0x128: {  	s6 =	simm.s32 $0x1E600  }
.LBB2_25:
.Ltmp21:
0x129: {  	(pc) =	sbr.rel .LBB2_27-.Ltmp21, $2  }
0x12a: {  	_ =	sdelay $0x2  }
0x12b: {  	s6 =	simm.s32 $0x1E600  }
.LBB2_17:
0x12c: {  	_ =	strace $0x8000004C  }
0x12d: {  	s25 =	rddreg [dreg:$0xa]  }
0x12e: {  	s29 =	rddreg [dreg:$0xb]  }
.LBB2_28:
0x12f: {  	p2 =	sge.s32 s29, s25  }
.Ltmp22:
0x130: {  	_ = 	snop;
	(pc) =	sbr.rel @p2 .LBB2_35-.Ltmp22, $2  }
0x131: {  	_ =	sdelay $0x2  }
0x132: {  	_ =	strace $0x9000004C;
	s0 =	sadd.s32 $0xFFFFFFFF, s26  }
.Ltmp23:
0x133: {  	(pc) =	sbr.rel .LBB2_30-.Ltmp23, $2  }
0x134: {  	_ =	sdelay $0x2  }
0x135: {  	s2 =	smov.u32 s30  }
.LBB2_34:
0x136: {  	s5 =	simm.s32 $0x1E600  }
.LBB2_41:
0x137: {  	v9 =	vld [tilespmem:s7+$0x1D600];
	s4 =	sadd.s32 @p2 $0x10, s5  }
0x138: {  	s3 =	smov.u32 @p2 s4  }
0x139: {  	v10 =	vld [tilespmem:s3+$0x0];
	_ =	sdelay $0x2  }
0x13a: {  	v9 =	vsub.f32 $0.0e+00, v9;
	_ =	sdelay $0x1  }
0x13b: {  	vm0 =	vlt.f32 v9, v10  }
0x13c: {  	v9 =	vsel vm0, v9, v10  }
0x13d: {  	[tilespmem:s3+$0x0] =	vst v9  }
.LBB2_42:
0x13e: {  	s2 =	sadd.s32 $0x1, s2  }
0x13f: {  	p2 =	seq.s32 s2, s25  }
.Ltmp24:
0x140: {  	_ = 	snop;
	(pc) =	sbr.rel @p2 .LBB2_35-.Ltmp24, $1  }
0x141: {  	_ =	sdelay $0x3  }
.LBB2_30:
0x142: {  	v9 =	vmov s2;
	_ =	sdelay $0x4  }
0x143: {  	v10 =	vld.idx.msk [tilespmem:v9+s15+$0x0], $0xffff;
	_ =	sdelay $0x4  }
0x144: {  	v10 =	vxor.u32 $0x80000000, v10  }
0x145: {  	(xrf0) =	vmax.scan.msk.u32 $0xffff, v10;
	_ =	sdelay $0x5  }
0x146: {  	v10, _, _ =	vpop (xrf0)  }
0x147: {  	(v2sf) =	vpush v10, $0xF;
	_ =	sdelay $0x7  }
0x148: {  	s3 =	simm.s32 $0x0;
	p2 =	sgt.s32 s0, $0x0;
	s4 =	smov.u32 s0  }
0x149: {  	s4 =	smov.u32 @p2 s3  }
0x14a: {  	s3 =	sshll.u32 s4, $0x4  }
0x14b: {  	v10 =	vld [tilespmem:s3+$0x800];
	_ =	sdelay $0x2  }
0x14c: {  	v11 =	vor.u32 s3, v3  }
0x14d: {  	vm0 =	vlt.s32 v11, v8;
	s23 =	spop (v2sf)  }
0x14e: {  	v10 =	vnsel vm0, $0x0, v10;
	s24 =	sxor.u32 $0x80000000, s23  }
0x14f: {  	s3 =	simm.s32 $0x1E800;
	v10 =	vadd.s32 s24, v10  }
0x150: {  	[tilespmem:s3+$0x0] =	vst v10  }
0x151: {  	s5 =	simm.s32 $0x2;
	s4 =	simm.s32 $0x1;
	v10 =	vld.idx.msk [tilespmem:v9+s15+$0x0], $0xffff  }
.LBB2_31:
0x152: {  	p2 =	sne.s32 s5, $0x1F;
	_ =	sdelay $0x4  }
0x153: {  	v10 =	vxor.u32 $0x80000000, v10  }
0x154: {  	(xrf0) =	vmax.scan.msk.u32 $0xffff, v10;
	_ =	sdelay $0x5  }
0x155: {  	v10, _, _ =	vpop (xrf0)  }
0x156: {  	(v2sf) =	vpush v10, $0xF;
	_ =	sdelay $0x7  }
0x157: {  	p3 =	slt.s32 s4, s0;
	s6 =	smov.u32 s0  }
0x158: {  	s6 =	smov.u32 @p3 s4;
	s4 =	smov.u32 s5  }
0x159: {  	s6 =	sshll.u32 s6, $0x4  }
0x15a: {  	v10 =	vld [tilespmem:s6+$0x800];
	_ =	sdelay $0x2  }
0x15b: {  	v11 =	vor.u32 s6, v3  }
.Ltmp25:
0x15c: {  	vm0 =	vlt.s32 v11, v8;
	s6 =	spop (v2sf);
	(pc) =	sbr.rel @p2 .LBB2_31-.Ltmp25, $4  }
0x15d: {  	s6 =	sxor.u32 $0x80000000, s6;
	v10 =	vnsel vm0, $0x0, v10  }
0x15e: {  	s3 =	sadd.s32 $0x10, s3;
	v10 =	vadd.s32 s6, v10  }
0x15f: {  	[tilespmem:s3+$0x0] =	vst v10  }
0x160: {  	s5 =	sadd.s32 $0x1, s5;
	v10 =	vld.idx.msk [tilespmem:v9+s15+$0x0], $0xffff  }
0x161: {  	_ =	sdelay $0x3  }
0x162: {  	v9 =	vxor.u32 $0x80000000, v10  }
0x163: {  	(xrf0) =	vmax.scan.msk.u32 $0xffff, v9;
	_ =	sdelay $0x5  }
0x164: {  	v9, _, _ =	vpop (xrf0)  }
0x165: {  	(v2sf) =	vpush v9, $0xF;
	_ =	sdelay $0x7  }
0x166: {  	p2 =	slt.s32 s4, s0;
	s5 =	smov.u32 s0  }
0x167: {  	s5 =	smov.u32 @p2 s4  }
0x168: {  	s4 =	sshll.u32 s5, $0x4  }
0x169: {  	v9 =	vld [tilespmem:s4+$0x800];
	_ =	sdelay $0x2  }
0x16a: {  	v10 =	vor.u32 s4, v3  }
0x16b: {  	vm0 =	vlt.s32 v10, v8;
	s24 =	spop (v2sf)  }
0x16c: {  	v9 =	vnsel vm0, $0x0, v9;
	s4 =	sxor.u32 $0x80000000, s24  }
0x16d: {  	s3 =	sadd.s32 $0x10, s3;
	v9 =	vadd.s32 s4, v9  }
.Ltmp26:
0x16e: {  	[tilespmem:s3+$0x0] =	vst v9;
	(pc) =	sbr.rel @p0 .LBB2_42-.Ltmp26, $4  }
0x16f: {  	[tilespmem:s18], [sflag:$0x1] =	stream.indirect.gather [hbm4b:s1+s16], $0x1, s17, s16, $0xb8;
	[tilespmem:$0x1EA80] =	vst v63  }
0x170: {  	_ =	swait.ge [sflag:s13], $0x200  }
0x171: {  	[sflag:s13] =	ssyncset.done $0x0  }
0x172: {  	[sflag:s13] =	ssyncadd.s32 $0xFFFFFE00  }
0x173: {  	p3 =	sne.s32 s26, $0x1  }
.Ltmp27:
0x174: {  	_ = 	snop;
	(pc) =	sbr.rel @!p3 .LBB2_34-.Ltmp27, $3  }
0x175: {  	_ =	sdelay $0x1  }
0x176: {  	s3 =	simm.s32 $0x1E600;
	s4 =	simm.s32 $0x0  }
0x177: {  	s5 =	sadd.s32 $0xFFFFFFFF, s26;
	p2 =	por $0x0, $0x0;
	s7 =	sand.u32 $0xFFFFFFF0, s4  }
0x178: {  	v9 =	vld [tilespmem:s7+$0x1D600];
	_ =	sdelay $0x1  }
0x179: {  	v10 =	vld [tilespmem:s3+$0x0];
	_ =	sdelay $0x1  }
0x17a: {  	p3 =	sne.s32 s5, $0x1  }
.Ltmp28:
0x17b: {  	v9 =	vsub.f32 $0.0e+00, v9;
	(pc) =	sbr.rel @!p3 .LBB2_39-.Ltmp28, $4  }
0x17c: {  	_ = 	snop  }
0x17d: {  	vm0 =	vlt.f32 v9, v10  }
0x17e: {  	s4 =	simm.s32 $0x10;
	s6 =	sadd.s32 $0xFFFFFFFF, s5;
	v9 =	vsel vm0, v9, v10  }
0x17f: {  	p2 =	por $0x1, $0x1;
	s5 =	simm.s32 $0x1E600;
	s7 =	sand.u32 $0xFFFFFFF0, s4;
	[tilespmem:s3+$0x0] =	vst v9  }
.LBB2_40:
0x180: {  	p3 =	sne.s32 s6, $0x1;
	v9 =	vld [tilespmem:s7+$0x1D600]  }
0x181: {  	s5 =	sadd.s32 $0x10, s5  }
0x182: {  	v10 =	vld [tilespmem:s5+$0x0];
	_ =	sdelay $0x2  }
.Ltmp29:
0x183: {  	v9 =	vsub.f32 $0.0e+00, v9;
	(pc) =	sbr.rel @p3 .LBB2_40-.Ltmp29, $4  }
0x184: {  	_ = 	snop  }
0x185: {  	vm0 =	vlt.f32 v9, v10  }
0x186: {  	s4 =	sadd.s32 $0x10, s4;
	v9 =	vsel vm0, v9, v10  }
0x187: {  	s6 =	sadd.s32 $0xFFFFFFFF, s6;
	s7 =	sand.u32 $0xFFFFFFF0, s4;
	[tilespmem:s5+$0x0] =	vst v9  }
.Ltmp30:
0x188: {  	_ = 	snop;
	(pc) =	sbr.rel .LBB2_41-.Ltmp30, $1  }
0x189: {  	_ =	sdelay $0x3  }
.LBB2_39:
.Ltmp31:
0x18a: {  	(pc) =	sbr.rel .LBB2_41-.Ltmp31, $2  }
0x18b: {  	_ =	sdelay $0x2  }
0x18c: {  	s5 =	simm.s32 $0x1E600  }
.LBB2_35:
.Ltmp32:
0x18d: {  	(pc) =	sbr.rel @p0 .LBB2_47-.Ltmp32, $1  }
0x18e: {  	_ =	sdelay $0x3  }
0x18f: {  	p3 =	sne.s32 s26, $0x1  }
.Ltmp33:
0x190: {  	_ = 	snop;
	(pc) =	sbr.rel @!p3 .LBB2_37-.Ltmp33, $4  }
0x191: {  	_ = 	snop  }
0x192: {  	s6 =	simm.s32 $0x1D800;
	s7 =	simm.s32 $0x0  }
0x193: {  	s5 =	simm.s32 $0x1DE00;
	s4 =	simm.s32 $0x1E600;
	s3 =	simm.s32 $0x1DA00;
	v9 =	vor.u32 s7, v3  }
0x194: {  	s2 =	simm.s32 $0x1E400;
	p2 =	por $0x0, $0x0;
	s7 =	sadd.s32 $0xFFFFFFFF, s26;
	vm0 =	vlt.s32 v9, v8  }
0x195: {  	[tilespmem:s6+$0x0] =	vst v4;
	v9 =	vsel vm0, $0x3F800000, v4  }
0x196: {  	[tilespmem:s5+$0x0] =	vst v9  }
0x197: {  	v9 =	vld [tilespmem:s4+$0x0];
	_ =	sdelay $0x1  }
0x198: {  	p3 =	sne.s32 s7, $0x1  }
.Ltmp34:
0x199: {  	_ = 	snop;
	(pc) =	sbr.rel @!p3 .LBB2_44-.Ltmp34, $4  }
0x19a: {  	_ = 	snop  }
0x19b: {  	s14 =	simm.s32 $0x10;
	s23 =	sadd.s32 $0xFFFFFFFF, s7;
	v9 =	vnsel vm0, $0x0, v9  }
0x19c: {  	s6 =	simm.s32 $0x1D810;
	p2 =	por $0x1, $0x1;
	s7 =	simm.s32 $0x1DE00;
	v10 =	vor.u32 s14, v3;
	[tilespmem:s3+$0x0] =	vst v9  }
0x19d: {  	s10 =	simm.s32 $0x1E600;
	s8 =	simm.s32 $0x1DA00;
	s9 =	simm.s32 $0x1E400;
	vm0 =	vlt.s32 v10, v8;
	[tilespmem:s2+$0x0] =	vst v6  }
.LBB2_45:
0x19e: {  	p3 =	sne.s32 s23, $0x1;
	[tilespmem:s6+$0x0] =	vst v4;
	v9 =	vsel vm0, $0x3F800000, v4;
	s7 =	sadd.s32 $0x10, s7  }
0x19f: {  	s10 =	sadd.s32 $0x10, s10;
	[tilespmem:s7+$0x0] =	vst v9  }
0x1a0: {  	v9 =	vld [tilespmem:s10+$0x0];
	_ =	sdelay $0x2  }
.Ltmp35:
0x1a1: {  	(pc) =	sbr.rel @p3 .LBB2_45-.Ltmp35, $4  }
0x1a2: {  	_ = 	snop  }
0x1a3: {  	s14 =	sadd.s32 $0x10, s14;
	s8 =	sadd.s32 $0x10, s8;
	v9 =	vnsel vm0, $0x0, v9  }
0x1a4: {  	s9 =	sadd.s32 $0x10, s9;
	v10 =	vor.u32 s14, v3;
	[tilespmem:s8+$0x0] =	vst v9  }
0x1a5: {  	s23 =	sadd.s32 $0xFFFFFFFF, s23;
	s6 =	sadd.s32 $0x10, s6;
	vm0 =	vlt.s32 v10, v8;
	[tilespmem:s9+$0x0] =	vst v6  }
.LBB2_46:
0x1a6: {  	s7 =	sadd.s32 @p2 $0x10, s7  }
0x1a7: {  	[tilespmem:s6+$0x0] =	vst v4;
	v9 =	vsel vm0, $0x3F800000, v4;
	s6 =	sadd.s32 @p2 $0x10, s10;
	s5 =	smov.u32 @p2 s7  }
0x1a8: {  	s4 =	smov.u32 @p2 s6;
	[tilespmem:s5+$0x0] =	vst v9  }
0x1a9: {  	v9 =	vld [tilespmem:s4+$0x0];
	_ =	sdelay $0x3  }
0x1aa: {  	s4 =	sadd.s32 @p2 $0x10, s8  }
0x1ab: {  	s3 =	smov.u32 @p2 s4;
	s4 =	sadd.s32 @p2 $0x10, s9;
	v9 =	vnsel vm0, $0x0, v9  }
0x1ac: {  	s2 =	smov.u32 @p2 s4;
	[tilespmem:s3+$0x0] =	vst v9  }
0x1ad: {  	[tilespmem:s2+$0x0] =	vst v6  }
.LBB2_47:
0x1ae: {  	_ =	strace $0x8000004D;
	s2 =	simm.s32 $0x0;
	s14 =	simm.s32 $0x0  }
.LBB2_48:
0x1af: {  	p2 =	sgt.u32 s29, s14  }
.Ltmp36:
0x1b0: {  	_ = 	snop;
	(pc) =	sbr.rel @p2 .LBB2_52-.Ltmp36, $2  }
0x1b1: {  	_ =	sdelay $0x2  }
0x1b2: {  	v9 =	vmov s14;
	s3 =	simm.s32 $0x1E800  }
0x1b3: {  	_ =	sdelay $0x3  }
0x1b4: {  	v10 =	vld.idx.msk [tilespmem:v9+s15+$0x0], $0xffff;
	_ =	sdelay $0x4  }
0x1b5: {  	v10 =	vxor.u32 $0x80000000, v10  }
0x1b6: {  	(xrf0) =	vmax.scan.msk.u32 $0xffff, v10;
	_ =	sdelay $0x5  }
0x1b7: {  	v10, _, _ =	vpop (xrf0)  }
0x1b8: {  	(v2sf) =	vpush v10, $0xF;
	_ =	sdelay $0x7  }
0x1b9: {  	p3 =	sgt.s32 s0, $0x0;
	s4 =	smov.u32 s0  }
0x1ba: {  	s4 =	smov.u32 @p3 s2  }
0x1bb: {  	s4 =	sshll.u32 s4, $0x4  }
0x1bc: {  	v10 =	vld [tilespmem:s4+$0x800];
	_ =	sdelay $0x2  }
0x1bd: {  	v11 =	vor.u32 s4, v3  }
0x1be: {  	vm0 =	vlt.s32 v11, v8;
	s24 =	spop (v2sf)  }
0x1bf: {  	v10 =	vnsel vm0, $0x0, v10;
	s4 =	sxor.u32 $0x80000000, s24  }
0x1c0: {  	v10 =	vadd.s32 s4, v10  }
0x1c1: {  	[tilespmem:s3+$0x0] =	vst v10  }
0x1c2: {  	s5 =	simm.s32 $0x2;
	s4 =	simm.s32 $0x1;
	v10 =	vld.idx.msk [tilespmem:v9+s15+$0x0], $0xffff  }
.LBB2_50:
0x1c3: {  	p3 =	sne.s32 s5, $0x1F;
	_ =	sdelay $0x4  }
0x1c4: {  	v10 =	vxor.u32 $0x80000000, v10  }
0x1c5: {  	(xrf0) =	vmax.scan.msk.u32 $0xffff, v10;
	_ =	sdelay $0x5  }
0x1c6: {  	v10, _, _ =	vpop (xrf0)  }
0x1c7: {  	(v2sf) =	vpush v10, $0xF;
	_ =	sdelay $0x7  }
0x1c8: {  	p4 =	slt.s32 s4, s0;
	s6 =	smov.u32 s0  }
0x1c9: {  	s6 =	smov.u32 @p4 s4;
	s4 =	smov.u32 s5  }
0x1ca: {  	s6 =	sshll.u32 s6, $0x4  }
0x1cb: {  	v10 =	vld [tilespmem:s6+$0x800];
	_ =	sdelay $0x2  }
0x1cc: {  	v11 =	vor.u32 s6, v3  }
.Ltmp37:
0x1cd: {  	vm0 =	vlt.s32 v11, v8;
	s6 =	spop (v2sf);
	(pc) =	sbr.rel @p3 .LBB2_50-.Ltmp37, $4  }
0x1ce: {  	s6 =	sxor.u32 $0x80000000, s6;
	v10 =	vnsel vm0, $0x0, v10  }
0x1cf: {  	s3 =	sadd.s32 $0x10, s3;
	v10 =	vadd.s32 s6, v10  }
0x1d0: {  	[tilespmem:s3+$0x0] =	vst v10  }
0x1d1: {  	s5 =	sadd.s32 $0x1, s5;
	v10 =	vld.idx.msk [tilespmem:v9+s15+$0x0], $0xffff  }
0x1d2: {  	_ =	sdelay $0x3  }
0x1d3: {  	v10 =	vxor.u32 $0x80000000, v10  }
0x1d4: {  	(xrf0) =	vmax.scan.msk.u32 $0xffff, v10;
	_ =	sdelay $0x5  }
0x1d5: {  	v10, _, _ =	vpop (xrf0)  }
0x1d6: {  	(v2sf) =	vpush v10, $0xF;
	_ =	sdelay $0x7  }
0x1d7: {  	p3 =	slt.s32 s4, s0;
	s5 =	smov.u32 s0  }
0x1d8: {  	s5 =	smov.u32 @p3 s4  }
0x1d9: {  	s4 =	sshll.u32 s5, $0x4  }
0x1da: {  	v10 =	vld [tilespmem:s4+$0x800];
	_ =	sdelay $0x2  }
0x1db: {  	v11 =	vor.u32 s4, v3  }
0x1dc: {  	vm0 =	vlt.s32 v11, v8;
	s24 =	spop (v2sf)  }
0x1dd: {  	v10 =	vnsel vm0, $0x0, v10;
	s4 =	sxor.u32 $0x80000000, s24  }
0x1de: {  	s3 =	sadd.s32 $0x10, s3;
	v10 =	vadd.s32 s4, v10  }
0x1df: {  	[tilespmem:s3+$0x0] =	vst v10  }
0x1e0: {  	[tilespmem:s18], [sflag:$0x1] =	stream.indirect.gather [hbm4b:s1+s16], $0x1, s17, s16, $0x2000b8;
	[tilespmem:$0x1EA80] =	vst v63  }
0x1e1: {  	_ =	swait.ge [sflag:s13], $0x200  }
0x1e2: {  	[sflag:s13] =	ssyncset.done $0x0  }
0x1e3: {  	[sflag:s13] =	ssyncadd.s32 $0xFFFFFE00  }
.LBB2_52:
.Ltmp38:
0x1e4: {  	(pc) =	sbr.rel @p0 .LBB2_53-.Ltmp38, $1  }
0x1e5: {  	_ =	sdelay $0x3  }
0x1e6: {  	_ =	sdelay $0x3  }
0x1e7: {  	v10 =	vld.idx.msk [tilespmem:v9+s19+$0x0], $0xffff;
	_ =	sdelay $0x2  }
0x1e8: {  	s3 =	smul.u32 s28, s14;
	_ =	sdelay $0x1  }
0x1e9: {  	s3 =	simm.s32 @!p2 $0x1CA00;
	(xrf0) =	vmax.scan.msk.f32 $0xffff, v10  }
0x1ea: {  	s5 =	sadd.s32 $0xC00, s3  }
0x1eb: {  	v10 =	vld [tilespmem:s5+$0x0];
	_ =	sdelay $0x2  }
0x1ec: {  	s23 =	simm.s32 $0x1DA00  }
0x1ed: {  	v12 =	vld [tilespmem:s23+$0x0];
	v11, _, _ =	vpop (xrf0)  }
0x1ee: {  	v10 =	vsub.f32 $0.0e+00, v10;
	v13 =	vbroadcast v11, $0xF;
	_ =	sdelay $0x1  }
0x1ef: {  	v10 =	vsub.f32 v10, v13  }
0x1f0: {  	p3 =	sne.s32 s26, $0x1  }
.Ltmp39:
0x1f1: {  	v10 =	vsub.f32 v10, v12;
	(pc) =	sbr.rel @!p3 .LBB2_55-.Ltmp39, $4  }
0x1f2: {  	s24 =	simm.s32 $0x1DC00  }
0x1f3: {  	s4 =	simm.s32 $0x1E000;
	[tilespmem:s24+$0x0] =	vst v10  }
0x1f4: {  	s6 =	simm.s32 $0x1E200;
	s23 =	simm.s32 $0x0;
	p2 =	por $0x0, $0x0;
	[tilespmem:s4+$0x0] =	vst v6  }
0x1f5: {  	s3 =	simm.s32 $0x1DE00;
	s9 =	sadd.s32 $0x10, s5;
	v11 =	vimm.f32 $1.000000020e+30;
	v12 =	vimm.s32 $0x0;
	s4 =	simm.s32 $0x1;
	[tilespmem:s6+$0x0] =	vst v4  }
0x1f6: {  	v14 =	vld [tilespmem:s9+$0x0];
	_ =	sdelay $0x2  }
0x1f7: {  	v15 =	vld [tilespmem:s3+$0x0];
	s5 =	simm.s32 $0x1DA10  }
0x1f8: {  	v16 =	vld [tilespmem:s5+$0x0]  }
0x1f9: {  	v14 =	vsub.f32 $0.0e+00, v14;
	_ =	sdelay $0x1  }
0x1fa: {  	v14 =	vsub.f32 v14, v13  }
0x1fb: {  	p3 =	sne.s32 s26, $0x2;
	vm0 =	vgt.f32 v15, $5.000000000e-01  }
.Ltmp40:
0x1fc: {  	v15 =	vnsel vm0, $0x7149F2CA, v10;
	v10 =	vsub.f32 v14, v16;
	(pc) =	sbr.rel @!p3 .LBB2_57-.Ltmp40, $4  }
0x1fd: {  	s6 =	simm.s32 $0x1DC10  }
0x1fe: {  	s7 =	simm.s32 $0x1E010;
	[tilespmem:s6+$0x0] =	vst v10  }
0x1ff: {  	s8 =	simm.s32 $0x2;
	s10 =	simm.s32 $0x1E210;
	vm0 =	vlt.f32 v15, v11;
	[tilespmem:s7+$0x0] =	vst v6  }
0x200: {  	p2 =	por $0x1, $0x1;
	v11 =	vsel vm0, v15, v11;
	v12 =	vsel vm0, s23, v12;
	s23 =	sadd.s32 $0x10, s9;
	s9 =	simm.s32 $0x1DE00;
	[tilespmem:s10+$0x0] =	vst v4  }
.LBB2_58:
0x201: {  	v14 =	vld [tilespmem:s23+$0x0];
	s5 =	sadd.s32 $0x10, s5;
	s24 =	smov.u32 s8  }
0x202: {  	s9 =	sadd.s32 $0x10, s9;
	v15 =	vld [tilespmem:s5+$0x0]  }
0x203: {  	s8 =	sadd.s32 $0x1, s8;
	v16 =	vld [tilespmem:s9+$0x0]  }
0x204: {  	p3 =	sne.s32 s26, s8;
	_ =	sdelay $0x1  }
0x205: {  	v14 =	vsub.f32 $0.0e+00, v14;
	_ =	sdelay $0x1  }
0x206: {  	v14 =	vsub.f32 v14, v13;
	vm0 =	vgt.f32 v16, $5.000000000e-01  }
0x207: {  	v16 =	vnsel vm0, $0x7149F2CA, v10  }
.Ltmp41:
0x208: {  	v10 =	vsub.f32 v14, v15;
	vm0 =	vlt.f32 v16, v11;
	(pc) =	sbr.rel @p3 .LBB2_58-.Ltmp41, $4  }
0x209: {  	s6 =	sadd.s32 $0x10, s6;
	v11 =	vsel vm0, v16, v11;
	v12 =	vsel vm0, s4, v12;
	s4 =	smov.u32 s24  }
0x20a: {  	s7 =	sadd.s32 $0x10, s7;
	[tilespmem:s6+$0x0] =	vst v10  }
0x20b: {  	s10 =	sadd.s32 $0x10, s10;
	[tilespmem:s7+$0x0] =	vst v6  }
0x20c: {  	s23 =	sadd.s32 $0x10, s23;
	[tilespmem:s10+$0x0] =	vst v4  }
0x20d: {  	s23 =	smov.u32 s4  }
.LBB2_60:
0x20e: {  	s4 =	sadd.s32 @p2 $0x10, s9  }
0x20f: {  	s3 =	smov.u32 @p2 s4  }
0x210: {  	v13 =	vld [tilespmem:s3+$0x0];
	_ =	sdelay $0x3  }
.Ltmp42:
0x211: {  	_ = 	snop;
	(pc) =	sbr.rel .LBB2_61-.Ltmp42, $4  }
0x212: {  	vm0 =	vgt.f32 v13, $5.000000000e-01  }
0x213: {  	v10 =	vnsel vm0, $0x7149F2CA, v10  }
0x214: {  	vm0 =	vlt.f32 v10, v11  }
0x215: {  	v11 =	vsel vm0, v10, v11;
	v10 =	vsel vm0, s23, v12  }
.LBB2_53:
0x216: {  	v10 =	vimm.s32 $0x0;
	v11 =	vimm.f32 $1.000000020e+30  }
.LBB2_61:
0x217: {  	(xrf0) =	vmin.scan.msk.f32 $0xffff, v11;
	_ =	sdelay $0x5  }
0x218: {  	v12, _, _ =	vpop (xrf0)  }
0x219: {  	v13 =	vbroadcast v12, $0xF;
	_ =	sdelay $0x1  }
0x21a: {  	vm0 =	vle.f32 v11, v13  }
0x21b: {  	v11 =	vmctz.xlane vm0;
	_ =	sdelay $0x1  }
0x21c: {  	v11 =	vxor.u32 $0x80000000, v11  }
0x21d: {  	(xrf0) =	vmax.scan.msk.u32 $0xffff, v11;
	_ =	sdelay $0x5  }
0x21e: {  	(v2sf) =	vpush v12, $0xF;
	v11, _, _ =	vpop (xrf0)  }
0x21f: {  	(v2sf) =	vpush v11, $0xF;
	_ =	sdelay $0xd  }
0x220: {  	s4 =	spop (v2sf)  }
0x221: {  	s3 =	spop (v2sf)  }
0x222: {  	s3 =	sxor.u32 $0x80000000, s3  }
0x223: {  	v11 =	vmov s3  }
0x224: {  	vm15 =	veq.s32 v11, v3  }
0x225: {  	v10 =	vnsel vm15, $0x0, v10  }
0x226: {  	(xrf0) =	vadd.scan.msk.s32 $0xffff, v10;
	_ =	sdelay $0x5  }
0x227: {  	v10, _, _ =	vpop (xrf0)  }
0x228: {  	(v2sf) =	vpush v10, $0xF;
	_ =	sdelay $0xe  }
0x229: {  	s5 =	spop (v2sf)  }
0x22a: {  	s5 =	sshll.u32 s5, $0x4  }
0x22b: {  	s23 =	sadd.s32 s3, s5  }
0x22c: {  	v10 =	vmov s23;
	_ =	sdelay $0x4  }
0x22d: {  	[tilespmem:v10+s20+$0x0] =	vst.idx.msk $0x1, v7  }
0x22e: {  	v10 =	vld.idx.msk [tilespmem:v10+s21+$0x0], $0xffff;
	_ =	sdelay $0x4  }
0x22f: {  	v10 =	vxor.u32 $0x80000000, v10  }
0x230: {  	(xrf0) =	vmax.scan.msk.u32 $0xffff, v10;
	_ =	sdelay $0x5  }
0x231: {  	v10, _, _ =	vpop (xrf0)  }
0x232: {  	(v2sf) =	vpush v10, $0xF;
	_ =	sdelay $0xe  }
0x233: {  	s3 =	spop (v2sf)  }
0x234: {  	p2 =	slt.s32 s3, $0x0  }
.Ltmp43:
0x235: {  	_ = 	snop;
	(pc) =	sbr.rel @p2 .LBB2_71-.Ltmp43, $1  }
0x236: {  	_ =	sdelay $0x3  }
.LBB2_62:
.Ltmp44:
0x237: {  	(pc) =	sbr.rel @!p1 .LBB2_66-.Ltmp44, $2  }
0x238: {  	_ =	sdelay $0x2  }
0x239: {  	v10 =	vmov s4  }
0x23a: {  	s3 =	simm.s32 $0x1E200  }
0x23b: {  	s5 =	simm.s32 $0x1DC00;
	v12 =	vld [tilespmem:s3+$0x0]  }
0x23c: {  	v13 =	vld [tilespmem:s5+$0x0];
	_ =	sdelay $0x1  }
0x23d: {  	v10 =	vmov s4;
	s4 =	simm.s32 $0x1DA00  }
0x23e: {  	s7 =	simm.s32 $0x0;
	v14 =	vld [tilespmem:s4+$0x0]  }
0x23f: {  	v11 =	vmov s23;
	v15 =	vor.u32 s7, v3  }
0x240: {  	vm1 =	vne.s32 v15, v11;
	vm0 =	vgt.f32 v12, $5.000000000e-01;
	v12 =	vsub.f32 v10, v13  }
0x241: {  	vm0 =	vmand vm1, vm0  }
0x242: {  	v13 =	vnsel vm0, $0x0, v12  }
0x243: {  	v13 =	vsub.f32 v14, v13;
	_ =	sdelay $0x1  }
0x244: {  	s6 =	simm.s32 $0x1E400;
	[tilespmem:s4+$0x0] =	vst v13  }
0x245: {  	v13 =	vld [tilespmem:s6+$0x0];
	_ =	sdelay $0x1  }
0x246: {  	p2 =	sne.s32 s26, $0x1  }
.Ltmp45:
0x247: {  	_ = 	snop;
	(pc) =	sbr.rel @!p2 .LBB2_65-.Ltmp45, $2  }
0x248: {  	_ =	sdelay $0x2  }
0x249: {  	s8 =	smov.u32 s0;
	s7 =	simm.s32 $0x10;
	s6 =	simm.s32 $0x1E410  }
.LBB2_64:
0x24a: {  	[tilespmem:v13+s19+$0x0] =	vst.idx.add.f32.msk vm0, v12;
	s3 =	sadd.s32 $0x10, s3;
	s5 =	sadd.s32 $0x10, s5;
	s4 =	sadd.s32 $0x10, s4  }
0x24b: {  	p2 =	sne.s32 s8, $0x1;
	s8 =	sadd.s32 $0xFFFFFFFF, s8;
	v12 =	vld [tilespmem:s3+$0x0]  }
0x24c: {  	v13 =	vld [tilespmem:s5+$0x0];
	_ =	sdelay $0x2  }
0x24d: {  	v14 =	vld [tilespmem:s4+$0x0]  }
0x24e: {  	vm0 =	vgt.f32 v12, $5.000000000e-01;
	v12 =	vor.u32 s7, v3  }
0x24f: {  	vm1 =	vne.s32 v12, v11;
	v12 =	vsub.f32 v10, v13  }
0x250: {  	vm0 =	vmand vm1, vm0  }
0x251: {  	v13 =	vnsel vm0, $0x0, v12  }
0x252: {  	v13 =	vsub.f32 v14, v13;
	_ =	sdelay $0x1  }
0x253: {  	[tilespmem:s4+$0x0] =	vst v13  }
0x254: {  	v13 =	vld [tilespmem:s6+$0x0];
	_ =	sdelay $0x2  }
.Ltmp46:
0x255: {  	(pc) =	sbr.rel @p2 .LBB2_64-.Ltmp46, $2  }
0x256: {  	_ =	sdelay $0x2  }
0x257: {  	s7 =	sadd.s32 $0x10, s7;
	s6 =	sadd.s32 $0x10, s6  }
.LBB2_65:
0x258: {  	_ =	sdelay $0x4  }
0x259: {  	[tilespmem:v13+s19+$0x0] =	vst.idx.add.f32.msk vm0, v12  }
.LBB2_66:
0x25a: {  	_ =	sdelay $0x3  }
0x25b: {  	[tilespmem:v9+s19+$0x0] =	vst.idx.add.f32.msk $0x1, v10  }
.LBB2_67:
0x25c: {  	v9 =	vmov s23;
	_ =	sdelay $0x4  }
0x25d: {  	v10 =	vld.idx.msk [tilespmem:v9+s22+$0x0], $0xffff;
	_ =	sdelay $0x4  }
0x25e: {  	v10 =	vxor.u32 $0x80000000, v10  }
0x25f: {  	(xrf0) =	vmax.scan.msk.u32 $0xffff, v10;
	_ =	sdelay $0x5  }
0x260: {  	v10, _, _ =	vpop (xrf0)  }
0x261: {  	(v2sf) =	vpush v10, $0xF;
	_ =	sdelay $0xe  }
0x262: {  	s3 =	spop (v2sf)  }
0x263: {  	s23 =	sxor.u32 $0x80000000, s3  }
0x264: {  	p2 =	sgt.s32 s23, $0x0  }
0x265: {  	s23 =	simm.s32 @!p2 $0x0  }
0x266: {  	v10 =	vmov s23  }
0x267: {  	v10 =	vbroadcast v10, $0x0;
	_ =	sdelay $0x5  }
0x268: {  	v10 =	vld.idx.msk [tilespmem:v10+s21+$0x0], $0xffff;
	_ =	sdelay $0x4  }
0x269: {  	v10 =	vxor.u32 $0x80000000, v10  }
0x26a: {  	(xrf0) =	vmax.scan.msk.u32 $0xffff, v10;
	_ =	sdelay $0x5  }
0x26b: {  	v10, _, _ =	vpop (xrf0)  }
0x26c: {  	(v2sf) =	vpush v10, $0xF;
	_ =	sdelay $0xe  }
0x26d: {  	s4 =	spop (v2sf)  }
0x26e: {  	p2 =	sgt.s32 s3, $0xFFFFFFFF;
	s4 =	sxor.u32 $0x80000000, s4  }
0x26f: {  	s4 =	smov.u32 @p2 s14;
	p2 =	slt.s32 s3, $0x0  }
.Ltmp47:
0x270: {  	_ = 	snop;
	(pc) =	sbr.rel @p2 .LBB2_67-.Ltmp47, $3  }
0x271: {  	_ =	sdelay $0x1  }
0x272: {  	v10 =	vmov s4  }
0x273: {  	[tilespmem:v9+s21+$0x0] =	vst.idx.msk $0x1, v10  }
0x274: {  	s14 =	sadd.s32 $0x1, s14  }
0x275: {  	p2 =	sne.s32 s14, s25  }
.Ltmp48:
0x276: {  	_ = 	snop;
	(pc) =	sbr.rel @p2 .LBB2_48-.Ltmp48, $4  }
.Ltmp49:
0x277: {  	_ = 	snop;
	(pc) =	sbr.rel @!p2 .LBB2_69-.Ltmp49, $4  }
0x278: {  	_ = 	snop  }
0x279: {  	_ = 	snop  }
0x27a: {  	_ = 	snop  }
0x27b: {  	_ = 	snop  }
.LBB2_76:
0x27c: {  	v10 =	vimm.s32 $0x0;
	v11 =	vimm.f32 $1.000000020e+30  }
.LBB2_84:
0x27d: {  	(xrf0) =	vmin.scan.msk.f32 $0xffff, v11;
	_ =	sdelay $0x5  }
0x27e: {  	v12, _, _ =	vpop (xrf0)  }
0x27f: {  	v13 =	vbroadcast v12, $0xF;
	_ =	sdelay $0x1  }
0x280: {  	vm0 =	vle.f32 v11, v13  }
0x281: {  	v11 =	vmctz.xlane vm0;
	_ =	sdelay $0x1  }
0x282: {  	v11 =	vxor.u32 $0x80000000, v11  }
0x283: {  	(xrf0) =	vmax.scan.msk.u32 $0xffff, v11;
	_ =	sdelay $0x5  }
0x284: {  	(v2sf) =	vpush v12, $0xF;
	v11, _, _ =	vpop (xrf0)  }
0x285: {  	(v2sf) =	vpush v11, $0xF;
	_ =	sdelay $0xd  }
0x286: {  	s4 =	spop (v2sf)  }
0x287: {  	s3 =	spop (v2sf)  }
0x288: {  	s3 =	sxor.u32 $0x80000000, s3  }
0x289: {  	v11 =	vmov s3  }
0x28a: {  	vm15 =	veq.s32 v11, v3  }
0x28b: {  	v10 =	vnsel vm15, $0x0, v10  }
0x28c: {  	(xrf0) =	vadd.scan.msk.s32 $0xffff, v10;
	_ =	sdelay $0x5  }
0x28d: {  	v10, _, _ =	vpop (xrf0)  }
0x28e: {  	(v2sf) =	vpush v10, $0xF;
	_ =	sdelay $0xe  }
0x28f: {  	s5 =	spop (v2sf)  }
0x290: {  	s5 =	sshll.u32 s5, $0x4  }
0x291: {  	s23 =	sadd.s32 s3, s5  }
0x292: {  	v10 =	vmov s23;
	_ =	sdelay $0x4  }
0x293: {  	[tilespmem:v10+s20+$0x0] =	vst.idx.msk $0x1, v7  }
0x294: {  	v10 =	vld.idx.msk [tilespmem:v10+s21+$0x0], $0xffff;
	_ =	sdelay $0x4  }
0x295: {  	v10 =	vxor.u32 $0x80000000, v10  }
0x296: {  	(xrf0) =	vmax.scan.msk.u32 $0xffff, v10;
	_ =	sdelay $0x5  }
0x297: {  	v10, _, _ =	vpop (xrf0)  }
0x298: {  	(v2sf) =	vpush v10, $0xF;
	_ =	sdelay $0xe  }
0x299: {  	s3 =	spop (v2sf)  }
0x29a: {  	p2 =	slt.s32 s3, $0x0  }
.Ltmp50:
0x29b: {  	_ = 	snop;
	(pc) =	sbr.rel @!p2 .LBB2_62-.Ltmp50, $1  }
0x29c: {  	_ =	sdelay $0x3  }
.LBB2_71:
0x29d: {  	s5 =	sand.u32 $0x7FFFFFFF, s3  }
0x29e: {  	p2 =	slt.s32 s5, s30  }
.Ltmp51:
0x29f: {  	_ = 	snop;
	(pc) =	sbr.rel @p2 .LBB2_75-.Ltmp51, $1  }
0x2a0: {  	_ =	sdelay $0x3  }
0x2a1: {  	p3 =	slt.s32 s5, s31;
	s3 =	smov.u32 s31  }
0x2a2: {  	s3 =	smov.u32 @p3 s5  }
0x2a3: {  	v10 =	vmov s3;
	_ =	sdelay $0x4  }
0x2a4: {  	v11 =	vld.idx.msk [tilespmem:v10+s15+$0x0], $0xffff;
	_ =	sdelay $0x4  }
0x2a5: {  	v11 =	vxor.u32 $0x80000000, v11  }
0x2a6: {  	(xrf0) =	vmax.scan.msk.u32 $0xffff, v11;
	_ =	sdelay $0x5  }
0x2a7: {  	v11, _, _ =	vpop (xrf0)  }
0x2a8: {  	(v2sf) =	vpush v11, $0xF;
	_ =	sdelay $0x7  }
0x2a9: {  	s6 =	smov.u32 s0;
	p3 =	sgt.s32 s0, $0x0;
	s3 =	simm.s32 $0x0  }
0x2aa: {  	s6 =	smov.u32 @p3 s3  }
0x2ab: {  	s3 =	sshll.u32 s6, $0x4  }
0x2ac: {  	v11 =	vld [tilespmem:s3+$0x800];
	_ =	sdelay $0x2  }
0x2ad: {  	v12 =	vor.u32 s3, v3  }
0x2ae: {  	vm0 =	vlt.s32 v12, v8;
	s10 =	spop (v2sf)  }
0x2af: {  	v11 =	vnsel vm0, $0x0, v11;
	s24 =	sxor.u32 $0x80000000, s10  }
0x2b0: {  	s3 =	simm.s32 $0x1E800;
	v11 =	vadd.s32 s24, v11  }
0x2b1: {  	[tilespmem:s3+$0x0] =	vst v11  }
0x2b2: {  	s7 =	simm.s32 $0x2;
	s6 =	simm.s32 $0x1;
	v11 =	vld.idx.msk [tilespmem:v10+s15+$0x0], $0xffff  }
.LBB2_73:
0x2b3: {  	p3 =	sne.s32 s7, $0x1F;
	_ =	sdelay $0x4  }
0x2b4: {  	v11 =	vxor.u32 $0x80000000, v11  }
0x2b5: {  	(xrf0) =	vmax.scan.msk.u32 $0xffff, v11;
	_ =	sdelay $0x5  }
0x2b6: {  	v11, _, _ =	vpop (xrf0)  }
0x2b7: {  	(v2sf) =	vpush v11, $0xF;
	_ =	sdelay $0x7  }
0x2b8: {  	p4 =	slt.s32 s6, s0;
	s8 =	smov.u32 s0  }
0x2b9: {  	s8 =	smov.u32 @p4 s6;
	s6 =	smov.u32 s7  }
0x2ba: {  	s8 =	sshll.u32 s8, $0x4  }
0x2bb: {  	v11 =	vld [tilespmem:s8+$0x800];
	_ =	sdelay $0x2  }
0x2bc: {  	v12 =	vor.u32 s8, v3  }
.Ltmp52:
0x2bd: {  	vm0 =	vlt.s32 v12, v8;
	s8 =	spop (v2sf);
	(pc) =	sbr.rel @p3 .LBB2_73-.Ltmp52, $4  }
0x2be: {  	s8 =	sxor.u32 $0x80000000, s8;
	v11 =	vnsel vm0, $0x0, v11  }
0x2bf: {  	s3 =	sadd.s32 $0x10, s3;
	v11 =	vadd.s32 s8, v11  }
0x2c0: {  	[tilespmem:s3+$0x0] =	vst v11  }
0x2c1: {  	s7 =	sadd.s32 $0x1, s7;
	v11 =	vld.idx.msk [tilespmem:v10+s15+$0x0], $0xffff  }
0x2c2: {  	_ =	sdelay $0x3  }
0x2c3: {  	v10 =	vxor.u32 $0x80000000, v11  }
0x2c4: {  	(xrf0) =	vmax.scan.msk.u32 $0xffff, v10;
	_ =	sdelay $0x5  }
0x2c5: {  	v10, _, _ =	vpop (xrf0)  }
0x2c6: {  	(v2sf) =	vpush v10, $0xF;
	_ =	sdelay $0x7  }
0x2c7: {  	p3 =	slt.s32 s6, s0;
	s7 =	smov.u32 s0  }
0x2c8: {  	s7 =	smov.u32 @p3 s6  }
0x2c9: {  	s6 =	sshll.u32 s7, $0x4  }
0x2ca: {  	v10 =	vld [tilespmem:s6+$0x800];
	_ =	sdelay $0x2  }
0x2cb: {  	v11 =	vor.u32 s6, v3  }
0x2cc: {  	vm0 =	vlt.s32 v11, v8;
	s24 =	spop (v2sf)  }
0x2cd: {  	v10 =	vnsel vm0, $0x0, v10;
	s6 =	sxor.u32 $0x80000000, s24  }
0x2ce: {  	s3 =	sadd.s32 $0x10, s3;
	v10 =	vadd.s32 s6, v10  }
0x2cf: {  	[tilespmem:s3+$0x0] =	vst v10  }
0x2d0: {  	[tilespmem:s18], [sflag:$0x1] =	stream.indirect.gather [hbm4b:s1+s16], $0x1, s17, s16, $0x2000b8;
	[tilespmem:$0x1EA80] =	vst v63  }
0x2d1: {  	_ =	swait.ge [sflag:s13], $0x200  }
0x2d2: {  	[sflag:s13] =	ssyncset.done $0x0  }
0x2d3: {  	[sflag:s13] =	ssyncadd.s32 $0xFFFFFE00  }
.LBB2_75:
.Ltmp53:
0x2d4: {  	(pc) =	sbr.rel @p0 .LBB2_76-.Ltmp53, $1  }
0x2d5: {  	_ =	sdelay $0x3  }
0x2d6: {  	v10 =	vmov s5  }
0x2d7: {  	v10 =	vbroadcast v10, $0x0;
	_ =	sdelay $0x5  }
0x2d8: {  	v10 =	vld.idx.msk [tilespmem:v10+s19+$0x0], $0xffff;
	_ =	sdelay $0x2  }
0x2d9: {  	s3 =	smul.u32 s28, s5;
	_ =	sdelay $0x1  }
0x2da: {  	s3 =	simm.s32 @!p2 $0x1CA00;
	(xrf0) =	vmax.scan.msk.f32 $0xffff, v10  }
0x2db: {  	s9 =	sadd.s32 $0xC00, s3  }
0x2dc: {  	v11 =	vld [tilespmem:s9+$0x0];
	_ =	sdelay $0x2  }
0x2dd: {  	s10 =	simm.s32 $0x1DA00  }
0x2de: {  	v12 =	vld [tilespmem:s10+$0x0];
	v10, _, _ =	vpop (xrf0)  }
0x2df: {  	v11 =	vsub.f32 $0.0e+00, v11;
	v10 =	vbroadcast v10, $0xF  }
0x2e0: {  	s24 =	simm.s32 $0x1E200  }
0x2e1: {  	s6 =	simm.s32 $0x1DC00;
	v14 =	vld [tilespmem:s24+$0x0];
	v11 =	vsub.f32 v11, v10  }
0x2e2: {  	v15 =	vld [tilespmem:s6+$0x0]  }
0x2e3: {  	v11 =	vsub.f32 v11, v12  }
0x2e4: {  	v13 =	vmov s4  }
0x2e5: {  	v11 =	vadd.f32 v11, v13;
	_ =	sdelay $0x1  }
0x2e6: {  	vm0 =	vlt.f32 v14, $5.000000000e-01;
	vm1 =	vlt.f32 v11, v15  }
0x2e7: {  	vm1 =	vmand vm0, vm1  }
0x2e8: {  	v14 =	vsel vm1, v11, v15  }
0x2e9: {  	s7 =	simm.s32 $0x1E000;
	[tilespmem:s6+$0x0] =	vst v14  }
0x2ea: {  	v11 =	vld [tilespmem:s7+$0x0]  }
0x2eb: {  	p3 =	sne.s32 s26, $0x1  }
.Ltmp54:
0x2ec: {  	_ = 	snop;
	(pc) =	sbr.rel @!p3 .LBB2_78-.Ltmp54, $4  }
0x2ed: {  	_ = 	snop  }
0x2ee: {  	v15 =	vmov s23  }
0x2ef: {  	s4 =	simm.s32 $0x1DE00;
	p2 =	por $0x0, $0x0;
	v16 =	vsel vm1, v15, v11  }
0x2f0: {  	s3 =	simm.s32 $0x1;
	s10 =	sadd.s32 $0x10, s9;
	v12 =	vimm.s32 $0x0;
	s23 =	simm.s32 $0x0;
	v11 =	vimm.f32 $1.000000020e+30;
	[tilespmem:s7+$0x0] =	vst v16  }
0x2f1: {  	v16 =	vld [tilespmem:s10+$0x0];
	_ =	sdelay $0x2  }
0x2f2: {  	s5 =	simm.s32 $0x1DA10  }
0x2f3: {  	v17 =	vld [tilespmem:s5+$0x0]  }
0x2f4: {  	v16 =	vsub.f32 $0.0e+00, v16  }
0x2f5: {  	v18 =	vld [tilespmem:s4+$0x0];
	s6 =	simm.s32 $0x1E210  }
0x2f6: {  	s7 =	simm.s32 $0x1DC10;
	v19 =	vld [tilespmem:s6+$0x0];
	v16 =	vsub.f32 v16, v10  }
0x2f7: {  	v20 =	vld [tilespmem:s7+$0x0]  }
0x2f8: {  	v16 =	vsub.f32 v16, v17;
	_ =	sdelay $0x1  }
0x2f9: {  	v16 =	vadd.f32 v16, v13  }
0x2fa: {  	vm1 =	vgt.f32 v18, $5.000000000e-01  }
0x2fb: {  	vm1 =	vmand vm0, vm1;
	vm0 =	vlt.f32 v19, $5.000000000e-01;
	vm2 =	vlt.f32 v16, v20  }
0x2fc: {  	v17 =	vnsel vm1, $0x7149F2CA, v14;
	vm1 =	vmand vm0, vm2  }
0x2fd: {  	v14 =	vsel vm1, v16, v20  }
0x2fe: {  	s8 =	simm.s32 $0x1E010;
	[tilespmem:s7+$0x0] =	vst v14  }
0x2ff: {  	v16 =	vld [tilespmem:s8+$0x0]  }
0x300: {  	p3 =	sne.s32 s26, $0x2  }
.Ltmp55:
0x301: {  	_ = 	snop;
	(pc) =	sbr.rel @!p3 .LBB2_80-.Ltmp55, $3  }
0x302: {  	_ =	sdelay $0x1  }
0x303: {  	s9 =	simm.s32 $0x2;
	v16 =	vsel vm1, v15, v16;
	vm1 =	vlt.f32 v17, v11  }
0x304: {  	p2 =	por $0x1, $0x1;
	v11 =	vsel vm1, v17, v11;
	v12 =	vsel vm1, s23, v12;
	[tilespmem:s8+$0x0] =	vst v16;
	s23 =	sadd.s32 $0x10, s10;
	s10 =	simm.s32 $0x1DE00  }
.LBB2_81:
0x305: {  	v16 =	vld [tilespmem:s23+$0x0];
	s10 =	sadd.s32 $0x10, s10;
	s24 =	smov.u32 s9;
	s9 =	sadd.s32 $0x1, s9  }
0x306: {  	p3 =	sne.s32 s26, s9;
	v17 =	vld [tilespmem:s10+$0x0];
	_ =	sdelay $0x1  }
0x307: {  	s5 =	sadd.s32 $0x10, s5  }
0x308: {  	v18 =	vld [tilespmem:s5+$0x0]  }
0x309: {  	v16 =	vsub.f32 $0.0e+00, v16  }
0x30a: {  	s6 =	sadd.s32 $0x10, s6;
	vm1 =	vgt.f32 v17, $5.000000000e-01  }
0x30b: {  	s7 =	sadd.s32 $0x10, s7;
	v17 =	vld [tilespmem:s6+$0x0];
	v16 =	vsub.f32 v16, v10;
	vm0 =	vmand vm0, vm1  }
0x30c: {  	v19 =	vld [tilespmem:s7+$0x0];
	v14 =	vnsel vm0, $0x7149F2CA, v14  }
0x30d: {  	v16 =	vsub.f32 v16, v18;
	vm0 =	vlt.f32 v14, v11  }
0x30e: {  	v11 =	vsel vm0, v14, v11;
	v12 =	vsel vm0, s3, v12;
	s3 =	smov.u32 s24  }
0x30f: {  	v14 =	vadd.f32 v16, v13;
	_ =	sdelay $0x1  }
0x310: {  	vm0 =	vlt.f32 v17, $5.000000000e-01;
	vm1 =	vlt.f32 v14, v19  }
0x311: {  	vm1 =	vmand vm0, vm1  }
0x312: {  	v14 =	vsel vm1, v14, v19  }
0x313: {  	s8 =	sadd.s32 $0x10, s8;
	[tilespmem:s7+$0x0] =	vst v14  }
0x314: {  	v16 =	vld [tilespmem:s8+$0x0];
	_ =	sdelay $0x1  }
.Ltmp56:
0x315: {  	(pc) =	sbr.rel @p3 .LBB2_81-.Ltmp56, $3  }
0x316: {  	_ =	sdelay $0x1  }
0x317: {  	v16 =	vsel vm1, v15, v16  }
0x318: {  	s23 =	sadd.s32 $0x10, s23;
	[tilespmem:s8+$0x0] =	vst v16  }
0x319: {  	s23 =	smov.u32 s3  }
.LBB2_83:
0x31a: {  	s3 =	sadd.s32 @p2 $0x10, s10  }
0x31b: {  	s4 =	smov.u32 @p2 s3  }
0x31c: {  	v10 =	vld [tilespmem:s4+$0x0];
	_ =	sdelay $0x4  }
.Ltmp57:
0x31d: {  	vm1 =	vgt.f32 v10, $5.000000000e-01;
	(pc) =	sbr.rel .LBB2_84-.Ltmp57, $4  }
0x31e: {  	vm0 =	vmand vm0, vm1  }
0x31f: {  	v10 =	vnsel vm0, $0x7149F2CA, v14  }
0x320: {  	vm0 =	vlt.f32 v10, v11  }
0x321: {  	v11 =	vsel vm0, v10, v11;
	v10 =	vsel vm0, s23, v12  }
.LBB2_78:
.Ltmp58:
0x322: {  	(pc) =	sbr.rel .LBB2_83-.Ltmp58, $2  }
0x323: {  	_ =	sdelay $0x2  }
0x324: {  	s10 =	simm.s32 $0x1DE00  }
.LBB2_80:
.Ltmp59:
0x325: {  	(pc) =	sbr.rel .LBB2_83-.Ltmp59, $2  }
0x326: {  	_ =	sdelay $0x2  }
0x327: {  	s10 =	simm.s32 $0x1DE00;
	s23 =	simm.s32 $0x1  }
.LBB2_55:
.Ltmp60:
0x328: {  	(pc) =	sbr.rel .LBB2_60-.Ltmp60, $2  }
0x329: {  	_ =	sdelay $0x2  }
0x32a: {  	s9 =	simm.s32 $0x1DE00  }
.LBB2_57:
.Ltmp61:
0x32b: {  	(pc) =	sbr.rel .LBB2_60-.Ltmp61, $2  }
0x32c: {  	_ =	sdelay $0x2  }
0x32d: {  	s9 =	simm.s32 $0x1DE00;
	s23 =	simm.s32 $0x1  }
.LBB2_69:
.Ltmp62:
0x32e: {  	(pc) =	sbr.rel @p0 .LBB2_70-.Ltmp62, $2  }
0x32f: {  	_ =	sdelay $0x2  }
0x330: {  	_ =	strace $0x9000004D;
	s2 =	simm.f32 $0.0e+00  }
0x331: {  	s3 =	simm.s32 $0x1DA00  }
0x332: {  	p5 =	sne.s32 s26, $0x1;
	v9 =	vld [tilespmem:s3+$0x0]  }
.Ltmp63:
0x333: {  	_ = 	snop;
	(pc) =	sbr.rel @!p5 .LBB2_86-.Ltmp63, $4  }
0x334: {  	s4 =	simm.s32 $0x1D800  }
0x335: {  	p0 =	por $0x0, $0x0;
	p1 =	por $0x0, $0x0;
	p2 =	por $0x0, $0x0  }
0x336: {  	p3 =	por $0x0, $0x0;
	p4 =	por $0x0, $0x0;
	s10 =	simm.s32 $0x0  }
0x337: {  	s9 =	simm.s32 $0x2;
	s8 =	rddreg [dreg:$0x9];
	s3 =	simm.s32 $0x1DA10;
	v8 =	vld [tilespmem:s4+$0x0];
	(xrf2) =	vadd.scan.msk.f32 $0xffff, v9  }
0x338: {  	v9 =	vld [tilespmem:s3+$0x0];
	p5 =	sne.s32 s0, $0x1  }
.Ltmp64:
0x339: {  	_ = 	snop;
	(pc) =	sbr.rel @!p5 .LBB2_88-.Ltmp64, $3  }
0x33a: {  	_ =	sdelay $0x1  }
0x33b: {  	s31 =	simm.s32 $0x1D810;
	(xrf2) =	vadd.scan.msk.f32 $0xffff, v8  }
0x33c: {  	s0 =	sadd.s32 $0xFFFFFFFF, s0;
	s3 =	simm.s32 $0x1DA20;
	p0 =	por $0x1, $0x1;
	v8 =	vld [tilespmem:s31+$0x0];
	(xrf2) =	vadd.scan.msk.f32 $0xffff, v9  }
0x33d: {  	v9 =	vld [tilespmem:s3+$0x0];
	p5 =	sne.s32 s0, $0x1  }
.Ltmp65:
0x33e: {  	_ = 	snop;
	(pc) =	sbr.rel @!p5 .LBB2_90-.Ltmp65, $3  }
0x33f: {  	_ =	sdelay $0x1  }
0x340: {  	s31 =	simm.s32 $0x1D820;
	(xrf2) =	vadd.scan.msk.f32 $0xffff, v8  }
0x341: {  	s0 =	sadd.s32 $0xFFFFFFFF, s0;
	s3 =	simm.s32 $0x1DA30;
	p1 =	por $0x1, $0x1;
	v10, _, _ =	vpop (xrf2);
	v8 =	vld [tilespmem:s31+$0x0];
	(xrf2) =	vadd.scan.msk.f32 $0xffff, v9  }
0x342: {  	_ =	sdelay $0x1  }
0x343: {  	v11, _, _ =	vpop (xrf2)  }
0x344: {  	(v2sf) =	vpush v11, $0xF  }
0x345: {  	(v2sf) =	vpush v10, $0xF;
	_ =	sdelay $0x8  }
0x346: {  	v9 =	vld [tilespmem:s3+$0x0];
	p5 =	sne.s32 s0, $0x1  }
.Ltmp66:
0x347: {  	_ = 	snop;
	(pc) =	sbr.rel @!p5 .LBB2_92-.Ltmp66, $3  }
0x348: {  	_ =	sdelay $0x1  }
0x349: {  	s31 =	simm.s32 $0x1D830;
	(xrf2) =	vadd.scan.msk.f32 $0xffff, v8  }
0x34a: {  	s0 =	sadd.s32 $0xFFFFFFFF, s0;
	s3 =	simm.s32 $0x1DA40;
	p2 =	por $0x1, $0x1;
	v11, _, _ =	vpop (xrf2);
	v8 =	vld [tilespmem:s31+$0x0];
	(xrf2) =	vadd.scan.msk.f32 $0xffff, v9  }
0x34b: {  	_ =	sdelay $0x1  }
0x34c: {  	v10 =	vld [tilespmem:s3+$0x0];
	v9, _, _ =	vpop (xrf2)  }
0x34d: {  	(v2sf) =	vpush v9, $0xF  }
0x34e: {  	(v2sf) =	vpush v11, $0xF;
	(xrf2) =	vadd.scan.msk.f32 $0xffff, v8;
	_ =	sdelay $0x2  }
0x34f: {  	v9, _, _ =	vpop (xrf2);
	(xrf2) =	vadd.scan.msk.f32 $0xffff, v10  }
0x350: {  	p5 =	sne.s32 s0, $0x1  }
.Ltmp67:
0x351: {  	_ = 	snop;
	(pc) =	sbr.rel @!p5 .LBB2_94-.Ltmp67, $3  }
0x352: {  	_ =	sdelay $0x1  }
0x353: {  	s31 =	simm.s32 $0x1D840  }
0x354: {  	s0 =	sadd.s32 $0xFFFFFFFF, s0;
	s3 =	simm.s32 $0x1DA50;
	p3 =	por $0x1, $0x1;
	v8 =	vld [tilespmem:s31+$0x0]  }
0x355: {  	v10, _, _ =	vpop (xrf2)  }
0x356: {  	(v2sf) =	vpush v10, $0xF  }
0x357: {  	v11 =	vld [tilespmem:s3+$0x0];
	(v2sf) =	vpush v9, $0xF;
	_ =	sdelay $0x3  }
0x358: {  	p5 =	sne.s32 s0, $0x1;
	(xrf2) =	vadd.scan.msk.f32 $0xffff, v8  }
.Ltmp68:
0x359: {  	(xrf2) =	vadd.scan.msk.f32 $0xffff, v11;
	(pc) =	sbr.rel @!p5 .LBB2_96-.Ltmp68, $4  }
0x35a: {  	s3 =	simm.s32 $0x1D850  }
0x35b: {  	v8 =	vld [tilespmem:s3+$0x0]  }
0x35c: {  	s4 =	sadd.s32 $0xFFFFFFFF, s0;
	s31 =	spop (v2sf)  }
0x35d: {  	s5 =	simm.s32 $0x1DA60;
	p4 =	por $0x1, $0x1;
	v10, _, _ =	vpop (xrf2);
	s0 =	sadd.f32 s31, s2  }
.LBB2_97:
0x35e: {  	v11 =	vld [tilespmem:s5+$0x0];
	v12, _, _ =	vpop (xrf2);
	s6 =	spop (v2sf);
	p5 =	sne.s32 s4, $0x1  }
.Ltmp69:
0x35f: {  	(v2sf) =	vpush v12, $0xF;
	s0 =	sadd.f32 s6, s0;
	(pc) =	sbr.rel @p5 .LBB2_97-.Ltmp69, $4  }
0x360: {  	s3 =	sadd.s32 $0x10, s3;
	(xrf2) =	vadd.scan.msk.f32 $0xffff, v8  }
0x361: {  	s4 =	sadd.s32 $0xFFFFFFFF, s4;
	v8 =	vld [tilespmem:s3+$0x0];
	(v2sf) =	vpush v10, $0xF;
	v10, _, _ =	vpop (xrf2)  }
0x362: {  	s6 =	spop (v2sf)  }
0x363: {  	s5 =	sadd.s32 $0x10, s5;
	(xrf2) =	vadd.scan.msk.f32 $0xffff, v11;
	s0 =	sadd.f32 s6, s0  }
0x364: {  	_ = 	snop  }
.LBB2_99:
0x365: {  	v11, _, _ =	vpop @p1 (xrf2)  }
0x366: {  	s3 =	spop @p4 (v2sf);
	(v2sf) =	vpush @p1 v11, $0xF  }
0x367: {  	s0 =	sadd.f32 @p4 s3, s0;
	(xrf2) =	vadd.scan.msk.f32 $0xffff, v8  }
0x368: {  	s3 =	simm.f32 $0.0e+00  }
0x369: {  	s4 =	spop @p3 (v2sf);
	(v2sf) =	vpush @p1 v10, $0xF;
	s3 =	smov.u32 @p4 s0  }
0x36a: {  	v8, _, _ =	vpop @p0 (xrf2);
	s0 =	sadd.f32 @p3 s4, s3  }
0x36b: {  	v10, _, _ =	vpop @p0 (xrf2)  }
0x36c: {  	s3 =	spop @p3 (v2sf);
	s0 =	smov.u32 @p3 s0;
	(v2sf) =	vpush @p0 v10, $0xF  }
0x36d: {  	v8 =	vpsel p0, v8, v9;
	s0 =	sadd.f32 @p3 s3, s0  }
0x36e: {  	s3 =	simm.f32 $0.0e+00  }
0x36f: {  	(v2sf) =	vpush @p0 v8, $0xF;
	s4 =	spop @p2 (v2sf);
	s3 =	smov.u32 @p3 s0  }
0x370: {  	v8, _, _ =	vpop (xrf2);
	s0 =	sadd.f32 @p2 s4, s3  }
0x371: {  	v63, _, _ =	vpop (xrf2)  }
0x372: {  	s3 =	spop @p2 (v2sf);
	s0 =	smov.u32 @p2 s0;
	(v2sf) =	vpush v63, $0xF  }
0x373: {  	s0 =	sadd.f32 @p2 s3, s0  }
0x374: {  	(v2sf) =	vpush v8, $0xF;
	s3 =	simm.f32 $0.0e+00  }
0x375: {  	s3 =	smov.u32 @p2 s0;
	s4 =	spop @p1 (v2sf)  }
0x376: {  	s0 =	sadd.f32 @p1 s4, s3;
	_ =	sdelay $0x1  }
0x377: {  	s3 =	spop @p1 (v2sf);
	s0 =	smov.u32 @p1 s0  }
0x378: {  	s0 =	sadd.f32 @p1 s3, s0  }
0x379: {  	s3 =	simm.f32 $0.0e+00  }
0x37a: {  	s4 =	spop @p0 (v2sf);
	s3 =	smov.u32 @p1 s0  }
0x37b: {  	s0 =	sadd.f32 @p0 s4, s3;
	_ =	sdelay $0x1  }
0x37c: {  	s3 =	spop @p0 (v2sf);
	s0 =	smov.u32 @p0 s0  }
0x37d: {  	s0 =	sadd.f32 @p0 s3, s0;
	_ =	sdelay $0x1  }
.Ltmp70:
0x37e: {  	s30 =	spop (v2sf);
	s2 =	smov.u32 @p0 s0;
	(pc) =	sbr.rel .LBB2_100-.Ltmp70, $3  }
0x37f: {  	s0 =	sadd.f32 s30, s2  }
0x380: {  	s31 =	spop (v2sf)  }
0x381: {  	s2 =	sadd.f32 s31, s0;
	_ =	sdelay $0x1  }
.LBB2_6:
.Ltmp71:
0x382: {  	(pc) =	sbr.rel .LBB2_10-.Ltmp71, $2  }
0x383: {  	_ =	sdelay $0x2  }
0x384: {  	s2 =	simm.s32 $0xA00  }
.LBB2_37:
.Ltmp72:
0x385: {  	(pc) =	sbr.rel .LBB2_46-.Ltmp72, $3  }
0x386: {  	_ =	sdelay $0x1  }
0x387: {  	s7 =	simm.s32 $0x1DE00  }
0x388: {  	s10 =	simm.s32 $0x1E600;
	s8 =	simm.s32 $0x1DA00;
	s9 =	simm.s32 $0x1E400  }
.LBB2_86:
.Ltmp73:
0x389: {  	(pc) =	sbr.rel .LBB2_99-.Ltmp73, $2  }
0x38a: {  	_ =	sdelay $0x2  }
0x38b: {  	_ = 	snop  }
.LBB2_8:
.Ltmp74:
0x38c: {  	(pc) =	sbr.rel .LBB2_10-.Ltmp74, $2  }
0x38d: {  	_ =	sdelay $0x2  }
0x38e: {  	s2 =	simm.s32 $0xA00  }
.LBB2_44:
.Ltmp75:
0x38f: {  	(pc) =	sbr.rel .LBB2_46-.Ltmp75, $3  }
0x390: {  	_ =	sdelay $0x1  }
0x391: {  	s7 =	simm.s32 $0x1DE00  }
0x392: {  	s10 =	simm.s32 $0x1E600;
	s8 =	simm.s32 $0x1DA00;
	s9 =	simm.s32 $0x1E400  }
.LBB2_88:
.Ltmp76:
0x393: {  	(pc) =	sbr.rel .LBB2_99-.Ltmp76, $2  }
0x394: {  	_ =	sdelay $0x2  }
0x395: {  	_ = 	snop  }
.LBB2_90:
.Ltmp77:
0x396: {  	(pc) =	sbr.rel .LBB2_99-.Ltmp77, $2  }
0x397: {  	_ =	sdelay $0x3  }
0x398: {  	_ = 	snop  }
.LBB2_92:
.Ltmp78:
0x399: {  	(pc) =	sbr.rel .LBB2_99-.Ltmp78, $2  }
0x39a: {  	_ =	sdelay $0x2  }
0x39b: {  	v10 =	vmov v11  }
.LBB2_94:
.Ltmp79:
0x39c: {  	(pc) =	sbr.rel .LBB2_99-.Ltmp79, $2  }
0x39d: {  	_ =	sdelay $0x3  }
0x39e: {  	v10 =	vmov v9  }
.LBB2_96:
.Ltmp80:
0x39f: {  	(pc) =	sbr.rel .LBB2_99-.Ltmp80, $1  }
0x3a0: {  	_ =	sdelay $0x3  }
.LBB2_102:
0x3a1: {  	_ =	sfence.sel $0x180000  }
0x3a2: {  	[bflag:$0x0] =	sbarrier.arrive $0xFFFF  }
0x3a3: {  	_ =	strace $0x9000004A  }
0x3a4: {  	s0 =	stileid.u32;
	[bflag:$0x2] =	sbarrier.arrive $0xFFFF  }
0x3a5: {  	p0 =	sne.s32 s0, $0x0;
	s0 =	rddreg [dreg:$0x3]  }
0x3a6: {  	s0 =	sadd.s32 @!p0 $0x100000, s0  }
0x3a7: {  	[sflag:s0] =	ssyncadd.tile.s32 @!p0 $0x1;
	_ =	shalt  }
.Lfunc_end2:
_tile_overlayer_lowered:
.L_overlay_start_2:
0x3a8: {  	(tag) =	ssettag $0x2  }
0x3a9: {  	s0 =	rddreg [dreg:$0x0];
	s2 =	stileid.u32  }
0x3aa: {  	s1 =	rddreg [dreg:$0x1];
	p0 =	sne.s32 s2, $0x0  }
0x3ab: {  	s3 =	rddreg [dreg:$0x2];
	[bflag:$0x3] =	sbarrier.arrive $0xFFFF;
	s2 =	simm.s32 @!p0 $0x1C02  }
0x3ac: {  	[timem:s3], [sflag:s2] =	dma.local @!p0 [hbm:s0], s1  }
0x3ad: {  	s0 =	simm.s32 @!p0 $0x2  }
0x3ae: {  	_ =	swait.ge @!p0 [sflag:s0], s1  }
0x3af: {  	s1 =	ssub.s32 @!p0 $0x0, s1;
	[sflag:s0] =	ssyncset.done @!p0 $0x0  }
0x3b0: {  	[sflag:s0] =	ssyncadd.s32 @!p0 s1  }
0x3b1: {  	[bflag:$0x3] =	sbarrier.arrive $0xFFFF  }
0x3b2: {  	_ =	shalt  }

// kernel: sparse-core-data-format-call.cloned.1.call-start
scs
called_computation_lowered:
.L_overlay_start_0:
0x0: {  	s2 =	sld [smem:$0x3FD9]  }
0x1: {  	s3 =	sld [smem:$0x3FFE];
	_ =	sdelay $0x1  }
0x2: {  	s1 =	srdreg.scid  }
0x3: {  	s0 =	sand.u32 $0x1, s1  }
0x4: {  	s18 =	sshll.u32 s0, $0xA;
	s2 =	sadd.s32 s3, s2  }
0x5: {  	s2 =	sadd.s32 s2, s18  }
0x6: {  	[smem:$0x3FC4] =	sst s2  }
0x7: {  	_ = 	snop  }
0x8: {  	s2 =	sld [smem:$0x3FC9];
	(tm) =	ssettm $0x1  }
0x9: {  	s19 =	sld [smem:$0x3FFB];
	_ =	sdelay $0x3  }
0xa: {  	_ =	strace s19  }
0xb: {  	s3 =	sld [smem:$0x3FFC];
	_ =	sdelay $0x3  }
0xc: {  	_ =	strace s3  }
0xd: {  	s3 =	sld [smem:$0x3FFD];
	_ =	sdelay $0x3  }
0xe: {  	_ =	strace s3  }
0xf: {  	_ =	strace $0x8FFFFFFF  }
0x10: {  	s20 =	sld [smem:$0x3FDB];
	_ =	sdelay $0x1  }
0x11: {  	s4 =	simm.s32 $_scs_section_size  }
0x12: {  	s5 =	simm.s32 $_size__tile_overlayer_lowered;
	s6 =	simm.s32 $_tile_overlayer_lowered  }
0x13: {  	s23 =	simm.s32 $0x1BFF;
	s22 =	sshll.u32 s6, $0x1;
	s3 =	sadd.s32 s4, s20  }
0x14: {  	s7 =	simm.s32 $0x0;
	s21 =	sshll.u32 s5, $0x1;
	s5 =	sadd.s32 s22, s3  }
0x15: {  	[timem:s7], [sflag:s23] =	dma.local [hbm:s5], s21  }
0x16: {  	_ =	swait.ge [sflag:s23], s21  }
0x17: {  	s4 =	ssub.s32 $0x0, s21;
	[sflag:s23] =	ssyncset.done $0x0  }
0x18: {  	[sflag:s23] =	ssyncadd.s32 s4;
	_ =	sdelay $0x1  }
0x19: {  	s24 =	simm.s32 $0x1B8B  }
0x1a: {  	_ =	swait.ge [sflag:s24], $0x1  }
0x1b: {  	[sflag:s24] =	ssyncset.done $0x0  }
0x1c: {  	s26 =	simm.s32 $0x1B8E;
	s25 =	sld [smem:$0x3FFE];
	[sflag:s24] =	ssyncadd.s32 $0xFFFFFFFF  }
0x1d: {  	s27 =	simm.s32 $execute0_lowered;
	[smem:$0x3FD2] =	sst s26  }
0x1e: {  	s5 =	sshll.u32 s27, $0x1;
	_ =	strace $0x80000046;
	[dreg:$0x1] =	wrdreg $0xFFFFFFFF  }
0x1f: {  	s28 =	simm.s32 $_size_execute0_lowered;
	s3 =	sadd.s32 s3, s5;
	[dreg:$0x0] =	wrdreg $0x0  }
0x20: {  	s5 =	sshll.u32 s28, $0x1;
	[dreg:$0x2] =	wrdreg s3  }
0x21: {  	[dreg:$0x3] =	wrdreg s5  }
0x22: {  	[dreg:$0x4] =	wrdreg $0xC0  }
0x23: {  	_ =	task [dreg:s7], $0x5FFFF  }
0x24: {  	[dreg:$0x1] =	wrdreg $0xFFFFFFFF  }
0x25: {  	[dreg:$0x0] =	wrdreg $0x60  }
0x26: {  	[dreg:$0x2] =	wrdreg s2  }
0x27: {  	[dreg:$0x3] =	wrdreg s25  }
0x28: {  	[dreg:$0x4] =	wrdreg $0x9  }
0x29: {  	_ =	task.clear_ibuf [dreg:s7], $0x5FFFF;
	_ =	strace $0x90000046  }
0x2a: {  	s29 =	simm.s32 $0x9;
	_ =	strace $0x80000048  }
0x2b: {  	_ =	swait.ge [sflag:s29], $0x1  }
0x2c: {  	[sflag:s29] =	ssyncadd.s32 $0xFFFFFFFF  }
0x2d: {  	_ =	strace $0x90000048  }
0x2e: {  	_ =	sfence  }
0x2f: {  	s30 =	sld [smem:$0x0];
	_ =	sdelay $0x2  }
0x30: {  	s31 =	sshll.u32 s1, $0xD;
	s1 =	sshrl.u32 s1, $0x2  }
0x31: {  	s3 =	sand.u32 $0x4000, s31;
	s1 =	sadd.s32 s1, s30  }
0x32: {  	s0 =	sor.u32 s3, s0;
	s1 =	sshll.u32 s1, $0x11  }
0x33: {  	s0 =	sor.u32 s1, s0  }
0x34: {  	s0 =	sadd.s32 $0x8F2B, s0  }
0x35: {  	[sflag:s0] =	ssyncadd.remote.s32 $0x1  }
0x36: {  	_ =	sfence.sel $0xFFFF  }
0x37: {  	[dreg:$0x0] =	wrdreg $0xFFFFFFFF;
	(pc) =	sbr.abs _section_cstart, $3  }
0x38: {  	[dreg:$0x1] =	wrdreg $0xFFFFFFFF  }
0x39: {  	_ =	task.clear_ibuf [dreg:s7], $0x2FFFF;
	_ =	strace $0x9FFFFFFF  }
0x3a: {  	(tm) =	ssettm $0x7FFFFFFF  }
0x3b: {  	_ =	shalt  }
tec
execute0_lowered:
.L_overlay_start_1:
0x0: {  	(tag) =	ssettag $0x1  }
0x1: {  	s2 =	rddreg [dreg:$0x0]  }
0x2: {  	s3 =	rddreg [dreg:$0x1]  }
0x3: {  	s0 =	rddreg [dreg:$0x2];
	_ =	strace $0x80000047  }
0x4: {  	s4 =	srdreg.scid;
	s1 =	stileid.u32;
	s6 =	simm.s32 $0x2  }
.Ltmp0:
0x5: {  	s11 =	simm.s32 $0x0;
	p0 =	por $0x0, $0x0;
	(pc) =	sbr.rel .LBB1_1-.Ltmp0, $4  }
0x6: {  	s7 =	simm.s32 $0x2000;
	s12 =	simm.s32 $0x0;
	s5 =	sshll.u32 s4, $0x4  }
0x7: {  	s9 =	simm.s32 $0x0;
	s4 =	simm.s32 $0x1;
	s5 =	sand.u32 $0x10, s5  }
0x8: {  	s8 =	simm.s32 $0x0;
	[sflag:s4] =	ssyncpa.u1 $0x0;
	s5 =	sor.u32 s1, s5  }
0x9: {  	[sflag:s6] =	ssyncpa.u1 $0x0;
	s6 =	simm.s32 $0x800;
	s10 =	smov.u32 s5  }
.LBB1_7:
0xa: {  	s13 =	sadd.s32 $0x10, s9  }
0xb: {  	s11 =	sadd.s32 $0x20, s10;
	s15 =	smov.u32 s10;
	p2 =	sgt.s32 s13, $0x3F  }
0xc: {  	p1 =	slt.u32 s8, $0x2;
	s15 =	smov.u32 @p2 s11  }
0xd: {  	s8 =	sadd.s32 $0x1, s8;
	s13 =	simm.s32 @p2 $0x0;
	p2 =	sgt.s32 s15, $0x1FF  }
0xe: {  	s15 =	smov.u32 @p2 s5;
	p2 =	sne.s32 s8, $0x42  }
.Ltmp1:
0xf: {  	_ = 	snop;
	(pc) =	sbr.rel @!p2 .LBB1_8-.Ltmp1, $4  }
0x10: {  	s14 =	simm.s32 @!p1 $0x2  }
0x11: {  	s12 =	smov.u32 s10;
	_ =	swait.ge @!p1 [sflag:s14], $0x4000  }
0x12: {  	p0 =	por !p0, !p0;
	s11 =	smov.u32 s9;
	[sflag:s14] =	ssyncset.done @!p1 $0x0  }
0x13: {  	s9 =	smov.u32 s13;
	[sflag:s14] =	ssyncadd.s32 @!p1 $0xFFFFC000;
	s10 =	smov.u32 s15  }
.LBB1_1:
0x14: {  	p1 =	sgt.u32 s8, $0x3F  }
0x15: {  	s13 =	sxor.u32 @!p1 $0xFFFFFFFF, s8;
	s14 =	sshll.u32 @!p1 s10, $0xD  }
0x16: {  	s15 =	sshll.u32 @!p1 s9, $0x7;
	s13 =	sshll.u32 @!p1 s13, $0xE;
	s14 =	sadd.s32 @!p1 s2, s14  }
0x17: {  	s13 =	sand.u32 @!p1 $0x4000, s13;
	s14 =	sadd.s32 @!p1 s15, s14;
	s15 =	simm.s32 @!p1 $0x0  }
0x18: {  	[tilespmem:s13], [sflag:$0x1] =	stream.linear.gather @!p1 [hbm4b:s14+s15], $0x4000, $0x38;
	[tilespmem:$0x10000] =	vst v63  }
0x19: {  	p1 =	seq.s32 s8, $0x0  }
0x1a: {  	p2 =	seq.s32 @!p1 s8, $0x41  }
0x1b: {  	p1 =	por p1, p2  }
.Ltmp2:
0x1c: {  	_ = 	snop;
	(pc) =	sbr.rel @p1 .LBB1_7-.Ltmp2, $1  }
0x1d: {  	_ =	sdelay $0x3  }
0x1e: {  	s13 =	simm.s32 $0x1;
	_ =	swait.ge [sflag:s4], $0x4000;
	s16 =	sshll.u32 s8, $0xE  }
0x1f: {  	s13 =	simm.s32 @!p0 $0x0;
	[sflag:s4] =	ssyncset.done $0x0;
	s31 =	sand.u32 $0x4000, s16  }
0x20: {  	s16 =	simm.s32 $0x0;
	s14 =	sshll.u32 s13, $0xE;
	[sflag:s4] =	ssyncadd.s32 $0xFFFFC000  }
0x21: {  	s13 =	sor.u32 $0x8040, s14;
	s15 =	sor.u32 $0x40, s14;
	s14 =	sor.u32 $0x8000, s31  }
.LBB1_3:
0x22: {  	v0 =	vmov s15;
	_ =	sdelay $0x3  }
0x23: {  	s18 =	simm.s32 $0x0  }
0x24: {  	v6 =	vld.idx.msk [tilespmem:v0+s18+$0x30 ss:$0x1], $0xffff  }
0x25: {  	v7 =	vld.idx.msk [tilespmem:v0+s18+$0xFFFFFFC0 ss:$0x1], $0xffff  }
0x26: {  	v5 =	vld.idx.msk [tilespmem:v0+s18+$0xFFFFFFD0 ss:$0x1], $0xffff  }
0x27: {  	v4 =	vld.idx.msk [tilespmem:v0+s18+$0xFFFFFFE0 ss:$0x1], $0xffff  }
0x28: {  	v3 =	vld.idx.msk [tilespmem:v0+s18+$0xFFFFFFF0 ss:$0x1], $0xffff  }
0x29: {  	v1 =	vld.idx.msk [tilespmem:v0+s18+$0x0 ss:$0x1], $0xffff  }
0x2a: {  	v2 =	vld.idx.msk [tilespmem:v0+s18+$0x10 ss:$0x1], $0xffff;
	[tilespmem:s13+$0x30] =	vst v6  }
0x2b: {  	s17 =	simm.s32 $0x80;
	s19 =	simm.s32 $0x400;
	[tilespmem:s13+$0xFFFFFFC0] =	vst v7;
	v6 =	vld.idx.msk [tilespmem:v0+s18+$0x20 ss:$0x1], $0xffff;
	s18 =	smov.u32 s13  }
.LBB1_4:
0x2c: {  	p1 =	sne.s32 s19, $0xE00;
	v7 =	vld.idx.msk [tilespmem:v0+s17+$0x30 ss:$0x1], $0xffff;
	[tilespmem:s18+$0xFFFFFFD0] =	vst v5  }
0x2d: {  	v8 =	vld.idx.msk [tilespmem:v0+s17+$0xFFFFFFC0 ss:$0x1], $0xffff;
	[tilespmem:s18+$0xFFFFFFE0] =	vst v4  }
0x2e: {  	v5 =	vld.idx.msk [tilespmem:v0+s17+$0xFFFFFFD0 ss:$0x1], $0xffff;
	[tilespmem:s18+$0xFFFFFFF0] =	vst v3  }
.Ltmp3:
0x2f: {  	v4 =	vld.idx.msk [tilespmem:v0+s17+$0xFFFFFFE0 ss:$0x1], $0xffff;
	[tilespmem:s18+$0x0] =	vst v1;
	(pc) =	sbr.rel @p1 .LBB1_4-.Ltmp3, $4  }
0x30: {  	v3 =	vld.idx.msk [tilespmem:v0+s17+$0xFFFFFFF0 ss:$0x1], $0xffff;
	[tilespmem:s18+$0x10] =	vst v2  }
0x31: {  	v1 =	vld.idx.msk [tilespmem:v0+s17+$0x0 ss:$0x1], $0xffff;
	[tilespmem:s18+$0x20] =	vst v6;
	s18 =	sadd.s32 $0x800, s18  }
0x32: {  	v2 =	vld.idx.msk [tilespmem:v0+s17+$0x10 ss:$0x1], $0xffff;
	[tilespmem:s18+$0x30] =	vst v7  }
0x33: {  	[tilespmem:s18+$0xFFFFFFC0] =	vst v8;
	v6 =	vld.idx.msk [tilespmem:v0+s17+$0x20 ss:$0x1], $0xffff;
	s17 =	sshra.s32 s19, $0x2;
	s19 =	sadd.s32 $0x200, s19  }
0x34: {  	_ =	sdelay $0x2  }
0x35: {  	[tilespmem:s18+$0xFFFFFFD0] =	vst v5  }
0x36: {  	v56 =	vld.idx.msk [tilespmem:v0+s17+$0x30 ss:$0x1], $0xffff;
	[tilespmem:s18+$0xFFFFFFE0] =	vst v4  }
0x37: {  	v57 =	vld.idx.msk [tilespmem:v0+s17+$0xFFFFFFC0 ss:$0x1], $0xffff;
	[tilespmem:s18+$0xFFFFFFF0] =	vst v3  }
0x38: {  	v58 =	vld.idx.msk [tilespmem:v0+s17+$0xFFFFFFD0 ss:$0x1], $0xffff;
	[tilespmem:s18+$0x0] =	vst v1  }
0x39: {  	v59 =	vld.idx.msk [tilespmem:v0+s17+$0xFFFFFFE0 ss:$0x1], $0xffff;
	[tilespmem:s18+$0x10] =	vst v2  }
0x3a: {  	v60 =	vld.idx.msk [tilespmem:v0+s17+$0xFFFFFFF0 ss:$0x1], $0xffff;
	s31 =	sadd.s32 $0x800, s18;
	[tilespmem:s18+$0x20] =	vst v6  }
0x3b: {  	v61 =	vld.idx.msk [tilespmem:v0+s17+$0x0 ss:$0x1], $0xffff;
	[tilespmem:s31+$0x30] =	vst v56  }
0x3c: {  	v62 =	vld.idx.msk [tilespmem:v0+s17+$0x10 ss:$0x1], $0xffff;
	s16 =	sadd.s32 $0x1, s16;
	[tilespmem:s31+$0xFFFFFFC0] =	vst v57  }
0x3d: {  	v63 =	vld.idx.msk [tilespmem:v0+s17+$0x20 ss:$0x1], $0xffff;
	p1 =	sne.s32 s16, $0x10;
	[tilespmem:s31+$0xFFFFFFD0] =	vst v58  }
.Ltmp4:
0x3e: {  	[tilespmem:s31+$0xFFFFFFE0] =	vst v59;
	(pc) =	sbr.rel @p1 .LBB1_3-.Ltmp4, $4  }
0x3f: {  	[tilespmem:s31+$0xFFFFFFF0] =	vst v60  }
0x40: {  	[tilespmem:s31+$0x0] =	vst v61  }
0x41: {  	[tilespmem:s31+$0x10] =	vst v62  }
0x42: {  	s13 =	sadd.s32 $0x80, s13;
	s15 =	sadd.s32 $0x400, s15;
	[tilespmem:s31+$0x20] =	vst v63  }
.Ltmp5:
0x43: {  	(pc) =	sbr.rel .LBB1_7-.Ltmp5, $4  }
0x44: {  	s12 =	sshll.u32 s12, $0xD;
	s11 =	sshll.u32 s11, $0x4  }
0x45: {  	s11 =	sand.u32 $0x3F0, s11;
	s12 =	sadd.s32 s3, s12  }
0x46: {  	s11 =	sadd.s32 s11, s12  }
0x47: {  	[hbm4b:s11+s6] =	stream.strided.scatter [tilespmem:s14], [sflag:$0x2], $0x4000, s7, s6, $0x38;
	[tilespmem:$0x10000] =	vst v63  }
.LBB1_8:
0x48: {  	_ =	sfence.sel $0x180000  }
0x49: {  	s2 =	simm.s32 $0x1;
	[bflag:$0x0] =	sbarrier.arrive $0xFFFF  }
0x4a: {  	s31 =	simm.s32 $0x2;
	[sflag:s2] =	ssyncpa.u1 $0x1  }
0x4b: {  	[sflag:s31] =	ssyncpa.u1 $0x1  }
0x4c: {  	p0 =	sne.s32 s1, $0x0;
	_ =	strace $0x90000047  }
0x4d: {  	s0 =	sadd.s32 @!p0 $0x100000, s0;
	[bflag:$0x2] =	sbarrier.arrive $0xFFFF  }
0x4e: {  	[sflag:s0] =	ssyncadd.tile.s32 @!p0 $0x1;
	_ =	shalt  }
.Lfunc_end1:
_tile_overlayer_lowered:
.L_overlay_start_2:
0x4f: {  	(tag) =	ssettag $0x2  }
0x50: {  	s0 =	rddreg [dreg:$0x0];
	s2 =	stileid.u32  }
0x51: {  	s1 =	rddreg [dreg:$0x1];
	p0 =	sne.s32 s2, $0x0  }
0x52: {  	s3 =	rddreg [dreg:$0x2];
	[bflag:$0x3] =	sbarrier.arrive $0xFFFF;
	s2 =	simm.s32 @!p0 $0x1C01  }
0x53: {  	[timem:s3], [sflag:s2] =	dma.local @!p0 [hbm:s0], s1  }
0x54: {  	s0 =	simm.s32 @!p0 $0x1  }
0x55: {  	_ =	swait.ge @!p0 [sflag:s0], s1  }
0x56: {  	s1 =	ssub.s32 @!p0 $0x0, s1;
	[sflag:s0] =	ssyncset.done @!p0 $0x0  }
0x57: {  	[sflag:s0] =	ssyncadd.s32 @!p0 s1  }
0x58: {  	[bflag:$0x3] =	sbarrier.arrive $0xFFFF  }
0x59: {  	_ =	shalt  }

</sc_bundles>
